<compile_context>
chip_gen: v7x
topology: tpu7x:2x2x1
jax: 0.10.2.dev20260603
libtpu: 0.0.44.dev20260713+nightly
codegen_flags: <defaults>
</compile_context>

<pallas_src>
import functools

import jax
import jax.numpy as jnp
from jax import lax
from jax.experimental import pallas as pl
from jax.experimental.pallas import tpu as pltpu
from jax.experimental.pallas import tpu_sc as plsc

NUM_NODES = 100000
D_FEAT = 128
EMB = 64
DEG = 16
B = 16384

NC = 2
NS = 16
NW = NC * NS

_PW = EMB // 2
_N4 = NUM_NODES // 4
_PROJ_R4 = 5000
_NBLK = _N4 // _PROJ_R4



def _pack_bf16(p):
    u = jax.lax.bitcast_convert_type(p, jnp.uint32)
    rnd = (u + 0x7FFF + ((u >> 16) & 1)) >> 16
    word = rnd[:, :_PW] | (rnd[:, _PW:] << 16)
    return jax.lax.bitcast_convert_type(word, jnp.int32)


def _proj_body(fw0_ref, fw1_ref, fw2_ref, fw3_ref, w_ref, b_ref, out_ref):
    w = w_ref[...]
    b = b_ref[...]
    packs = []
    for fw_ref in (fw0_ref, fw1_ref, fw2_ref, fw3_ref):
        p = jnp.dot(fw_ref[...], w, preferred_element_type=jnp.float32) + b
        packs.append(_pack_bf16(p))
    out_ref[...] = jnp.concatenate(packs, axis=1)


def _project_table(feature_weight, W_l0, b_row):
    fw_specs = [
        pl.BlockSpec((_PROJ_R4, D_FEAT),
                     (lambda j: (lambda i, _j=j: (i + _NBLK * _j, 0)))(j))
        for j in range(4)
    ]
    return pl.pallas_call(
        _proj_body,
        grid=(_NBLK,),
        in_specs=fw_specs + [
            pl.BlockSpec((D_FEAT, EMB), lambda i: (0, 0)),
            pl.BlockSpec((1, EMB), lambda i: (0, 0)),
        ],
        out_specs=pl.BlockSpec((_PROJ_R4, 4 * _PW), lambda i: (i, 0)),
        out_shape=jax.ShapeDtypeStruct((_N4, 4 * _PW), jnp.int32),
    )(feature_weight, feature_weight, feature_weight, feature_weight,
      W_l0, b_row)


_BPW = B // NW
_CH = 128
_FPW = (B * DEG) // NW
_NCHUNKS = _FPW // _CH


@functools.cache
def _sc_kernels():
    mesh = plsc.VectorSubcoreMesh(core_axis_name="c", subcore_axis_name="s")
    params = pltpu.CompilerParams(
        use_tc_tiling_on_sc=False, needs_layout_passes=False
    )

    @functools.partial(
        pl.kernel,
        out_type=(
            jax.ShapeDtypeStruct((B, _PW), jnp.int32),
            jax.ShapeDtypeStruct((DEG, B, _PW), jnp.int32),
        ),
        mesh=mesh,
        compiler_params=params,
        scratch_types=[
            pltpu.VMEM((_BPW,), jnp.int32),
            pltpu.VMEM((_BPW,), jnp.int32),
            pltpu.VMEM((_BPW, DEG), jnp.int32),
            pltpu.VMEM((_FPW,), jnp.int32),
            pltpu.VMEM((_CH, _PW), jnp.int32),
            pltpu.VMEM((_CH, _PW), jnp.int32),
            pltpu.SemaphoreType.DMA,
            pltpu.SemaphoreType.DMA,
            pltpu.SemaphoreType.DMA,
        ],
    )
    def fused_gather(nodes_hbm, neighs_hbm, proj_hbm, nf_hbm, gf_hbm,
                     idx_v, idx_q, nidx_v, nidx_t, rows0, rows1,
                     semi, sem0, sem1):
        wid = lax.axis_index("s") * NC + lax.axis_index("c")
        base = wid * _BPW

        def to_row(v):
            j = ((v >= _N4).astype(jnp.int32)
                 + (v >= 2 * _N4).astype(jnp.int32)
                 + (v >= 3 * _N4).astype(jnp.int32))
            return (v - j * _N4) * 4 + j

        pltpu.sync_copy(nodes_hbm.at[pl.ds(base, _BPW)], idx_v)

        def qbody(i, _):
            v = idx_v[pl.ds(16 * i, 16)]
            idx_q[pl.ds(16 * i, 16)] = to_row(v)
            return 0

        lax.fori_loop(0, _BPW // 16, qbody, 0)
        for c in range(_BPW // _CH):
            pltpu.async_copy(
                neighs_hbm.at[idx_v.at[pl.ds(c * _CH, _CH)]],
                nidx_v.at[pl.ds(c * _CH, _CH)],
                semi,
            )
        for c in range(_BPW // _CH):
            pltpu.make_async_copy(
                neighs_hbm.at[idx_v.at[pl.ds(c * _CH, _CH)]],
                nidx_v.at[pl.ds(c * _CH, _CH)],
                semi,
            ).wait()
        lanes = lax.iota(jnp.int32, 16)

        def tbody(j, _):
            rows = 16 * j + lanes
            for k in range(DEG):
                v = plsc.load_gather(
                    nidx_v, [rows, jnp.full((16,), k, jnp.int32)]
                )
                nidx_t[pl.ds(k * _BPW + 16 * j, 16)] = to_row(v)
            return 0

        lax.fori_loop(0, _BPW // 16, tbody, 0)

        def issue(idx_ref, ioff, buf, sem):
            pltpu.async_copy(
                proj_hbm.at[idx_ref.at[pl.ds(ioff, _CH)]], buf, sem
            )

        def drain(idx_ref, ioff, buf, sem):
            pltpu.make_async_copy(
                proj_hbm.at[idx_ref.at[pl.ds(ioff, _CH)]], buf, sem
            ).wait()

        def gf_dst(c):
            kd = c // (_BPW // _CH)
            boff = base + (c % (_BPW // _CH)) * _CH
            return gf_hbm.at[kd, pl.ds(boff, _CH)]

        bufs = (rows0, rows1)
        sems = (sem0, sem1)
        ncn = _BPW // _CH

        issue(idx_q, 0, bufs[0], sems[0])
        issue(idx_q, _CH, bufs[1], sems[1])
        for c in range(2, ncn):
            p = c % 2
            drain(idx_q, (c - 2) * _CH, bufs[p], sems[p])
            pltpu.sync_copy(bufs[p], nf_hbm.at[pl.ds(base + (c - 2) * _CH, _CH)])
            issue(idx_q, c * _CH, bufs[p], sems[p])
        for c in range(ncn - 2, ncn):
            p = c % 2
            drain(idx_q, c * _CH, bufs[p], sems[p])
            pltpu.sync_copy(bufs[p], nf_hbm.at[pl.ds(base + c * _CH, _CH)])
            issue(nidx_t, (c - ncn + 2) * _CH, bufs[p], sems[p])

        def body(i, _):
            c0 = 2 * i
            drain(nidx_t, c0 * _CH, rows0, sem0)
            pltpu.sync_copy(rows0, gf_dst(c0))

            @pl.when(c0 + 2 < _NCHUNKS)
            def _():
                issue(nidx_t, (c0 + 2) * _CH, rows0, sem0)

            drain(nidx_t, (c0 + 1) * _CH, rows1, sem1)
            pltpu.sync_copy(rows1, gf_dst(c0 + 1))

            @pl.when(c0 + 3 < _NCHUNKS)
            def _():
                issue(nidx_t, (c0 + 3) * _CH, rows1, sem1)

            return 0

        lax.fori_loop(0, _NCHUNKS // 2, body, 0)

    return fused_gather


_B4 = B // 4
_TBR = 1024


def _unpack4(w):
    lo = jax.lax.bitcast_convert_type(w << 16, jnp.float32)
    hi = jax.lax.bitcast_convert_type(w & jnp.int32(-65536), jnp.float32)
    return jnp.concatenate([lo, hi], axis=1), lo, hi


def _att_body(nf_ref, gf_ref, w1n4_ref, w1s4_ref, b1r_ref, w24_ref,
              sel_ref, rep_ref, b2_ref, lo_ref, hi_ref, e_mem):
    nlane, _, _ = _unpack4(nf_ref[...])
    s4 = (
        jnp.dot(nlane.astype(jnp.bfloat16), w1s4_ref[...],
                preferred_element_type=jnp.float32)
        + b1r_ref[...]
    )
    w1n4 = w1n4_ref[...]
    w24 = w24_ref[...]
    b2 = b2_ref[0, 0]
    for k in range(DEG):
        glane, _, _ = _unpack4(gf_ref[k])
        h = jnp.maximum(
            jnp.dot(glane.astype(jnp.bfloat16), w1n4,
                    preferred_element_type=jnp.float32) + s4,
            0.0,
        )
        l4 = jnp.dot(h, w24, preferred_element_type=jnp.float32) + b2
        e_mem[:, 4 * k:4 * (k + 1)] = jnp.exp(l4)
    e_all = e_mem[...]
    denom = jnp.dot(e_all, sel_ref[...],
                    preferred_element_type=jnp.float32)
    inv = 1.0 / denom
    rep = rep_ref[...]
    acc_lo = None
    acc_hi = None
    for k in range(DEG):
        aw = e_all[:, 4 * k:4 * (k + 1)] * inv
        awb = jnp.dot(aw, rep, preferred_element_type=jnp.float32)
        g = gf_ref[k]
        lo = jax.lax.bitcast_convert_type(g << 16, jnp.float32)
        hi = jax.lax.bitcast_convert_type(g & jnp.int32(-65536), jnp.float32)
        if acc_lo is None:
            acc_lo = awb * lo
            acc_hi = awb * hi
        else:
            acc_lo = acc_lo + awb * lo
            acc_hi = acc_hi + awb * hi
    lo_ref[...] = acc_lo
    hi_ref[...] = acc_hi


def _attention(nf4, gf4, w1n4, w1s4, b1r, w24, sel, rep, b2_sq):
    return pl.pallas_call(
        _att_body,
        grid=(_B4 // _TBR,),
        in_specs=[
            pl.BlockSpec((_TBR, 128), lambda i: (i, 0)),
            pl.BlockSpec((DEG, _TBR, 128), lambda i: (0, i, 0)),
            pl.BlockSpec((256, 256), lambda i: (0, 0)),
            pl.BlockSpec((256, 256), lambda i: (0, 0)),
            pl.BlockSpec((1, 256), lambda i: (0, 0)),
            pl.BlockSpec((256, 4), lambda i: (0, 0)),
            pl.BlockSpec((EMB, 4), lambda i: (0, 0)),
            pl.BlockSpec((4, 128), lambda i: (0, 0)),
            pl.BlockSpec((1, 1), lambda i: (0, 0)),
        ],
        out_specs=[
            pl.BlockSpec((_TBR, 128), lambda i: (i, 0)),
            pl.BlockSpec((_TBR, 128), lambda i: (i, 0)),
        ],
        out_shape=[
            jax.ShapeDtypeStruct((_B4, 128), jnp.float32),
            jax.ShapeDtypeStruct((_B4, 128), jnp.float32),
        ],
        scratch_shapes=[pltpu.VMEM((_TBR, EMB), jnp.float32)],
    )(nf4, gf4, w1n4, w1s4, b1r, w24, sel, rep, b2_sq)


def kernel(nodes, neighs, feature_weight, W_l0, b_l0, att_W1, att_b1,
           att_W2, att_b2):
    fused_gather = _sc_kernels()
    proj4 = _project_table(feature_weight, W_l0, b_l0.reshape(1, EMB))
    proj = proj4.reshape(NUM_NODES, _PW)
    nf, gf = fused_gather(nodes, neighs, proj)
    nf4 = nf.reshape(_B4, 128)
    gf4 = gf.reshape(DEG, _B4, 128)
    eye4 = jnp.eye(4, dtype=jnp.float32)
    w1n = att_W1[:EMB]
    w1s = att_W1[EMB:]
    w1n4 = jnp.concatenate(
        [jnp.kron(eye4, w1n[:_PW]), jnp.kron(eye4, w1n[_PW:])], axis=0
    ).astype(jnp.bfloat16)
    w1s4 = jnp.concatenate(
        [jnp.kron(eye4, w1s[:_PW]), jnp.kron(eye4, w1s[_PW:])], axis=0
    ).astype(jnp.bfloat16)
    b1r = jnp.tile(att_b1.reshape(1, EMB), (1, 4))
    w24 = jnp.kron(eye4, att_W2)
    sel = jnp.kron(jnp.ones((DEG, 1), jnp.float32), eye4)
    rep = jnp.kron(eye4, jnp.ones((1, 32), jnp.float32))
    lo, hi = _attention(nf4, gf4, w1n4, w1s4, b1r, w24, sel, rep,
                        att_b2.reshape(1, 1))
    return jnp.concatenate(
        [lo.reshape(B, _PW), hi.reshape(B, _PW)], axis=1
    )

# --- scband reference (transcript-rebuilt; emitter-appended) ---
"""Pipeline reference for scband-multi-graph-14345190769255 (READ-ONLY COPY).

The authoritative reference and input builder live on the scoring server;
editing this copy changes nothing except your own understanding.
"""

import jax, jax.numpy as jnp
import numpy as np

NUM_NODES = 100000
D_FEAT = 128
EMBED_DIM = 64
DEG = 16
BATCH = 16384


def setup_inputs(seed: int = 0):
    key = jax.random.key(seed)
    ks = jax.random.split(key, 8)
    nodes = jax.random.randint(ks[0], (BATCH,), 0, NUM_NODES, dtype=jnp.int32)
    # adjacency: fixed-degree neighbor table standing in for the `neighs` dict
    neighs = jax.random.randint(ks[1], (NUM_NODES, DEG), 0, NUM_NODES, dtype=jnp.int32)
    # nn.Embedding weight (self.feature.weight)
    feature_weight = 0.02 * jax.random.normal(ks[2], (NUM_NODES, D_FEAT), dtype=jnp.float32)
    # L0Dense (treated as dense projection in eval mode: gates fully open, no dropout)
    W_l0 = jax.random.normal(ks[3], (D_FEAT, EMBED_DIM), dtype=jnp.float32) * (1.0 / np.sqrt(D_FEAT))
    b_l0 = jnp.zeros((EMBED_DIM,), dtype=jnp.float32)
    # attention MLP: cat(neigh_feat, node_feat) -> relu -> scalar logit -> softmax over neighbors
    att_W1 = jax.random.normal(ks[4], (2 * EMBED_DIM, EMBED_DIM), dtype=jnp.float32) * (1.0 / np.sqrt(2 * EMBED_DIM))
    att_b1 = jnp.zeros((EMBED_DIM,), dtype=jnp.float32)
    att_W2 = jax.random.normal(ks[5], (EMBED_DIM, 1), dtype=jnp.float32) * (1.0 / np.sqrt(EMBED_DIM))
    att_b2 = jnp.zeros((1,), dtype=jnp.float32)
    return {"nodes": nodes, "neighs": neighs, "feature_weight": feature_weight,
            "W_l0": W_l0, "b_l0": b_l0, "att_W1": att_W1, "att_b1": att_b1,
            "att_W2": att_W2, "att_b2": att_b2}


def reference(nodes, neighs, feature_weight, W_l0, b_l0, att_W1, att_b1, att_W2, att_b2):
    # node_feature = self.layer(self.feature.weight[index])
    node_raw = jnp.take(feature_weight, nodes, axis=0)              # [B, d_feat]
    node_feat = node_raw @ W_l0 + b_l0                               # [B, embed]
    # neighs_feature = self.layer(self.feature.weight[neighs]) for each node, vectorized
    neigh_idx = jnp.take(neighs, nodes, axis=0)                      # [B, deg]
    neigh_raw = jnp.take(feature_weight, neigh_idx, axis=0)          # [B, deg, d_feat]
    neigh_feat = neigh_raw @ W_l0 + b_l0                             # [B, deg, embed]
    # att_w = self.att(neighs_feature, node_feature, n)
    node_rep = jnp.broadcast_to(node_feat[:, None, :], neigh_feat.shape)
    cat = jnp.concatenate([neigh_feat, node_rep], axis=-1)          # [B, deg, 2*embed]
    h = jax.nn.relu(cat @ att_W1 + att_b1)                           # [B, deg, embed]
    logits = (h @ att_W2 + att_b2)[..., 0]                           # [B, deg]
    att_w = jax.nn.softmax(logits, axis=-1)                          # [B, deg]
    # embedding = neighs_feature.T @ att_w ; then embed_matrix[nodes]
    out = jnp.einsum('bnd,bn->bd', neigh_feat, att_w)                # [B, embed]
    return out

if __name__ == "__main__":
    import jax
    _d = setup_inputs()
    print(jax.jit(kernel)(*tuple(_d.values())))

</pallas_src>

<mosaic_0001>
#map = affine_map<(d0, d1) -> (0)>
#map1 = affine_map<(d0, d1) -> (0, 0)>
#map2 = affine_map<(d0, d1) -> (0, 0, 0)>
module attributes {stable_mosaic.version = 14 : i64} {
  func.func @fused_gather(%arg0: i32, %arg1: i32, %arg2: memref<16384xi32, #tpu.memory_space<hbm>>, %arg3: memref<100000x16xi32, #tpu.memory_space<hbm>>, %arg4: memref<100000x32xi32, #tpu.memory_space<hbm>>, %arg5: memref<16384x32xi32, #tpu.memory_space<hbm>>, %arg6: memref<16x16384x32xi32, #tpu.memory_space<hbm>>, %arg7: memref<512xi32, #tpu.memory_space<vmem>>, %arg8: memref<512xi32, #tpu.memory_space<vmem>>, %arg9: memref<512x16xi32, #tpu.memory_space<vmem>>, %arg10: memref<8192xi32, #tpu.memory_space<vmem>>, %arg11: memref<128x32xi32, #tpu.memory_space<vmem>>, %arg12: memref<128x32xi32, #tpu.memory_space<vmem>>, %arg13: memref<!tpu.dma_semaphore, #tpu.memory_space<semaphore_mem>>, %arg14: memref<!tpu.dma_semaphore, #tpu.memory_space<semaphore_mem>>, %arg15: memref<!tpu.dma_semaphore, #tpu.memory_space<semaphore_mem>>) attributes {dimension_semantics = [#tpu.dimension_semantics<core_parallel>, #tpu.dimension_semantics<subcore_parallel>], iteration_bounds = array<i64: 2, 16>, scalar_prefetch = 0 : i64, scratch_operands = 9 : i64, tpu.core_type = #tpu.core_type<sc_vector_subcore>, window_params = [{transform_indices = #map}, {transform_indices = #map1}, {transform_indices = #map1}, {transform_indices = #map1}, {transform_indices = #map2}]} {
    %mul3A = arith.constant 2 : i32
    %mul3A_0 = arith.muli %arg1, %mul3A : i32
    %add3A = arith.addi %mul3A_0, %arg0 : i32
    %mul3A_1 = arith.constant 512 : i32
    %mul3A_2 = arith.muli %add3A, %mul3A_1 : i32
    "tpu.region"() ({
      %run_scoped3A = tpu.sem_alloc : memref<!tpu.dma_semaphore, #tpu.memory_space<semaphore_mem>>
      %dma_start3A_143 = tpu.memref_slice %arg2[%mul3A_2] : memref<16384xi32, #tpu.memory_space<hbm>> -> memref<512xi32, #tpu.memory_space<hbm>>
      %dma_start3A_144 = tpu.memref_slice %arg2[%mul3A_2] : memref<16384xi32, #tpu.memory_space<hbm>> -> memref<512xi32, #tpu.memory_space<hbm>>
      tpu.enqueue_dma source(%dma_start3A_144 : memref<512xi32, #tpu.memory_space<hbm>>) target(%arg7 : memref<512xi32, #tpu.memory_space<vmem>>) target_semaphore(%run_scoped3A : memref<!tpu.dma_semaphore, #tpu.memory_space<semaphore_mem>>)
      %dma_wait3A_145 = tpu.memref_slice %arg2[%mul3A_2] : memref<16384xi32, #tpu.memory_space<hbm>> -> memref<512xi32, #tpu.memory_space<hbm>>
      %dma_wait3A_146 = tpu.memref_slice %arg2[%mul3A_2] : memref<16384xi32, #tpu.memory_space<hbm>> -> memref<512xi32, #tpu.memory_space<hbm>>
      tpu.wait_dma2 semaphore(%run_scoped3A : memref<!tpu.dma_semaphore, #tpu.memory_space<semaphore_mem>>) src(%dma_wait3A_146 : memref<512xi32, #tpu.memory_space<hbm>>) dst(%arg7 : memref<512xi32, #tpu.memory_space<vmem>>)
      tpu.yield
    }) : () -> ()
    %scan3A = arith.constant 0 : i32
    %scan3A_3 = arith.constant 0 : i32
    %scan3A_4 = arith.constant 32 : i32
    %scan3A_5 = arith.addi %scan3A_3, %scan3A_4 : i32
    %scan3A_6 = arith.constant 1 : i32
    %scan3A_7 = scf.for %scan3A_143 = %scan3A_3 to %scan3A_5 step %scan3A_6 iter_args(%scan3A_144 = %scan3A) -> (i32)  : i32 {
      %mul3A_145 = arith.constant 16 : i32
      %mul3A_146 = arith.muli %mul3A_145, %scan3A_143 : i32
      %get3A = arith.index_cast %mul3A_146 : i32 to index
      %get3A_147 = tpu.vector_load %arg7[%get3A] {strides = array<i32>} : memref<512xi32, #tpu.memory_space<vmem>>, vector<16xi32>,
      %ge3A = arith.constant 25000 : i32
      %ge3A_148 = vector.broadcast %ge3A : i32 to vector<16xi32>
      %ge3A_149 = arith.cmpi sge, %get3A_147, %ge3A_148 : vector<16xi32>
      %convert_element_type3A = arith.extui %ge3A_149 : vector<16xi1> to vector<16xi32>
      %ge3A_150 = arith.constant 50000 : i32
      %ge3A_151 = vector.broadcast %ge3A_150 : i32 to vector<16xi32>
      %ge3A_152 = arith.cmpi sge, %get3A_147, %ge3A_151 : vector<16xi32>
      %convert_element_type3A_153 = arith.extui %ge3A_152 : vector<16xi1> to vector<16xi32>
      %add3A_154 = arith.addi %convert_element_type3A, %convert_element_type3A_153 : vector<16xi32>
      %ge3A_155 = arith.constant 75000 : i32
      %ge3A_156 = vector.broadcast %ge3A_155 : i32 to vector<16xi32>
      %ge3A_157 = arith.cmpi sge, %get3A_147, %ge3A_156 : vector<16xi32>
      %convert_element_type3A_158 = arith.extui %ge3A_157 : vector<16xi1> to vector<16xi32>
      %add3A_159 = arith.addi %add3A_154, %convert_element_type3A_158 : vector<16xi32>
      %mul3A_160 = arith.constant 25000 : i32
      %mul3A_161 = vector.broadcast %mul3A_160 : i32 to vector<16xi32>
      %mul3A_162 = arith.muli %add3A_159, %mul3A_161 : vector<16xi32>
      %sub3A = arith.subi %get3A_147, %mul3A_162 : vector<16xi32>
      %mul3A_163 = arith.constant 4 : i32
      %mul3A_164 = vector.broadcast %mul3A_163 : i32 to vector<16xi32>
      %mul3A_165 = arith.muli %sub3A, %mul3A_164 : vector<16xi32>
      %add3A_166 = arith.addi %mul3A_165, %add3A_159 : vector<16xi32>
      %mul3A_167 = arith.constant 16 : i32
      %mul3A_168 = arith.muli %mul3A_167, %scan3A_143 : i32
      %swap3A = arith.index_cast %mul3A_168 : i32 to index
      %swap3A_169 = tpu.vector_load %arg8[%swap3A] {strides = array<i32>} : memref<512xi32, #tpu.memory_space<vmem>>, vector<16xi32>,
      tpu.vector_store %arg8[%swap3A], %add3A_166 {strides = array<i32>} : memref<512xi32, #tpu.memory_space<vmem>>, vector<16xi32>,
      %scan3A_170 = arith.constant 0 : i32
      scf.yield %scan3A_170 : i32
    }
    %scan3A_8 = arith.constant 32 : i32
    %dma_start3A = arith.constant 0 : i32
    %dma_start3A_9 = arith.constant 0 : i32
    %dma_start3A_10 = tpu.memref_slice %arg9[%dma_start3A, %dma_start3A_9] : memref<512x16xi32, #tpu.memory_space<vmem>> -> memref<128x16xi32, #tpu.memory_space<vmem>>
    %dma_start3A_11 = arith.constant 0 : i32
    %dma_start3A_12 = tpu.memref_slice %arg7[%dma_start3A_11] : memref<512xi32, #tpu.memory_space<vmem>> -> memref<128xi32, #tpu.memory_space<vmem>>
    %dma_start3A_13 = arith.constant 0 : i32
    %dma_start3A_14 = arith.constant 0 : i32
    %dma_start3A_15 = tpu.memref_slice %arg3[%dma_start3A_13, %dma_start3A_14] : memref<100000x16xi32, #tpu.memory_space<hbm>> -> memref<100000x16xi32, #tpu.memory_space<hbm>>
    tpu.enqueue_indirect_dma source(%dma_start3A_15 : memref<100000x16xi32, #tpu.memory_space<hbm>>) target(%dma_start3A_10 : memref<128x16xi32, #tpu.memory_space<vmem>>) offsets(%dma_start3A_12 : memref<128xi32, #tpu.memory_space<vmem>>) semaphore(%arg13 : memref<!tpu.dma_semaphore, #tpu.memory_space<semaphore_mem>>)
    %dma_start3A_16 = arith.constant 128 : i32
    %dma_start3A_17 = arith.constant 0 : i32
    %dma_start3A_18 = tpu.memref_slice %arg9[%dma_start3A_16, %dma_start3A_17] : memref<512x16xi32, #tpu.memory_space<vmem>> -> memref<128x16xi32, #tpu.memory_space<vmem>>
    %dma_start3A_19 = arith.constant 128 : i32
    %dma_start3A_20 = tpu.memref_slice %arg7[%dma_start3A_19] : memref<512xi32, #tpu.memory_space<vmem>> -> memref<128xi32, #tpu.memory_space<vmem>>
    %dma_start3A_21 = arith.constant 0 : i32
    %dma_start3A_22 = arith.constant 0 : i32
    %dma_start3A_23 = tpu.memref_slice %arg3[%dma_start3A_21, %dma_start3A_22] : memref<100000x16xi32, #tpu.memory_space<hbm>> -> memref<100000x16xi32, #tpu.memory_space<hbm>>
    tpu.enqueue_indirect_dma source(%dma_start3A_23 : memref<100000x16xi32, #tpu.memory_space<hbm>>) target(%dma_start3A_18 : memref<128x16xi32, #tpu.memory_space<vmem>>) offsets(%dma_start3A_20 : memref<128xi32, #tpu.memory_space<vmem>>) semaphore(%arg13 : memref<!tpu.dma_semaphore, #tpu.memory_space<semaphore_mem>>)
    %dma_start3A_24 = arith.constant 256 : i32
    %dma_start3A_25 = arith.constant 0 : i32
    %dma_start3A_26 = tpu.memref_slice %arg9[%dma_start3A_24, %dma_start3A_25] : memref<512x16xi32, #tpu.memory_space<vmem>> -> memref<128x16xi32, #tpu.memory_space<vmem>>
    %dma_start3A_27 = arith.constant 256 : i32
    %dma_start3A_28 = tpu.memref_slice %arg7[%dma_start3A_27] : memref<512xi32, #tpu.memory_space<vmem>> -> memref<128xi32, #tpu.memory_space<vmem>>
    %dma_start3A_29 = arith.constant 0 : i32
    %dma_start3A_30 = arith.constant 0 : i32
    %dma_start3A_31 = tpu.memref_slice %arg3[%dma_start3A_29, %dma_start3A_30] : memref<100000x16xi32, #tpu.memory_space<hbm>> -> memref<100000x16xi32, #tpu.memory_space<hbm>>
    tpu.enqueue_indirect_dma source(%dma_start3A_31 : memref<100000x16xi32, #tpu.memory_space<hbm>>) target(%dma_start3A_26 : memref<128x16xi32, #tpu.memory_space<vmem>>) offsets(%dma_start3A_28 : memref<128xi32, #tpu.memory_space<vmem>>) semaphore(%arg13 : memref<!tpu.dma_semaphore, #tpu.memory_space<semaphore_mem>>)
    %dma_start3A_32 = arith.constant 384 : i32
    %dma_start3A_33 = arith.constant 0 : i32
    %dma_start3A_34 = tpu.memref_slice %arg9[%dma_start3A_32, %dma_start3A_33] : memref<512x16xi32, #tpu.memory_space<vmem>> -> memref<128x16xi32, #tpu.memory_space<vmem>>
    %dma_start3A_35 = arith.constant 384 : i32
    %dma_start3A_36 = tpu.memref_slice %arg7[%dma_start3A_35] : memref<512xi32, #tpu.memory_space<vmem>> -> memref<128xi32, #tpu.memory_space<vmem>>
    %dma_start3A_37 = arith.constant 0 : i32
    %dma_start3A_38 = arith.constant 0 : i32
    %dma_start3A_39 = tpu.memref_slice %arg3[%dma_start3A_37, %dma_start3A_38] : memref<100000x16xi32, #tpu.memory_space<hbm>> -> memref<100000x16xi32, #tpu.memory_space<hbm>>
    tpu.enqueue_indirect_dma source(%dma_start3A_39 : memref<100000x16xi32, #tpu.memory_space<hbm>>) target(%dma_start3A_34 : memref<128x16xi32, #tpu.memory_space<vmem>>) offsets(%dma_start3A_36 : memref<128xi32, #tpu.memory_space<vmem>>) semaphore(%arg13 : memref<!tpu.dma_semaphore, #tpu.memory_space<semaphore_mem>>)
    %dma_wait3A = arith.constant 0 : i32
    %dma_wait3A_40 = arith.constant 0 : i32
    %dma_wait3A_41 = tpu.memref_slice %arg9[%dma_wait3A, %dma_wait3A_40] : memref<512x16xi32, #tpu.memory_space<vmem>> -> memref<128x16xi32, #tpu.memory_space<vmem>>
    %dma_wait3A_42 = arith.constant 0 : i32
    %dma_wait3A_43 = tpu.memref_slice %arg7[%dma_wait3A_42] : memref<512xi32, #tpu.memory_space<vmem>> -> memref<128xi32, #tpu.memory_space<vmem>>
    %dma_wait3A_44 = arith.constant 0 : i32
    %dma_wait3A_45 = arith.constant 0 : i32
    %dma_wait3A_46 = tpu.memref_slice %arg3[%dma_wait3A_44, %dma_wait3A_45] : memref<100000x16xi32, #tpu.memory_space<hbm>> -> memref<100000x16xi32, #tpu.memory_space<hbm>>
    tpu.wait_indirect_dma semaphore(%arg13 : memref<!tpu.dma_semaphore, #tpu.memory_space<semaphore_mem>>) src(%dma_wait3A_46 : memref<100000x16xi32, #tpu.memory_space<hbm>>) dst(%dma_wait3A_41 : memref<128x16xi32, #tpu.memory_space<vmem>>)
    %dma_wait3A_47 = arith.constant 128 : i32
    %dma_wait3A_48 = arith.constant 0 : i32
    %dma_wait3A_49 = tpu.memref_slice %arg9[%dma_wait3A_47, %dma_wait3A_48] : memref<512x16xi32, #tpu.memory_space<vmem>> -> memref<128x16xi32, #tpu.memory_space<vmem>>
    %dma_wait3A_50 = arith.constant 128 : i32
    %dma_wait3A_51 = tpu.memref_slice %arg7[%dma_wait3A_50] : memref<512xi32, #tpu.memory_space<vmem>> -> memref<128xi32, #tpu.memory_space<vmem>>
    %dma_wait3A_52 = arith.constant 0 : i32
    %dma_wait3A_53 = arith.constant 0 : i32
    %dma_wait3A_54 = tpu.memref_slice %arg3[%dma_wait3A_52, %dma_wait3A_53] : memref<100000x16xi32, #tpu.memory_space<hbm>> -> memref<100000x16xi32, #tpu.memory_space<hbm>>
    tpu.wait_indirect_dma semaphore(%arg13 : memref<!tpu.dma_semaphore, #tpu.memory_space<semaphore_mem>>) src(%dma_wait3A_54 : memref<100000x16xi32, #tpu.memory_space<hbm>>) dst(%dma_wait3A_49 : memref<128x16xi32, #tpu.memory_space<vmem>>)
    %dma_wait3A_55 = arith.constant 256 : i32
    %dma_wait3A_56 = arith.constant 0 : i32
    %dma_wait3A_57 = tpu.memref_slice %arg9[%dma_wait3A_55, %dma_wait3A_56] : memref<512x16xi32, #tpu.memory_space<vmem>> -> memref<128x16xi32, #tpu.memory_space<vmem>>
    %dma_wait3A_58 = arith.constant 256 : i32
    %dma_wait3A_59 = tpu.memref_slice %arg7[%dma_wait3A_58] : memref<512xi32, #tpu.memory_space<vmem>> -> memref<128xi32, #tpu.memory_space<vmem>>
    %dma_wait3A_60 = arith.constant 0 : i32
    %dma_wait3A_61 = arith.constant 0 : i32
    %dma_wait3A_62 = tpu.memref_slice %arg3[%dma_wait3A_60, %dma_wait3A_61] : memref<100000x16xi32, #tpu.memory_space<hbm>> -> memref<100000x16xi32, #tpu.memory_space<hbm>>
    tpu.wait_indirect_dma semaphore(%arg13 : memref<!tpu.dma_semaphore, #tpu.memory_space<semaphore_mem>>) src(%dma_wait3A_62 : memref<100000x16xi32, #tpu.memory_space<hbm>>) dst(%dma_wait3A_57 : memref<128x16xi32, #tpu.memory_space<vmem>>)
    %dma_wait3A_63 = arith.constant 384 : i32
    %dma_wait3A_64 = arith.constant 0 : i32
    %dma_wait3A_65 = tpu.memref_slice %arg9[%dma_wait3A_63, %dma_wait3A_64] : memref<512x16xi32, #tpu.memory_space<vmem>> -> memref<128x16xi32, #tpu.memory_space<vmem>>
    %dma_wait3A_66 = arith.constant 384 : i32
    %dma_wait3A_67 = tpu.memref_slice %arg7[%dma_wait3A_66] : memref<512xi32, #tpu.memory_space<vmem>> -> memref<128xi32, #tpu.memory_space<vmem>>
    %dma_wait3A_68 = arith.constant 0 : i32
    %dma_wait3A_69 = arith.constant 0 : i32
    %dma_wait3A_70 = tpu.memref_slice %arg3[%dma_wait3A_68, %dma_wait3A_69] : memref<100000x16xi32, #tpu.memory_space<hbm>> -> memref<100000x16xi32, #tpu.memory_space<hbm>>
    tpu.wait_indirect_dma semaphore(%arg13 : memref<!tpu.dma_semaphore, #tpu.memory_space<semaphore_mem>>) src(%dma_wait3A_70 : memref<100000x16xi32, #tpu.memory_space<hbm>>) dst(%dma_wait3A_65 : memref<128x16xi32, #tpu.memory_space<vmem>>)
    %iota3A = tpu.iota {dimensions = array<i32: 0>} : vector<16xi32>
    %scan3A_71 = arith.constant 0 : i32
    %scan3A_72 = arith.constant 0 : i32
    %scan3A_73 = arith.constant 32 : i32
    %scan3A_74 = arith.addi %scan3A_72, %scan3A_73 : i32
    %scan3A_75 = arith.constant 1 : i32
    %scan3A_76 = scf.for %scan3A_143 = %scan3A_72 to %scan3A_74 step %scan3A_75 iter_args(%scan3A_144 = %scan3A_71) -> (i32)  : i32 {
      %mul3A_145 = arith.constant 16 : i32
      %mul3A_146 = arith.muli %mul3A_145, %scan3A_143 : i32
      %add3A_147 = vector.broadcast %mul3A_146 : i32 to vector<16xi32>
      %add3A_148 = arith.addi %add3A_147, %iota3A : vector<16xi32>
      %broadcast_in_dim3A = arith.constant 0 : i32
      %broadcast_in_dim3A_149 = vector.broadcast %broadcast_in_dim3A : i32 to vector<16xi32>
      %gather3A = tpu.vector_load_idx %arg9[%add3A_148, %broadcast_in_dim3A_149] : memref<512x16xi32, #tpu.memory_space<vmem>>[vector<16xi32>, vector<16xi32>], vector<16xi32>,
      %ge3A = arith.constant 25000 : i32
      %ge3A_150 = vector.broadcast %ge3A : i32 to vector<16xi32>
      %ge3A_151 = arith.cmpi sge, %gather3A, %ge3A_150 : vector<16xi32>
      %convert_element_type3A = arith.extui %ge3A_151 : vector<16xi1> to vector<16xi32>
      %ge3A_152 = arith.constant 50000 : i32
      %ge3A_153 = vector.broadcast %ge3A_152 : i32 to vector<16xi32>
      %ge3A_154 = arith.cmpi sge, %gather3A, %ge3A_153 : vector<16xi32>
      %convert_element_type3A_155 = arith.extui %ge3A_154 : vector<16xi1> to vector<16xi32>
      %add3A_156 = arith.addi %convert_element_type3A, %convert_element_type3A_155 : vector<16xi32>
      %ge3A_157 = arith.constant 75000 : i32
      %ge3A_158 = vector.broadcast %ge3A_157 : i32 to vector<16xi32>
      %ge3A_159 = arith.cmpi sge, %gather3A, %ge3A_158 : vector<16xi32>
      %convert_element_type3A_160 = arith.extui %ge3A_159 : vector<16xi1> to vector<16xi32>
      %add3A_161 = arith.addi %add3A_156, %convert_element_type3A_160 : vector<16xi32>
      %mul3A_162 = arith.constant 25000 : i32
      %mul3A_163 = vector.broadcast %mul3A_162 : i32 to vector<16xi32>
      %mul3A_164 = arith.muli %add3A_161, %mul3A_163 : vector<16xi32>
      %sub3A = arith.subi %gather3A, %mul3A_164 : vector<16xi32>
      %mul3A_165 = arith.constant 4 : i32
      %mul3A_166 = vector.broadcast %mul3A_165 : i32 to vector<16xi32>
      %mul3A_167 = arith.muli %sub3A, %mul3A_166 : vector<16xi32>
      %add3A_168 = arith.addi %mul3A_167, %add3A_161 : vector<16xi32>
      %mul3A_169 = arith.constant 16 : i32
      %mul3A_170 = arith.muli %mul3A_169, %scan3A_143 : i32
      %add3A_171 = arith.constant 0 : i32
      %add3A_172 = arith.addi %add3A_171, %mul3A_170 : i32
      %swap3A = arith.index_cast %add3A_172 : i32 to index
      %swap3A_173 = tpu.vector_load %arg10[%swap3A] {strides = array<i32>} : memref<8192xi32, #tpu.memory_space<vmem>>, vector<16xi32>,
      tpu.vector_store %arg10[%swap3A], %add3A_168 {strides = array<i32>} : memref<8192xi32, #tpu.memory_space<vmem>>, vector<16xi32>,
      %broadcast_in_dim3A_174 = arith.constant 1 : i32
      %broadcast_in_dim3A_175 = vector.broadcast %broadcast_in_dim3A_174 : i32 to vector<16xi32>
      %gather3A_176 = tpu.vector_load_idx %arg9[%add3A_148, %broadcast_in_dim3A_175] : memref<512x16xi32, #tpu.memory_space<vmem>>[vector<16xi32>, vector<16xi32>], vector<16xi32>,
      %ge3A_177 = arith.constant 25000 : i32
      %ge3A_178 = vector.broadcast %ge3A_177 : i32 to vector<16xi32>
      %ge3A_179 = arith.cmpi sge, %gather3A_176, %ge3A_178 : vector<16xi32>
      %convert_element_type3A_180 = arith.extui %ge3A_179 : vector<16xi1> to vector<16xi32>
      %ge3A_181 = arith.constant 50000 : i32
      %ge3A_182 = vector.broadcast %ge3A_181 : i32 to vector<16xi32>
      %ge3A_183 = arith.cmpi sge, %gather3A_176, %ge3A_182 : vector<16xi32>
      %convert_element_type3A_184 = arith.extui %ge3A_183 : vector<16xi1> to vector<16xi32>
      %add3A_185 = arith.addi %convert_element_type3A_180, %convert_element_type3A_184 : vector<16xi32>
      %ge3A_186 = arith.constant 75000 : i32
      %ge3A_187 = vector.broadcast %ge3A_186 : i32 to vector<16xi32>
      %ge3A_188 = arith.cmpi sge, %gather3A_176, %ge3A_187 : vector<16xi32>
      %convert_element_type3A_189 = arith.extui %ge3A_188 : vector<16xi1> to vector<16xi32>
      %add3A_190 = arith.addi %add3A_185, %convert_element_type3A_189 : vector<16xi32>
      %mul3A_191 = arith.constant 25000 : i32
      %mul3A_192 = vector.broadcast %mul3A_191 : i32 to vector<16xi32>
      %mul3A_193 = arith.muli %add3A_190, %mul3A_192 : vector<16xi32>
      %sub3A_194 = arith.subi %gather3A_176, %mul3A_193 : vector<16xi32>
      %mul3A_195 = arith.constant 4 : i32
      %mul3A_196 = vector.broadcast %mul3A_195 : i32 to vector<16xi32>
      %mul3A_197 = arith.muli %sub3A_194, %mul3A_196 : vector<16xi32>
      %add3A_198 = arith.addi %mul3A_197, %add3A_190 : vector<16xi32>
      %mul3A_199 = arith.constant 16 : i32
      %mul3A_200 = arith.muli %mul3A_199, %scan3A_143 : i32
      %add3A_201 = arith.constant 512 : i32
      %add3A_202 = arith.addi %add3A_201, %mul3A_200 : i32
      %swap3A_203 = arith.index_cast %add3A_202 : i32 to index
      %swap3A_204 = tpu.vector_load %arg10[%swap3A_203] {strides = array<i32>} : memref<8192xi32, #tpu.memory_space<vmem>>, vector<16xi32>,
      tpu.vector_store %arg10[%swap3A_203], %add3A_198 {strides = array<i32>} : memref<8192xi32, #tpu.memory_space<vmem>>, vector<16xi32>,
      %broadcast_in_dim3A_205 = arith.constant 2 : i32
      %broadcast_in_dim3A_206 = vector.broadcast %broadcast_in_dim3A_205 : i32 to vector<16xi32>
      %gather3A_207 = tpu.vector_load_idx %arg9[%add3A_148, %broadcast_in_dim3A_206] : memref<512x16xi32, #tpu.memory_space<vmem>>[vector<16xi32>, vector<16xi32>], vector<16xi32>,
      %ge3A_208 = arith.constant 25000 : i32
      %ge3A_209 = vector.broadcast %ge3A_208 : i32 to vector<16xi32>
      %ge3A_210 = arith.cmpi sge, %gather3A_207, %ge3A_209 : vector<16xi32>
      %convert_element_type3A_211 = arith.extui %ge3A_210 : vector<16xi1> to vector<16xi32>
      %ge3A_212 = arith.constant 50000 : i32
      %ge3A_213 = vector.broadcast %ge3A_212 : i32 to vector<16xi32>
      %ge3A_214 = arith.cmpi sge, %gather3A_207, %ge3A_213 : vector<16xi32>
      %convert_element_type3A_215 = arith.extui %ge3A_214 : vector<16xi1> to vector<16xi32>
      %add3A_216 = arith.addi %convert_element_type3A_211, %convert_element_type3A_215 : vector<16xi32>
      %ge3A_217 = arith.constant 75000 : i32
      %ge3A_218 = vector.broadcast %ge3A_217 : i32 to vector<16xi32>
      %ge3A_219 = arith.cmpi sge, %gather3A_207, %ge3A_218 : vector<16xi32>
      %convert_element_type3A_220 = arith.extui %ge3A_219 : vector<16xi1> to vector<16xi32>
      %add3A_221 = arith.addi %add3A_216, %convert_element_type3A_220 : vector<16xi32>
      %mul3A_222 = arith.constant 25000 : i32
      %mul3A_223 = vector.broadcast %mul3A_222 : i32 to vector<16xi32>
      %mul3A_224 = arith.muli %add3A_221, %mul3A_223 : vector<16xi32>
      %sub3A_225 = arith.subi %gather3A_207, %mul3A_224 : vector<16xi32>
      %mul3A_226 = arith.constant 4 : i32
      %mul3A_227 = vector.broadcast %mul3A_226 : i32 to vector<16xi32>
      %mul3A_228 = arith.muli %sub3A_225, %mul3A_227 : vector<16xi32>
      %add3A_229 = arith.addi %mul3A_228, %add3A_221 : vector<16xi32>
      %mul3A_230 = arith.constant 16 : i32
      %mul3A_231 = arith.muli %mul3A_230, %scan3A_143 : i32
      %add3A_232 = arith.constant 1024 : i32
      %add3A_233 = arith.addi %add3A_232, %mul3A_231 : i32
      %swap3A_234 = arith.index_cast %add3A_233 : i32 to index
      %swap3A_235 = tpu.vector_load %arg10[%swap3A_234] {strides = array<i32>} : memref<8192xi32, #tpu.memory_space<vmem>>, vector<16xi32>,
      tpu.vector_store %arg10[%swap3A_234], %add3A_229 {strides = array<i32>} : memref<8192xi32, #tpu.memory_space<vmem>>, vector<16xi32>,
      %broadcast_in_dim3A_236 = arith.constant 3 : i32
      %broadcast_in_dim3A_237 = vector.broadcast %broadcast_in_dim3A_236 : i32 to vector<16xi32>
      %gather3A_238 = tpu.vector_load_idx %arg9[%add3A_148, %broadcast_in_dim3A_237] : memref<512x16xi32, #tpu.memory_space<vmem>>[vector<16xi32>, vector<16xi32>], vector<16xi32>,
      %ge3A_239 = arith.constant 25000 : i32
      %ge3A_240 = vector.broadcast %ge3A_239 : i32 to vector<16xi32>
      %ge3A_241 = arith.cmpi sge, %gather3A_238, %ge3A_240 : vector<16xi32>
      %convert_element_type3A_242 = arith.extui %ge3A_241 : vector<16xi1> to vector<16xi32>
      %ge3A_243 = arith.constant 50000 : i32
      %ge3A_244 = vector.broadcast %ge3A_243 : i32 to vector<16xi32>
      %ge3A_245 = arith.cmpi sge, %gather3A_238, %ge3A_244 : vector<16xi32>
      %convert_element_type3A_246 = arith.extui %ge3A_245 : vector<16xi1> to vector<16xi32>
      %add3A_247 = arith.addi %convert_element_type3A_242, %convert_element_type3A_246 : vector<16xi32>
      %ge3A_248 = arith.constant 75000 : i32
      %ge3A_249 = vector.broadcast %ge3A_248 : i32 to vector<16xi32>
      %ge3A_250 = arith.cmpi sge, %gather3A_238, %ge3A_249 : vector<16xi32>
      %convert_element_type3A_251 = arith.extui %ge3A_250 : vector<16xi1> to vector<16xi32>
      %add3A_252 = arith.addi %add3A_247, %convert_element_type3A_251 : vector<16xi32>
      %mul3A_253 = arith.constant 25000 : i32
      %mul3A_254 = vector.broadcast %mul3A_253 : i32 to vector<16xi32>
      %mul3A_255 = arith.muli %add3A_252, %mul3A_254 : vector<16xi32>
      %sub3A_256 = arith.subi %gather3A_238, %mul3A_255 : vector<16xi32>
      %mul3A_257 = arith.constant 4 : i32
      %mul3A_258 = vector.broadcast %mul3A_257 : i32 to vector<16xi32>
      %mul3A_259 = arith.muli %sub3A_256, %mul3A_258 : vector<16xi32>
      %add3A_260 = arith.addi %mul3A_259, %add3A_252 : vector<16xi32>
      %mul3A_261 = arith.constant 16 : i32
      %mul3A_262 = arith.muli %mul3A_261, %scan3A_143 : i32
      %add3A_263 = arith.constant 1536 : i32
      %add3A_264 = arith.addi %add3A_263, %mul3A_262 : i32
      %swap3A_265 = arith.index_cast %add3A_264 : i32 to index
      %swap3A_266 = tpu.vector_load %arg10[%swap3A_265] {strides = array<i32>} : memref<8192xi32, #tpu.memory_space<vmem>>, vector<16xi32>,
      tpu.vector_store %arg10[%swap3A_265], %add3A_260 {strides = array<i32>} : memref<8192xi32, #tpu.memory_space<vmem>>, vector<16xi32>,
      %broadcast_in_dim3A_267 = arith.constant 4 : i32
      %broadcast_in_dim3A_268 = vector.broadcast %broadcast_in_dim3A_267 : i32 to vector<16xi32>
      %gather3A_269 = tpu.vector_load_idx %arg9[%add3A_148, %broadcast_in_dim3A_268] : memref<512x16xi32, #tpu.memory_space<vmem>>[vector<16xi32>, vector<16xi32>], vector<16xi32>,
      %ge3A_270 = arith.constant 25000 : i32
      %ge3A_271 = vector.broadcast %ge3A_270 : i32 to vector<16xi32>
      %ge3A_272 = arith.cmpi sge, %gather3A_269, %ge3A_271 : vector<16xi32>
      %convert_element_type3A_273 = arith.extui %ge3A_272 : vector<16xi1> to vector<16xi32>
      %ge3A_274 = arith.constant 50000 : i32
      %ge3A_275 = vector.broadcast %ge3A_274 : i32 to vector<16xi32>
      %ge3A_276 = arith.cmpi sge, %gather3A_269, %ge3A_275 : vector<16xi32>
      %convert_element_type3A_277 = arith.extui %ge3A_276 : vector<16xi1> to vector<16xi32>
      %add3A_278 = arith.addi %convert_element_type3A_273, %convert_element_type3A_277 : vector<16xi32>
      %ge3A_279 = arith.constant 75000 : i32
      %ge3A_280 = vector.broadcast %ge3A_279 : i32 to vector<16xi32>
      %ge3A_281 = arith.cmpi sge, %gather3A_269, %ge3A_280 : vector<16xi32>
      %convert_element_type3A_282 = arith.extui %ge3A_281 : vector<16xi1> to vector<16xi32>
      %add3A_283 = arith.addi %add3A_278, %convert_element_type3A_282 : vector<16xi32>
      %mul3A_284 = arith.constant 25000 : i32
      %mul3A_285 = vector.broadcast %mul3A_284 : i32 to vector<16xi32>
      %mul3A_286 = arith.muli %add3A_283, %mul3A_285 : vector<16xi32>
      %sub3A_287 = arith.subi %gather3A_269, %mul3A_286 : vector<16xi32>
      %mul3A_288 = arith.constant 4 : i32
      %mul3A_289 = vector.broadcast %mul3A_288 : i32 to vector<16xi32>
      %mul3A_290 = arith.muli %sub3A_287, %mul3A_289 : vector<16xi32>
      %add3A_291 = arith.addi %mul3A_290, %add3A_283 : vector<16xi32>
      %mul3A_292 = arith.constant 16 : i32
      %mul3A_293 = arith.muli %mul3A_292, %scan3A_143 : i32
      %add3A_294 = arith.constant 2048 : i32
      %add3A_295 = arith.addi %add3A_294, %mul3A_293 : i32
      %swap3A_296 = arith.index_cast %add3A_295 : i32 to index
      %swap3A_297 = tpu.vector_load %arg10[%swap3A_296] {strides = array<i32>} : memref<8192xi32, #tpu.memory_space<vmem>>, vector<16xi32>,
      tpu.vector_store %arg10[%swap3A_296], %add3A_291 {strides = array<i32>} : memref<8192xi32, #tpu.memory_space<vmem>>, vector<16xi32>,
      %broadcast_in_dim3A_298 = arith.constant 5 : i32
      %broadcast_in_dim3A_299 = vector.broadcast %broadcast_in_dim3A_298 : i32 to vector<16xi32>
      %gather3A_300 = tpu.vector_load_idx %arg9[%add3A_148, %broadcast_in_dim3A_299] : memref<512x16xi32, #tpu.memory_space<vmem>>[vector<16xi32>, vector<16xi32>], vector<16xi32>,
      %ge3A_301 = arith.constant 25000 : i32
      %ge3A_302 = vector.broadcast %ge3A_301 : i32 to vector<16xi32>
      %ge3A_303 = arith.cmpi sge, %gather3A_300, %ge3A_302 : vector<16xi32>
      %convert_element_type3A_304 = arith.extui %ge3A_303 : vector<16xi1> to vector<16xi32>
      %ge3A_305 = arith.constant 50000 : i32
      %ge3A_306 = vector.broadcast %ge3A_305 : i32 to vector<16xi32>
      %ge3A_307 = arith.cmpi sge, %gather3A_300, %ge3A_306 : vector<16xi32>
      %convert_element_type3A_308 = arith.extui %ge3A_307 : vector<16xi1> to vector<16xi32>
      %add3A_309 = arith.addi %convert_element_type3A_304, %convert_element_type3A_308 : vector<16xi32>
      %ge3A_310 = arith.constant 75000 : i32
      %ge3A_311 = vector.broadcast %ge3A_310 : i32 to vector<16xi32>
      %ge3A_312 = arith.cmpi sge, %gather3A_300, %ge3A_311 : vector<16xi32>
      %convert_element_type3A_313 = arith.extui %ge3A_312 : vector<16xi1> to vector<16xi32>
      %add3A_314 = arith.addi %add3A_309, %convert_element_type3A_313 : vector<16xi32>
      %mul3A_315 = arith.constant 25000 : i32
      %mul3A_316 = vector.broadcast %mul3A_315 : i32 to vector<16xi32>
      %mul3A_317 = arith.muli %add3A_314, %mul3A_316 : vector<16xi32>
      %sub3A_318 = arith.subi %gather3A_300, %mul3A_317 : vector<16xi32>
      %mul3A_319 = arith.constant 4 : i32
      %mul3A_320 = vector.broadcast %mul3A_319 : i32 to vector<16xi32>
      %mul3A_321 = arith.muli %sub3A_318, %mul3A_320 : vector<16xi32>
      %add3A_322 = arith.addi %mul3A_321, %add3A_314 : vector<16xi32>
      %mul3A_323 = arith.constant 16 : i32
      %mul3A_324 = arith.muli %mul3A_323, %scan3A_143 : i32
      %add3A_325 = arith.constant 2560 : i32
      %add3A_326 = arith.addi %add3A_325, %mul3A_324 : i32
      %swap3A_327 = arith.index_cast %add3A_326 : i32 to index
      %swap3A_328 = tpu.vector_load %arg10[%swap3A_327] {strides = array<i32>} : memref<8192xi32, #tpu.memory_space<vmem>>, vector<16xi32>,
      tpu.vector_store %arg10[%swap3A_327], %add3A_322 {strides = array<i32>} : memref<8192xi32, #tpu.memory_space<vmem>>, vector<16xi32>,
      %broadcast_in_dim3A_329 = arith.constant 6 : i32
      %broadcast_in_dim3A_330 = vector.broadcast %broadcast_in_dim3A_329 : i32 to vector<16xi32>
      %gather3A_331 = tpu.vector_load_idx %arg9[%add3A_148, %broadcast_in_dim3A_330] : memref<512x16xi32, #tpu.memory_space<vmem>>[vector<16xi32>, vector<16xi32>], vector<16xi32>,
      %ge3A_332 = arith.constant 25000 : i32
      %ge3A_333 = vector.broadcast %ge3A_332 : i32 to vector<16xi32>
      %ge3A_334 = arith.cmpi sge, %gather3A_331, %ge3A_333 : vector<16xi32>
      %convert_element_type3A_335 = arith.extui %ge3A_334 : vector<16xi1> to vector<16xi32>
      %ge3A_336 = arith.constant 50000 : i32
      %ge3A_337 = vector.broadcast %ge3A_336 : i32 to vector<16xi32>
      %ge3A_338 = arith.cmpi sge, %gather3A_331, %ge3A_337 : vector<16xi32>
      %convert_element_type3A_339 = arith.extui %ge3A_338 : vector<16xi1> to vector<16xi32>
      %add3A_340 = arith.addi %convert_element_type3A_335, %convert_element_type3A_339 : vector<16xi32>
      %ge3A_341 = arith.constant 75000 : i32
      %ge3A_342 = vector.broadcast %ge3A_341 : i32 to vector<16xi32>
      %ge3A_343 = arith.cmpi sge, %gather3A_331, %ge3A_342 : vector<16xi32>
      %convert_element_type3A_344 = arith.extui %ge3A_343 : vector<16xi1> to vector<16xi32>
      %add3A_345 = arith.addi %add3A_340, %convert_element_type3A_344 : vector<16xi32>
      %mul3A_346 = arith.constant 25000 : i32
      %mul3A_347 = vector.broadcast %mul3A_346 : i32 to vector<16xi32>
      %mul3A_348 = arith.muli %add3A_345, %mul3A_347 : vector<16xi32>
      %sub3A_349 = arith.subi %gather3A_331, %mul3A_348 : vector<16xi32>
      %mul3A_350 = arith.constant 4 : i32
      %mul3A_351 = vector.broadcast %mul3A_350 : i32 to vector<16xi32>
      %mul3A_352 = arith.muli %sub3A_349, %mul3A_351 : vector<16xi32>
      %add3A_353 = arith.addi %mul3A_352, %add3A_345 : vector<16xi32>
      %mul3A_354 = arith.constant 16 : i32
      %mul3A_355 = arith.muli %mul3A_354, %scan3A_143 : i32
      %add3A_356 = arith.constant 3072 : i32
      %add3A_357 = arith.addi %add3A_356, %mul3A_355 : i32
      %swap3A_358 = arith.index_cast %add3A_357 : i32 to index
      %swap3A_359 = tpu.vector_load %arg10[%swap3A_358] {strides = array<i32>} : memref<8192xi32, #tpu.memory_space<vmem>>, vector<16xi32>,
      tpu.vector_store %arg10[%swap3A_358], %add3A_353 {strides = array<i32>} : memref<8192xi32, #tpu.memory_space<vmem>>, vector<16xi32>,
      %broadcast_in_dim3A_360 = arith.constant 7 : i32
      %broadcast_in_dim3A_361 = vector.broadcast %broadcast_in_dim3A_360 : i32 to vector<16xi32>
      %gather3A_362 = tpu.vector_load_idx %arg9[%add3A_148, %broadcast_in_dim3A_361] : memref<512x16xi32, #tpu.memory_space<vmem>>[vector<16xi32>, vector<16xi32>], vector<16xi32>,
      %ge3A_363 = arith.constant 25000 : i32
      %ge3A_364 = vector.broadcast %ge3A_363 : i32 to vector<16xi32>
      %ge3A_365 = arith.cmpi sge, %gather3A_362, %ge3A_364 : vector<16xi32>
      %convert_element_type3A_366 = arith.extui %ge3A_365 : vector<16xi1> to vector<16xi32>
      %ge3A_367 = arith.constant 50000 : i32
      %ge3A_368 = vector.broadcast %ge3A_367 : i32 to vector<16xi32>
      %ge3A_369 = arith.cmpi sge, %gather3A_362, %ge3A_368 : vector<16xi32>
      %convert_element_type3A_370 = arith.extui %ge3A_369 : vector<16xi1> to vector<16xi32>
      %add3A_371 = arith.addi %convert_element_type3A_366, %convert_element_type3A_370 : vector<16xi32>
      %ge3A_372 = arith.constant 75000 : i32
      %ge3A_373 = vector.broadcast %ge3A_372 : i32 to vector<16xi32>
      %ge3A_374 = arith.cmpi sge, %gather3A_362, %ge3A_373 : vector<16xi32>
      %convert_element_type3A_375 = arith.extui %ge3A_374 : vector<16xi1> to vector<16xi32>
      %add3A_376 = arith.addi %add3A_371, %convert_element_type3A_375 : vector<16xi32>
      %mul3A_377 = arith.constant 25000 : i32
      %mul3A_378 = vector.broadcast %mul3A_377 : i32 to vector<16xi32>
      %mul3A_379 = arith.muli %add3A_376, %mul3A_378 : vector<16xi32>
      %sub3A_380 = arith.subi %gather3A_362, %mul3A_379 : vector<16xi32>
      %mul3A_381 = arith.constant 4 : i32
      %mul3A_382 = vector.broadcast %mul3A_381 : i32 to vector<16xi32>
      %mul3A_383 = arith.muli %sub3A_380, %mul3A_382 : vector<16xi32>
      %add3A_384 = arith.addi %mul3A_383, %add3A_376 : vector<16xi32>
      %mul3A_385 = arith.constant 16 : i32
      %mul3A_386 = arith.muli %mul3A_385, %scan3A_143 : i32
      %add3A_387 = arith.constant 3584 : i32
      %add3A_388 = arith.addi %add3A_387, %mul3A_386 : i32
      %swap3A_389 = arith.index_cast %add3A_388 : i32 to index
      %swap3A_390 = tpu.vector_load %arg10[%swap3A_389] {strides = array<i32>} : memref<8192xi32, #tpu.memory_space<vmem>>, vector<16xi32>,
      tpu.vector_store %arg10[%swap3A_389], %add3A_384 {strides = array<i32>} : memref<8192xi32, #tpu.memory_space<vmem>>, vector<16xi32>,
      %broadcast_in_dim3A_391 = arith.constant 8 : i32
      %broadcast_in_dim3A_392 = vector.broadcast %broadcast_in_dim3A_391 : i32 to vector<16xi32>
      %gather3A_393 = tpu.vector_load_idx %arg9[%add3A_148, %broadcast_in_dim3A_392] : memref<512x16xi32, #tpu.memory_space<vmem>>[vector<16xi32>, vector<16xi32>], vector<16xi32>,
      %ge3A_394 = arith.constant 25000 : i32
      %ge3A_395 = vector.broadcast %ge3A_394 : i32 to vector<16xi32>
      %ge3A_396 = arith.cmpi sge, %gather3A_393, %ge3A_395 : vector<16xi32>
      %convert_element_type3A_397 = arith.extui %ge3A_396 : vector<16xi1> to vector<16xi32>
      %ge3A_398 = arith.constant 50000 : i32
      %ge3A_399 = vector.broadcast %ge3A_398 : i32 to vector<16xi32>
      %ge3A_400 = arith.cmpi sge, %gather3A_393, %ge3A_399 : vector<16xi32>
      %convert_element_type3A_401 = arith.extui %ge3A_400 : vector<16xi1> to vector<16xi32>
      %add3A_402 = arith.addi %convert_element_type3A_397, %convert_element_type3A_401 : vector<16xi32>
      %ge3A_403 = arith.constant 75000 : i32
      %ge3A_404 = vector.broadcast %ge3A_403 : i32 to vector<16xi32>
      %ge3A_405 = arith.cmpi sge, %gather3A_393, %ge3A_404 : vector<16xi32>
      %convert_element_type3A_406 = arith.extui %ge3A_405 : vector<16xi1> to vector<16xi32>
      %add3A_407 = arith.addi %add3A_402, %convert_element_type3A_406 : vector<16xi32>
      %mul3A_408 = arith.constant 25000 : i32
      %mul3A_409 = vector.broadcast %mul3A_408 : i32 to vector<16xi32>
      %mul3A_410 = arith.muli %add3A_407, %mul3A_409 : vector<16xi32>
      %sub3A_411 = arith.subi %gather3A_393, %mul3A_410 : vector<16xi32>
      %mul3A_412 = arith.constant 4 : i32
      %mul3A_413 = vector.broadcast %mul3A_412 : i32 to vector<16xi32>
      %mul3A_414 = arith.muli %sub3A_411, %mul3A_413 : vector<16xi32>
      %add3A_415 = arith.addi %mul3A_414, %add3A_407 : vector<16xi32>
      %mul3A_416 = arith.constant 16 : i32
      %mul3A_417 = arith.muli %mul3A_416, %scan3A_143 : i32
      %add3A_418 = arith.constant 4096 : i32
      %add3A_419 = arith.addi %add3A_418, %mul3A_417 : i32
      %swap3A_420 = arith.index_cast %add3A_419 : i32 to index
      %swap3A_421 = tpu.vector_load %arg10[%swap3A_420] {strides = array<i32>} : memref<8192xi32, #tpu.memory_space<vmem>>, vector<16xi32>,
      tpu.vector_store %arg10[%swap3A_420], %add3A_415 {strides = array<i32>} : memref<8192xi32, #tpu.memory_space<vmem>>, vector<16xi32>,
      %broadcast_in_dim3A_422 = arith.constant 9 : i32
      %broadcast_in_dim3A_423 = vector.broadcast %broadcast_in_dim3A_422 : i32 to vector<16xi32>
      %gather3A_424 = tpu.vector_load_idx %arg9[%add3A_148, %broadcast_in_dim3A_423] : memref<512x16xi32, #tpu.memory_space<vmem>>[vector<16xi32>, vector<16xi32>], vector<16xi32>,
      %ge3A_425 = arith.constant 25000 : i32
      %ge3A_426 = vector.broadcast %ge3A_425 : i32 to vector<16xi32>
      %ge3A_427 = arith.cmpi sge, %gather3A_424, %ge3A_426 : vector<16xi32>
      %convert_element_type3A_428 = arith.extui %ge3A_427 : vector<16xi1> to vector<16xi32>
      %ge3A_429 = arith.constant 50000 : i32
      %ge3A_430 = vector.broadcast %ge3A_429 : i32 to vector<16xi32>
      %ge3A_431 = arith.cmpi sge, %gather3A_424, %ge3A_430 : vector<16xi32>
      %convert_element_type3A_432 = arith.extui %ge3A_431 : vector<16xi1> to vector<16xi32>
      %add3A_433 = arith.addi %convert_element_type3A_428, %convert_element_type3A_432 : vector<16xi32>
      %ge3A_434 = arith.constant 75000 : i32
      %ge3A_435 = vector.broadcast %ge3A_434 : i32 to vector<16xi32>
      %ge3A_436 = arith.cmpi sge, %gather3A_424, %ge3A_435 : vector<16xi32>
      %convert_element_type3A_437 = arith.extui %ge3A_436 : vector<16xi1> to vector<16xi32>
      %add3A_438 = arith.addi %add3A_433, %convert_element_type3A_437 : vector<16xi32>
      %mul3A_439 = arith.constant 25000 : i32
      %mul3A_440 = vector.broadcast %mul3A_439 : i32 to vector<16xi32>
      %mul3A_441 = arith.muli %add3A_438, %mul3A_440 : vector<16xi32>
      %sub3A_442 = arith.subi %gather3A_424, %mul3A_441 : vector<16xi32>
      %mul3A_443 = arith.constant 4 : i32
      %mul3A_444 = vector.broadcast %mul3A_443 : i32 to vector<16xi32>
      %mul3A_445 = arith.muli %sub3A_442, %mul3A_444 : vector<16xi32>
      %add3A_446 = arith.addi %mul3A_445, %add3A_438 : vector<16xi32>
      %mul3A_447 = arith.constant 16 : i32
      %mul3A_448 = arith.muli %mul3A_447, %scan3A_143 : i32
      %add3A_449 = arith.constant 4608 : i32
      %add3A_450 = arith.addi %add3A_449, %mul3A_448 : i32
      %swap3A_451 = arith.index_cast %add3A_450 : i32 to index
      %swap3A_452 = tpu.vector_load %arg10[%swap3A_451] {strides = array<i32>} : memref<8192xi32, #tpu.memory_space<vmem>>, vector<16xi32>,
      tpu.vector_store %arg10[%swap3A_451], %add3A_446 {strides = array<i32>} : memref<8192xi32, #tpu.memory_space<vmem>>, vector<16xi32>,
      %broadcast_in_dim3A_453 = arith.constant 10 : i32
      %broadcast_in_dim3A_454 = vector.broadcast %broadcast_in_dim3A_453 : i32 to vector<16xi32>
      %gather3A_455 = tpu.vector_load_idx %arg9[%add3A_148, %broadcast_in_dim3A_454] : memref<512x16xi32, #tpu.memory_space<vmem>>[vector<16xi32>, vector<16xi32>], vector<16xi32>,
      %ge3A_456 = arith.constant 25000 : i32
      %ge3A_457 = vector.broadcast %ge3A_456 : i32 to vector<16xi32>
      %ge3A_458 = arith.cmpi sge, %gather3A_455, %ge3A_457 : vector<16xi32>
      %convert_element_type3A_459 = arith.extui %ge3A_458 : vector<16xi1> to vector<16xi32>
      %ge3A_460 = arith.constant 50000 : i32
      %ge3A_461 = vector.broadcast %ge3A_460 : i32 to vector<16xi32>
      %ge3A_462 = arith.cmpi sge, %gather3A_455, %ge3A_461 : vector<16xi32>
      %convert_element_type3A_463 = arith.extui %ge3A_462 : vector<16xi1> to vector<16xi32>
      %add3A_464 = arith.addi %convert_element_type3A_459, %convert_element_type3A_463 : vector<16xi32>
      %ge3A_465 = arith.constant 75000 : i32
      %ge3A_466 = vector.broadcast %ge3A_465 : i32 to vector<16xi32>
      %ge3A_467 = arith.cmpi sge, %gather3A_455, %ge3A_466 : vector<16xi32>
      %convert_element_type3A_468 = arith.extui %ge3A_467 : vector<16xi1> to vector<16xi32>
      %add3A_469 = arith.addi %add3A_464, %convert_element_type3A_468 : vector<16xi32>
      %mul3A_470 = arith.constant 25000 : i32
      %mul3A_471 = vector.broadcast %mul3A_470 : i32 to vector<16xi32>
      %mul3A_472 = arith.muli %add3A_469, %mul3A_471 : vector<16xi32>
      %sub3A_473 = arith.subi %gather3A_455, %mul3A_472 : vector<16xi32>
      %mul3A_474 = arith.constant 4 : i32
      %mul3A_475 = vector.broadcast %mul3A_474 : i32 to vector<16xi32>
      %mul3A_476 = arith.muli %sub3A_473, %mul3A_475 : vector<16xi32>
      %add3A_477 = arith.addi %mul3A_476, %add3A_469 : vector<16xi32>
      %mul3A_478 = arith.constant 16 : i32
      %mul3A_479 = arith.muli %mul3A_478, %scan3A_143 : i32
      %add3A_480 = arith.constant 5120 : i32
      %add3A_481 = arith.addi %add3A_480, %mul3A_479 : i32
      %swap3A_482 = arith.index_cast %add3A_481 : i32 to index
      %swap3A_483 = tpu.vector_load %arg10[%swap3A_482] {strides = array<i32>} : memref<8192xi32, #tpu.memory_space<vmem>>, vector<16xi32>,
      tpu.vector_store %arg10[%swap3A_482], %add3A_477 {strides = array<i32>} : memref<8192xi32, #tpu.memory_space<vmem>>, vector<16xi32>,
      %broadcast_in_dim3A_484 = arith.constant 11 : i32
      %broadcast_in_dim3A_485 = vector.broadcast %broadcast_in_dim3A_484 : i32 to vector<16xi32>
      %gather3A_486 = tpu.vector_load_idx %arg9[%add3A_148, %broadcast_in_dim3A_485] : memref<512x16xi32, #tpu.memory_space<vmem>>[vector<16xi32>, vector<16xi32>], vector<16xi32>,
      %ge3A_487 = arith.constant 25000 : i32
      %ge3A_488 = vector.broadcast %ge3A_487 : i32 to vector<16xi32>
      %ge3A_489 = arith.cmpi sge, %gather3A_486, %ge3A_488 : vector<16xi32>
      %convert_element_type3A_490 = arith.extui %ge3A_489 : vector<16xi1> to vector<16xi32>
      %ge3A_491 = arith.constant 50000 : i32
      %ge3A_492 = vector.broadcast %ge3A_491 : i32 to vector<16xi32>
      %ge3A_493 = arith.cmpi sge, %gather3A_486, %ge3A_492 : vector<16xi32>
      %convert_element_type3A_494 = arith.extui %ge3A_493 : vector<16xi1> to vector<16xi32>
      %add3A_495 = arith.addi %convert_element_type3A_490, %convert_element_type3A_494 : vector<16xi32>
      %ge3A_496 = arith.constant 75000 : i32
      %ge3A_497 = vector.broadcast %ge3A_496 : i32 to vector<16xi32>
      %ge3A_498 = arith.cmpi sge, %gather3A_486, %ge3A_497 : vector<16xi32>
      %convert_element_type3A_499 = arith.extui %ge3A_498 : vector<16xi1> to vector<16xi32>
      %add3A_500 = arith.addi %add3A_495, %convert_element_type3A_499 : vector<16xi32>
      %mul3A_501 = arith.constant 25000 : i32
      %mul3A_502 = vector.broadcast %mul3A_501 : i32 to vector<16xi32>
      %mul3A_503 = arith.muli %add3A_500, %mul3A_502 : vector<16xi32>
      %sub3A_504 = arith.subi %gather3A_486, %mul3A_503 : vector<16xi32>
      %mul3A_505 = arith.constant 4 : i32
      %mul3A_506 = vector.broadcast %mul3A_505 : i32 to vector<16xi32>
      %mul3A_507 = arith.muli %sub3A_504, %mul3A_506 : vector<16xi32>
      %add3A_508 = arith.addi %mul3A_507, %add3A_500 : vector<16xi32>
      %mul3A_509 = arith.constant 16 : i32
      %mul3A_510 = arith.muli %mul3A_509, %scan3A_143 : i32
      %add3A_511 = arith.constant 5632 : i32
      %add3A_512 = arith.addi %add3A_511, %mul3A_510 : i32
      %swap3A_513 = arith.index_cast %add3A_512 : i32 to index
      %swap3A_514 = tpu.vector_load %arg10[%swap3A_513] {strides = array<i32>} : memref<8192xi32, #tpu.memory_space<vmem>>, vector<16xi32>,
      tpu.vector_store %arg10[%swap3A_513], %add3A_508 {strides = array<i32>} : memref<8192xi32, #tpu.memory_space<vmem>>, vector<16xi32>,
      %broadcast_in_dim3A_515 = arith.constant 12 : i32
      %broadcast_in_dim3A_516 = vector.broadcast %broadcast_in_dim3A_515 : i32 to vector<16xi32>
      %gather3A_517 = tpu.vector_load_idx %arg9[%add3A_148, %broadcast_in_dim3A_516] : memref<512x16xi32, #tpu.memory_space<vmem>>[vector<16xi32>, vector<16xi32>], vector<16xi32>,
      %ge3A_518 = arith.constant 25000 : i32
      %ge3A_519 = vector.broadcast %ge3A_518 : i32 to vector<16xi32>
      %ge3A_520 = arith.cmpi sge, %gather3A_517, %ge3A_519 : vector<16xi32>
      %convert_element_type3A_521 = arith.extui %ge3A_520 : vector<16xi1> to vector<16xi32>
      %ge3A_522 = arith.constant 50000 : i32
      %ge3A_523 = vector.broadcast %ge3A_522 : i32 to vector<16xi32>
      %ge3A_524 = arith.cmpi sge, %gather3A_517, %ge3A_523 : vector<16xi32>
      %convert_element_type3A_525 = arith.extui %ge3A_524 : vector<16xi1> to vector<16xi32>
      %add3A_526 = arith.addi %convert_element_type3A_521, %convert_element_type3A_525 : vector<16xi32>
      %ge3A_527 = arith.constant 75000 : i32
      %ge3A_528 = vector.broadcast %ge3A_527 : i32 to vector<16xi32>
      %ge3A_529 = arith.cmpi sge, %gather3A_517, %ge3A_528 : vector<16xi32>
      %convert_element_type3A_530 = arith.extui %ge3A_529 : vector<16xi1> to vector<16xi32>
      %add3A_531 = arith.addi %add3A_526, %convert_element_type3A_530 : vector<16xi32>
      %mul3A_532 = arith.constant 25000 : i32
      %mul3A_533 = vector.broadcast %mul3A_532 : i32 to vector<16xi32>
      %mul3A_534 = arith.muli %add3A_531, %mul3A_533 : vector<16xi32>
      %sub3A_535 = arith.subi %gather3A_517, %mul3A_534 : vector<16xi32>
      %mul3A_536 = arith.constant 4 : i32
      %mul3A_537 = vector.broadcast %mul3A_536 : i32 to vector<16xi32>
      %mul3A_538 = arith.muli %sub3A_535, %mul3A_537 : vector<16xi32>
      %add3A_539 = arith.addi %mul3A_538, %add3A_531 : vector<16xi32>
      %mul3A_540 = arith.constant 16 : i32
      %mul3A_541 = arith.muli %mul3A_540, %scan3A_143 : i32
      %add3A_542 = arith.constant 6144 : i32
      %add3A_543 = arith.addi %add3A_542, %mul3A_541 : i32
      %swap3A_544 = arith.index_cast %add3A_543 : i32 to index
      %swap3A_545 = tpu.vector_load %arg10[%swap3A_544] {strides = array<i32>} : memref<8192xi32, #tpu.memory_space<vmem>>, vector<16xi32>,
      tpu.vector_store %arg10[%swap3A_544], %add3A_539 {strides = array<i32>} : memref<8192xi32, #tpu.memory_space<vmem>>, vector<16xi32>,
      %broadcast_in_dim3A_546 = arith.constant 13 : i32
      %broadcast_in_dim3A_547 = vector.broadcast %broadcast_in_dim3A_546 : i32 to vector<16xi32>
      %gather3A_548 = tpu.vector_load_idx %arg9[%add3A_148, %broadcast_in_dim3A_547] : memref<512x16xi32, #tpu.memory_space<vmem>>[vector<16xi32>, vector<16xi32>], vector<16xi32>,
      %ge3A_549 = arith.constant 25000 : i32
      %ge3A_550 = vector.broadcast %ge3A_549 : i32 to vector<16xi32>
      %ge3A_551 = arith.cmpi sge, %gather3A_548, %ge3A_550 : vector<16xi32>
      %convert_element_type3A_552 = arith.extui %ge3A_551 : vector<16xi1> to vector<16xi32>
      %ge3A_553 = arith.constant 50000 : i32
      %ge3A_554 = vector.broadcast %ge3A_553 : i32 to vector<16xi32>
      %ge3A_555 = arith.cmpi sge, %gather3A_548, %ge3A_554 : vector<16xi32>
      %convert_element_type3A_556 = arith.extui %ge3A_555 : vector<16xi1> to vector<16xi32>
      %add3A_557 = arith.addi %convert_element_type3A_552, %convert_element_type3A_556 : vector<16xi32>
      %ge3A_558 = arith.constant 75000 : i32
      %ge3A_559 = vector.broadcast %ge3A_558 : i32 to vector<16xi32>
      %ge3A_560 = arith.cmpi sge, %gather3A_548, %ge3A_559 : vector<16xi32>
      %convert_element_type3A_561 = arith.extui %ge3A_560 : vector<16xi1> to vector<16xi32>
      %add3A_562 = arith.addi %add3A_557, %convert_element_type3A_561 : vector<16xi32>
      %mul3A_563 = arith.constant 25000 : i32
      %mul3A_564 = vector.broadcast %mul3A_563 : i32 to vector<16xi32>
      %mul3A_565 = arith.muli %add3A_562, %mul3A_564 : vector<16xi32>
      %sub3A_566 = arith.subi %gather3A_548, %mul3A_565 : vector<16xi32>
      %mul3A_567 = arith.constant 4 : i32
      %mul3A_568 = vector.broadcast %mul3A_567 : i32 to vector<16xi32>
      %mul3A_569 = arith.muli %sub3A_566, %mul3A_568 : vector<16xi32>
      %add3A_570 = arith.addi %mul3A_569, %add3A_562 : vector<16xi32>
      %mul3A_571 = arith.constant 16 : i32
      %mul3A_572 = arith.muli %mul3A_571, %scan3A_143 : i32
      %add3A_573 = arith.constant 6656 : i32
      %add3A_574 = arith.addi %add3A_573, %mul3A_572 : i32
      %swap3A_575 = arith.index_cast %add3A_574 : i32 to index
      %swap3A_576 = tpu.vector_load %arg10[%swap3A_575] {strides = array<i32>} : memref<8192xi32, #tpu.memory_space<vmem>>, vector<16xi32>,
      tpu.vector_store %arg10[%swap3A_575], %add3A_570 {strides = array<i32>} : memref<8192xi32, #tpu.memory_space<vmem>>, vector<16xi32>,
      %broadcast_in_dim3A_577 = arith.constant 14 : i32
      %broadcast_in_dim3A_578 = vector.broadcast %broadcast_in_dim3A_577 : i32 to vector<16xi32>
      %gather3A_579 = tpu.vector_load_idx %arg9[%add3A_148, %broadcast_in_dim3A_578] : memref<512x16xi32, #tpu.memory_space<vmem>>[vector<16xi32>, vector<16xi32>], vector<16xi32>,
      %ge3A_580 = arith.constant 25000 : i32
      %ge3A_581 = vector.broadcast %ge3A_580 : i32 to vector<16xi32>
      %ge3A_582 = arith.cmpi sge, %gather3A_579, %ge3A_581 : vector<16xi32>
      %convert_element_type3A_583 = arith.extui %ge3A_582 : vector<16xi1> to vector<16xi32>
      %ge3A_584 = arith.constant 50000 : i32
      %ge3A_585 = vector.broadcast %ge3A_584 : i32 to vector<16xi32>
      %ge3A_586 = arith.cmpi sge, %gather3A_579, %ge3A_585 : vector<16xi32>
      %convert_element_type3A_587 = arith.extui %ge3A_586 : vector<16xi1> to vector<16xi32>
      %add3A_588 = arith.addi %convert_element_type3A_583, %convert_element_type3A_587 : vector<16xi32>
      %ge3A_589 = arith.constant 75000 : i32
      %ge3A_590 = vector.broadcast %ge3A_589 : i32 to vector<16xi32>
      %ge3A_591 = arith.cmpi sge, %gather3A_579, %ge3A_590 : vector<16xi32>
      %convert_element_type3A_592 = arith.extui %ge3A_591 : vector<16xi1> to vector<16xi32>
      %add3A_593 = arith.addi %add3A_588, %convert_element_type3A_592 : vector<16xi32>
      %mul3A_594 = arith.constant 25000 : i32
      %mul3A_595 = vector.broadcast %mul3A_594 : i32 to vector<16xi32>
      %mul3A_596 = arith.muli %add3A_593, %mul3A_595 : vector<16xi32>
      %sub3A_597 = arith.subi %gather3A_579, %mul3A_596 : vector<16xi32>
      %mul3A_598 = arith.constant 4 : i32
      %mul3A_599 = vector.broadcast %mul3A_598 : i32 to vector<16xi32>
      %mul3A_600 = arith.muli %sub3A_597, %mul3A_599 : vector<16xi32>
      %add3A_601 = arith.addi %mul3A_600, %add3A_593 : vector<16xi32>
      %mul3A_602 = arith.constant 16 : i32
      %mul3A_603 = arith.muli %mul3A_602, %scan3A_143 : i32
      %add3A_604 = arith.constant 7168 : i32
      %add3A_605 = arith.addi %add3A_604, %mul3A_603 : i32
      %swap3A_606 = arith.index_cast %add3A_605 : i32 to index
      %swap3A_607 = tpu.vector_load %arg10[%swap3A_606] {strides = array<i32>} : memref<8192xi32, #tpu.memory_space<vmem>>, vector<16xi32>,
      tpu.vector_store %arg10[%swap3A_606], %add3A_601 {strides = array<i32>} : memref<8192xi32, #tpu.memory_space<vmem>>, vector<16xi32>,
      %broadcast_in_dim3A_608 = arith.constant 15 : i32
      %broadcast_in_dim3A_609 = vector.broadcast %broadcast_in_dim3A_608 : i32 to vector<16xi32>
      %gather3A_610 = tpu.vector_load_idx %arg9[%add3A_148, %broadcast_in_dim3A_609] : memref<512x16xi32, #tpu.memory_space<vmem>>[vector<16xi32>, vector<16xi32>], vector<16xi32>,
      %ge3A_611 = arith.constant 25000 : i32
      %ge3A_612 = vector.broadcast %ge3A_611 : i32 to vector<16xi32>
      %ge3A_613 = arith.cmpi sge, %gather3A_610, %ge3A_612 : vector<16xi32>
      %convert_element_type3A_614 = arith.extui %ge3A_613 : vector<16xi1> to vector<16xi32>
      %ge3A_615 = arith.constant 50000 : i32
      %ge3A_616 = vector.broadcast %ge3A_615 : i32 to vector<16xi32>
      %ge3A_617 = arith.cmpi sge, %gather3A_610, %ge3A_616 : vector<16xi32>
      %convert_element_type3A_618 = arith.extui %ge3A_617 : vector<16xi1> to vector<16xi32>
      %add3A_619 = arith.addi %convert_element_type3A_614, %convert_element_type3A_618 : vector<16xi32>
      %ge3A_620 = arith.constant 75000 : i32
      %ge3A_621 = vector.broadcast %ge3A_620 : i32 to vector<16xi32>
      %ge3A_622 = arith.cmpi sge, %gather3A_610, %ge3A_621 : vector<16xi32>
      %convert_element_type3A_623 = arith.extui %ge3A_622 : vector<16xi1> to vector<16xi32>
      %add3A_624 = arith.addi %add3A_619, %convert_element_type3A_623 : vector<16xi32>
      %mul3A_625 = arith.constant 25000 : i32
      %mul3A_626 = vector.broadcast %mul3A_625 : i32 to vector<16xi32>
      %mul3A_627 = arith.muli %add3A_624, %mul3A_626 : vector<16xi32>
      %sub3A_628 = arith.subi %gather3A_610, %mul3A_627 : vector<16xi32>
      %mul3A_629 = arith.constant 4 : i32
      %mul3A_630 = vector.broadcast %mul3A_629 : i32 to vector<16xi32>
      %mul3A_631 = arith.muli %sub3A_628, %mul3A_630 : vector<16xi32>
      %add3A_632 = arith.addi %mul3A_631, %add3A_624 : vector<16xi32>
      %mul3A_633 = arith.constant 16 : i32
      %mul3A_634 = arith.muli %mul3A_633, %scan3A_143 : i32
      %add3A_635 = arith.constant 7680 : i32
      %add3A_636 = arith.addi %add3A_635, %mul3A_634 : i32
      %swap3A_637 = arith.index_cast %add3A_636 : i32 to index
      %swap3A_638 = tpu.vector_load %arg10[%swap3A_637] {strides = array<i32>} : memref<8192xi32, #tpu.memory_space<vmem>>, vector<16xi32>,
      tpu.vector_store %arg10[%swap3A_637], %add3A_632 {strides = array<i32>} : memref<8192xi32, #tpu.memory_space<vmem>>, vector<16xi32>,
      %scan3A_639 = arith.constant 0 : i32
      scf.yield %scan3A_639 : i32
    }
    %scan3A_77 = arith.constant 32 : i32
    %dma_start3A_78 = arith.constant 0 : i32
    %dma_start3A_79 = tpu.memref_slice %arg8[%dma_start3A_78] : memref<512xi32, #tpu.memory_space<vmem>> -> memref<128xi32, #tpu.memory_space<vmem>>
    %dma_start3A_80 = arith.constant 0 : i32
    %dma_start3A_81 = arith.constant 0 : i32
    %dma_start3A_82 = tpu.memref_slice %arg4[%dma_start3A_80, %dma_start3A_81] : memref<100000x32xi32, #tpu.memory_space<hbm>> -> memref<100000x32xi32, #tpu.memory_space<hbm>>
    tpu.enqueue_indirect_dma source(%dma_start3A_82 : memref<100000x32xi32, #tpu.memory_space<hbm>>) target(%arg11 : memref<128x32xi32, #tpu.memory_space<vmem>>) offsets(%dma_start3A_79 : memref<128xi32, #tpu.memory_space<vmem>>) semaphore(%arg14 : memref<!tpu.dma_semaphore, #tpu.memory_space<semaphore_mem>>)
    %dma_start3A_83 = arith.constant 128 : i32
    %dma_start3A_84 = tpu.memref_slice %arg8[%dma_start3A_83] : memref<512xi32, #tpu.memory_space<vmem>> -> memref<128xi32, #tpu.memory_space<vmem>>
    %dma_start3A_85 = arith.constant 0 : i32
    %dma_start3A_86 = arith.constant 0 : i32
    %dma_start3A_87 = tpu.memref_slice %arg4[%dma_start3A_85, %dma_start3A_86] : memref<100000x32xi32, #tpu.memory_space<hbm>> -> memref<100000x32xi32, #tpu.memory_space<hbm>>
    tpu.enqueue_indirect_dma source(%dma_start3A_87 : memref<100000x32xi32, #tpu.memory_space<hbm>>) target(%arg12 : memref<128x32xi32, #tpu.memory_space<vmem>>) offsets(%dma_start3A_84 : memref<128xi32, #tpu.memory_space<vmem>>) semaphore(%arg15 : memref<!tpu.dma_semaphore, #tpu.memory_space<semaphore_mem>>)
    %dma_wait3A_88 = arith.constant 0 : i32
    %dma_wait3A_89 = tpu.memref_slice %arg8[%dma_wait3A_88] : memref<512xi32, #tpu.memory_space<vmem>> -> memref<128xi32, #tpu.memory_space<vmem>>
    %dma_wait3A_90 = arith.constant 0 : i32
    %dma_wait3A_91 = arith.constant 0 : i32
    %dma_wait3A_92 = tpu.memref_slice %arg4[%dma_wait3A_90, %dma_wait3A_91] : memref<100000x32xi32, #tpu.memory_space<hbm>> -> memref<100000x32xi32, #tpu.memory_space<hbm>>
    tpu.wait_indirect_dma semaphore(%arg14 : memref<!tpu.dma_semaphore, #tpu.memory_space<semaphore_mem>>) src(%dma_wait3A_92 : memref<100000x32xi32, #tpu.memory_space<hbm>>) dst(%arg11 : memref<128x32xi32, #tpu.memory_space<vmem>>)
    %add3A_93 = arith.constant 0 : i32
    %add3A_94 = arith.addi %mul3A_2, %add3A_93 : i32
    "tpu.region"() ({
      %run_scoped3A = tpu.sem_alloc : memref<!tpu.dma_semaphore, #tpu.memory_space<semaphore_mem>>
      %dma_start3A_143 = arith.constant 0 : i32
      %dma_start3A_144 = tpu.memref_slice %arg5[%add3A_94, %dma_start3A_143] : memref<16384x32xi32, #tpu.memory_space<hbm>> -> memref<128x32xi32, #tpu.memory_space<hbm>>
      %dma_start3A_145 = arith.constant 0 : i32
      %dma_start3A_146 = tpu.memref_slice %arg5[%add3A_94, %dma_start3A_145] : memref<16384x32xi32, #tpu.memory_space<hbm>> -> memref<128x32xi32, #tpu.memory_space<hbm>>
      tpu.enqueue_dma source(%arg11 : memref<128x32xi32, #tpu.memory_space<vmem>>) target(%dma_start3A_146 : memref<128x32xi32, #tpu.memory_space<hbm>>) target_semaphore(%run_scoped3A : memref<!tpu.dma_semaphore, #tpu.memory_space<semaphore_mem>>)
      %dma_wait3A_147 = arith.constant 0 : i32
      %dma_wait3A_148 = tpu.memref_slice %arg5[%add3A_94, %dma_wait3A_147] : memref<16384x32xi32, #tpu.memory_space<hbm>> -> memref<128x32xi32, #tpu.memory_space<hbm>>
      %dma_wait3A_149 = arith.constant 0 : i32
      %dma_wait3A_150 = tpu.memref_slice %arg5[%add3A_94, %dma_wait3A_149] : memref<16384x32xi32, #tpu.memory_space<hbm>> -> memref<128x32xi32, #tpu.memory_space<hbm>>
      tpu.wait_dma2 semaphore(%run_scoped3A : memref<!tpu.dma_semaphore, #tpu.memory_space<semaphore_mem>>) src(%arg11 : memref<128x32xi32, #tpu.memory_space<vmem>>) dst(%dma_wait3A_150 : memref<128x32xi32, #tpu.memory_space<hbm>>)
      tpu.yield
    }) : () -> ()
    %dma_start3A_95 = arith.constant 256 : i32
    %dma_start3A_96 = tpu.memref_slice %arg8[%dma_start3A_95] : memref<512xi32, #tpu.memory_space<vmem>> -> memref<128xi32, #tpu.memory_space<vmem>>
    %dma_start3A_97 = arith.constant 0 : i32
    %dma_start3A_98 = arith.constant 0 : i32
    %dma_start3A_99 = tpu.memref_slice %arg4[%dma_start3A_97, %dma_start3A_98] : memref<100000x32xi32, #tpu.memory_space<hbm>> -> memref<100000x32xi32, #tpu.memory_space<hbm>>
    tpu.enqueue_indirect_dma source(%dma_start3A_99 : memref<100000x32xi32, #tpu.memory_space<hbm>>) target(%arg11 : memref<128x32xi32, #tpu.memory_space<vmem>>) offsets(%dma_start3A_96 : memref<128xi32, #tpu.memory_space<vmem>>) semaphore(%arg14 : memref<!tpu.dma_semaphore, #tpu.memory_space<semaphore_mem>>)
    %dma_wait3A_100 = arith.constant 128 : i32
    %dma_wait3A_101 = tpu.memref_slice %arg8[%dma_wait3A_100] : memref<512xi32, #tpu.memory_space<vmem>> -> memref<128xi32, #tpu.memory_space<vmem>>
    %dma_wait3A_102 = arith.constant 0 : i32
    %dma_wait3A_103 = arith.constant 0 : i32
    %dma_wait3A_104 = tpu.memref_slice %arg4[%dma_wait3A_102, %dma_wait3A_103] : memref<100000x32xi32, #tpu.memory_space<hbm>> -> memref<100000x32xi32, #tpu.memory_space<hbm>>
    tpu.wait_indirect_dma semaphore(%arg15 : memref<!tpu.dma_semaphore, #tpu.memory_space<semaphore_mem>>) src(%dma_wait3A_104 : memref<100000x32xi32, #tpu.memory_space<hbm>>) dst(%arg12 : memref<128x32xi32, #tpu.memory_space<vmem>>)
    %add3A_105 = arith.constant 128 : i32
    %add3A_106 = arith.addi %mul3A_2, %add3A_105 : i32
    "tpu.region"() ({
      %run_scoped3A = tpu.sem_alloc : memref<!tpu.dma_semaphore, #tpu.memory_space<semaphore_mem>>
      %dma_start3A_143 = arith.constant 0 : i32
      %dma_start3A_144 = tpu.memref_slice %arg5[%add3A_106, %dma_start3A_143] : memref<16384x32xi32, #tpu.memory_space<hbm>> -> memref<128x32xi32, #tpu.memory_space<hbm>>
      %dma_start3A_145 = arith.constant 0 : i32
      %dma_start3A_146 = tpu.memref_slice %arg5[%add3A_106, %dma_start3A_145] : memref<16384x32xi32, #tpu.memory_space<hbm>> -> memref<128x32xi32, #tpu.memory_space<hbm>>
      tpu.enqueue_dma source(%arg12 : memref<128x32xi32, #tpu.memory_space<vmem>>) target(%dma_start3A_146 : memref<128x32xi32, #tpu.memory_space<hbm>>) target_semaphore(%run_scoped3A : memref<!tpu.dma_semaphore, #tpu.memory_space<semaphore_mem>>)
      %dma_wait3A_147 = arith.constant 0 : i32
      %dma_wait3A_148 = tpu.memref_slice %arg5[%add3A_106, %dma_wait3A_147] : memref<16384x32xi32, #tpu.memory_space<hbm>> -> memref<128x32xi32, #tpu.memory_space<hbm>>
      %dma_wait3A_149 = arith.constant 0 : i32
      %dma_wait3A_150 = tpu.memref_slice %arg5[%add3A_106, %dma_wait3A_149] : memref<16384x32xi32, #tpu.memory_space<hbm>> -> memref<128x32xi32, #tpu.memory_space<hbm>>
      tpu.wait_dma2 semaphore(%run_scoped3A : memref<!tpu.dma_semaphore, #tpu.memory_space<semaphore_mem>>) src(%arg12 : memref<128x32xi32, #tpu.memory_space<vmem>>) dst(%dma_wait3A_150 : memref<128x32xi32, #tpu.memory_space<hbm>>)
      tpu.yield
    }) : () -> ()
    %dma_start3A_107 = arith.constant 384 : i32
    %dma_start3A_108 = tpu.memref_slice %arg8[%dma_start3A_107] : memref<512xi32, #tpu.memory_space<vmem>> -> memref<128xi32, #tpu.memory_space<vmem>>
    %dma_start3A_109 = arith.constant 0 : i32
    %dma_start3A_110 = arith.constant 0 : i32
    %dma_start3A_111 = tpu.memref_slice %arg4[%dma_start3A_109, %dma_start3A_110] : memref<100000x32xi32, #tpu.memory_space<hbm>> -> memref<100000x32xi32, #tpu.memory_space<hbm>>
    tpu.enqueue_indirect_dma source(%dma_start3A_111 : memref<100000x32xi32, #tpu.memory_space<hbm>>) target(%arg12 : memref<128x32xi32, #tpu.memory_space<vmem>>) offsets(%dma_start3A_108 : memref<128xi32, #tpu.memory_space<vmem>>) semaphore(%arg15 : memref<!tpu.dma_semaphore, #tpu.memory_space<semaphore_mem>>)
    %dma_wait3A_112 = arith.constant 256 : i32
    %dma_wait3A_113 = tpu.memref_slice %arg8[%dma_wait3A_112] : memref<512xi32, #tpu.memory_space<vmem>> -> memref<128xi32, #tpu.memory_space<vmem>>
    %dma_wait3A_114 = arith.constant 0 : i32
    %dma_wait3A_115 = arith.constant 0 : i32
    %dma_wait3A_116 = tpu.memref_slice %arg4[%dma_wait3A_114, %dma_wait3A_115] : memref<100000x32xi32, #tpu.memory_space<hbm>> -> memref<100000x32xi32, #tpu.memory_space<hbm>>
    tpu.wait_indirect_dma semaphore(%arg14 : memref<!tpu.dma_semaphore, #tpu.memory_space<semaphore_mem>>) src(%dma_wait3A_116 : memref<100000x32xi32, #tpu.memory_space<hbm>>) dst(%arg11 : memref<128x32xi32, #tpu.memory_space<vmem>>)
    %add3A_117 = arith.constant 256 : i32
    %add3A_118 = arith.addi %mul3A_2, %add3A_117 : i32
    "tpu.region"() ({
      %run_scoped3A = tpu.sem_alloc : memref<!tpu.dma_semaphore, #tpu.memory_space<semaphore_mem>>
      %dma_start3A_143 = arith.constant 0 : i32
      %dma_start3A_144 = tpu.memref_slice %arg5[%add3A_118, %dma_start3A_143] : memref<16384x32xi32, #tpu.memory_space<hbm>> -> memref<128x32xi32, #tpu.memory_space<hbm>>
      %dma_start3A_145 = arith.constant 0 : i32
      %dma_start3A_146 = tpu.memref_slice %arg5[%add3A_118, %dma_start3A_145] : memref<16384x32xi32, #tpu.memory_space<hbm>> -> memref<128x32xi32, #tpu.memory_space<hbm>>
      tpu.enqueue_dma source(%arg11 : memref<128x32xi32, #tpu.memory_space<vmem>>) target(%dma_start3A_146 : memref<128x32xi32, #tpu.memory_space<hbm>>) target_semaphore(%run_scoped3A : memref<!tpu.dma_semaphore, #tpu.memory_space<semaphore_mem>>)
      %dma_wait3A_147 = arith.constant 0 : i32
      %dma_wait3A_148 = tpu.memref_slice %arg5[%add3A_118, %dma_wait3A_147] : memref<16384x32xi32, #tpu.memory_space<hbm>> -> memref<128x32xi32, #tpu.memory_space<hbm>>
      %dma_wait3A_149 = arith.constant 0 : i32
      %dma_wait3A_150 = tpu.memref_slice %arg5[%add3A_118, %dma_wait3A_149] : memref<16384x32xi32, #tpu.memory_space<hbm>> -> memref<128x32xi32, #tpu.memory_space<hbm>>
      tpu.wait_dma2 semaphore(%run_scoped3A : memref<!tpu.dma_semaphore, #tpu.memory_space<semaphore_mem>>) src(%arg11 : memref<128x32xi32, #tpu.memory_space<vmem>>) dst(%dma_wait3A_150 : memref<128x32xi32, #tpu.memory_space<hbm>>)
      tpu.yield
    }) : () -> ()
    %dma_start3A_119 = arith.constant 0 : i32
    %dma_start3A_120 = tpu.memref_slice %arg10[%dma_start3A_119] : memref<8192xi32, #tpu.memory_space<vmem>> -> memref<128xi32, #tpu.memory_space<vmem>>
    %dma_start3A_121 = arith.constant 0 : i32
    %dma_start3A_122 = arith.constant 0 : i32
    %dma_start3A_123 = tpu.memref_slice %arg4[%dma_start3A_121, %dma_start3A_122] : memref<100000x32xi32, #tpu.memory_space<hbm>> -> memref<100000x32xi32, #tpu.memory_space<hbm>>
    tpu.enqueue_indirect_dma source(%dma_start3A_123 : memref<100000x32xi32, #tpu.memory_space<hbm>>) target(%arg11 : memref<128x32xi32, #tpu.memory_space<vmem>>) offsets(%dma_start3A_120 : memref<128xi32, #tpu.memory_space<vmem>>) semaphore(%arg14 : memref<!tpu.dma_semaphore, #tpu.memory_space<semaphore_mem>>)
    %dma_wait3A_124 = arith.constant 384 : i32
    %dma_wait3A_125 = tpu.memref_slice %arg8[%dma_wait3A_124] : memref<512xi32, #tpu.memory_space<vmem>> -> memref<128xi32, #tpu.memory_space<vmem>>
    %dma_wait3A_126 = arith.constant 0 : i32
    %dma_wait3A_127 = arith.constant 0 : i32
    %dma_wait3A_128 = tpu.memref_slice %arg4[%dma_wait3A_126, %dma_wait3A_127] : memref<100000x32xi32, #tpu.memory_space<hbm>> -> memref<100000x32xi32, #tpu.memory_space<hbm>>
    tpu.wait_indirect_dma semaphore(%arg15 : memref<!tpu.dma_semaphore, #tpu.memory_space<semaphore_mem>>) src(%dma_wait3A_128 : memref<100000x32xi32, #tpu.memory_space<hbm>>) dst(%arg12 : memref<128x32xi32, #tpu.memory_space<vmem>>)
    %add3A_129 = arith.constant 384 : i32
    %add3A_130 = arith.addi %mul3A_2, %add3A_129 : i32
    "tpu.region"() ({
      %run_scoped3A = tpu.sem_alloc : memref<!tpu.dma_semaphore, #tpu.memory_space<semaphore_mem>>
      %dma_start3A_143 = arith.constant 0 : i32
      %dma_start3A_144 = tpu.memref_slice %arg5[%add3A_130, %dma_start3A_143] : memref<16384x32xi32, #tpu.memory_space<hbm>> -> memref<128x32xi32, #tpu.memory_space<hbm>>
      %dma_start3A_145 = arith.constant 0 : i32
      %dma_start3A_146 = tpu.memref_slice %arg5[%add3A_130, %dma_start3A_145] : memref<16384x32xi32, #tpu.memory_space<hbm>> -> memref<128x32xi32, #tpu.memory_space<hbm>>
      tpu.enqueue_dma source(%arg12 : memref<128x32xi32, #tpu.memory_space<vmem>>) target(%dma_start3A_146 : memref<128x32xi32, #tpu.memory_space<hbm>>) target_semaphore(%run_scoped3A : memref<!tpu.dma_semaphore, #tpu.memory_space<semaphore_mem>>)
      %dma_wait3A_147 = arith.constant 0 : i32
      %dma_wait3A_148 = tpu.memref_slice %arg5[%add3A_130, %dma_wait3A_147] : memref<16384x32xi32, #tpu.memory_space<hbm>> -> memref<128x32xi32, #tpu.memory_space<hbm>>
      %dma_wait3A_149 = arith.constant 0 : i32
      %dma_wait3A_150 = tpu.memref_slice %arg5[%add3A_130, %dma_wait3A_149] : memref<16384x32xi32, #tpu.memory_space<hbm>> -> memref<128x32xi32, #tpu.memory_space<hbm>>
      tpu.wait_dma2 semaphore(%run_scoped3A : memref<!tpu.dma_semaphore, #tpu.memory_space<semaphore_mem>>) src(%arg12 : memref<128x32xi32, #tpu.memory_space<vmem>>) dst(%dma_wait3A_150 : memref<128x32xi32, #tpu.memory_space<hbm>>)
      tpu.yield
    }) : () -> ()
    %dma_start3A_131 = arith.constant 128 : i32
    %dma_start3A_132 = tpu.memref_slice %arg10[%dma_start3A_131] : memref<8192xi32, #tpu.memory_space<vmem>> -> memref<128xi32, #tpu.memory_space<vmem>>
    %dma_start3A_133 = arith.constant 0 : i32
    %dma_start3A_134 = arith.constant 0 : i32
    %dma_start3A_135 = tpu.memref_slice %arg4[%dma_start3A_133, %dma_start3A_134] : memref<100000x32xi32, #tpu.memory_space<hbm>> -> memref<100000x32xi32, #tpu.memory_space<hbm>>
    tpu.enqueue_indirect_dma source(%dma_start3A_135 : memref<100000x32xi32, #tpu.memory_space<hbm>>) target(%arg12 : memref<128x32xi32, #tpu.memory_space<vmem>>) offsets(%dma_start3A_132 : memref<128xi32, #tpu.memory_space<vmem>>) semaphore(%arg15 : memref<!tpu.dma_semaphore, #tpu.memory_space<semaphore_mem>>)
    %scan3A_136 = arith.constant 0 : i32
    %scan3A_137 = arith.constant 0 : i32
    %scan3A_138 = arith.constant 32 : i32
    %scan3A_139 = arith.addi %scan3A_137, %scan3A_138 : i32
    %scan3A_140 = arith.constant 1 : i32
    %scan3A_141 = scf.for %scan3A_143 = %scan3A_137 to %scan3A_139 step %scan3A_140 iter_args(%scan3A_144 = %scan3A_136) -> (i32)  : i32 {
      %mul3A_145 = arith.constant 2 : i32
      %mul3A_146 = arith.muli %mul3A_145, %scan3A_143 : i32
      %mul3A_147 = arith.constant 128 : i32
      %mul3A_148 = arith.muli %mul3A_146, %mul3A_147 : i32
      %dma_wait3A_149 = tpu.memref_slice %arg10[%mul3A_148] : memref<8192xi32, #tpu.memory_space<vmem>> -> memref<128xi32, #tpu.memory_space<vmem>>
      %dma_wait3A_150 = arith.constant 0 : i32
      %dma_wait3A_151 = arith.constant 0 : i32
      %dma_wait3A_152 = tpu.memref_slice %arg4[%dma_wait3A_150, %dma_wait3A_151] : memref<100000x32xi32, #tpu.memory_space<hbm>> -> memref<100000x32xi32, #tpu.memory_space<hbm>>
      tpu.wait_indirect_dma semaphore(%arg14 : memref<!tpu.dma_semaphore, #tpu.memory_space<semaphore_mem>>) src(%dma_wait3A_152 : memref<100000x32xi32, #tpu.memory_space<hbm>>) dst(%arg11 : memref<128x32xi32, #tpu.memory_space<vmem>>)
      %jit3A = arith.constant 4 : i32
      %div3A = arith.divsi %mul3A_146, %jit3A : i32
      %sign3A = arith.constant 0 : i32
      %sign3A_153 = arith.cmpi sgt, %mul3A_146, %sign3A : i32
      %sign3A_154 = arith.extui %sign3A_153 : i1 to i32
      %sign3A_155 = arith.constant 0 : i32
      %sign3A_156 = arith.cmpi slt, %mul3A_146, %sign3A_155 : i32
      %sign3A_157 = arith.extui %sign3A_156 : i1 to i32
      %sign3A_158 = arith.subi %sign3A_154, %sign3A_157 : i32
      %sign3A_159 = arith.constant 0 : i32
      %sign3A_160 = arith.cmpi sgt, %jit3A, %sign3A_159 : i32
      %sign3A_161 = arith.extui %sign3A_160 : i1 to i32
      %sign3A_162 = arith.constant 0 : i32
      %sign3A_163 = arith.cmpi slt, %jit3A, %sign3A_162 : i32
      %sign3A_164 = arith.extui %sign3A_163 : i1 to i32
      %sign3A_165 = arith.subi %sign3A_161, %sign3A_164 : i32
      %ne3A = arith.cmpi ne, %sign3A_158, %sign3A_165 : i32
      %rem3A = arith.remsi %mul3A_146, %jit3A : i32
      %ne3A_166 = arith.constant 0 : i32
      %ne3A_167 = arith.cmpi ne, %rem3A, %ne3A_166 : i32
      %and3A = arith.andi %ne3A, %ne3A_167 : i1
      %sub3A = arith.constant 1 : i32
      %sub3A_168 = arith.subi %div3A, %sub3A : i32
      %select_n3A = arith.select %and3A, %sub3A_168, %div3A : i32
      %jit3A_169 = arith.constant 4 : i32
      %eq3A = arith.constant 0 : i32
      %eq3A_170 = arith.cmpi eq, %jit3A_169, %eq3A : i32
      %jit3A_171 = arith.constant 1 : i32
      %select_n3A_172 = arith.select %eq3A_170, %jit3A_171, %jit3A_169 : i32
      %rem3A_173 = arith.remsi %mul3A_146, %select_n3A_172 : i32
      %ne3A_174 = arith.constant 0 : i32
      %ne3A_175 = arith.cmpi ne, %rem3A_173, %ne3A_174 : i32
      %lt3A = arith.constant 0 : i32
      %lt3A_176 = arith.cmpi slt, %rem3A_173, %lt3A : i32
      %lt3A_177 = arith.constant 0 : i32
      %lt3A_178 = arith.cmpi slt, %select_n3A_172, %lt3A_177 : i32
      %ne3A_179 = arith.xori %lt3A_176, %lt3A_178 : i1
      %and3A_180 = arith.andi %ne3A_179, %ne3A_175 : i1
      %add3A_181 = arith.addi %rem3A_173, %select_n3A_172 : i32
      %select_n3A_182 = arith.select %and3A_180, %add3A_181, %rem3A_173 : i32
      %mul3A_183 = arith.constant 128 : i32
      %mul3A_184 = arith.muli %select_n3A_182, %mul3A_183 : i32
      %add3A_185 = arith.addi %mul3A_2, %mul3A_184 : i32
      "tpu.region"() ({
        %run_scoped3A = tpu.sem_alloc : memref<!tpu.dma_semaphore, #tpu.memory_space<semaphore_mem>>
        %dma_start3A_252 = arith.constant 0 : i32
        %dma_start3A_253 = tpu.memref_slice %arg6[%select_n3A, %add3A_185, %dma_start3A_252] : memref<16x16384x32xi32, #tpu.memory_space<hbm>> -> memref<1x128x32xi32, #tpu.memory_space<hbm>>
        %dma_start3A_254 = tpu.memref_squeeze %dma_start3A_253 : memref<1x128x32xi32, #tpu.memory_space<hbm>> -> memref<128x32xi32, #tpu.memory_space<hbm>>
        %dma_start3A_255 = arith.constant 0 : i32
        %dma_start3A_256 = tpu.memref_slice %arg6[%select_n3A, %add3A_185, %dma_start3A_255] : memref<16x16384x32xi32, #tpu.memory_space<hbm>> -> memref<1x128x32xi32, #tpu.memory_space<hbm>>
        %dma_start3A_257 = tpu.memref_squeeze %dma_start3A_256 : memref<1x128x32xi32, #tpu.memory_space<hbm>> -> memref<128x32xi32, #tpu.memory_space<hbm>>
        tpu.enqueue_dma source(%arg11 : memref<128x32xi32, #tpu.memory_space<vmem>>) target(%dma_start3A_257 : memref<128x32xi32, #tpu.memory_space<hbm>>) target_semaphore(%run_scoped3A : memref<!tpu.dma_semaphore, #tpu.memory_space<semaphore_mem>>)
        %dma_wait3A_258 = arith.constant 0 : i32
        %dma_wait3A_259 = tpu.memref_slice %arg6[%select_n3A, %add3A_185, %dma_wait3A_258] : memref<16x16384x32xi32, #tpu.memory_space<hbm>> -> memref<1x128x32xi32, #tpu.memory_space<hbm>>
        %dma_wait3A_260 = tpu.memref_squeeze %dma_wait3A_259 : memref<1x128x32xi32, #tpu.memory_space<hbm>> -> memref<128x32xi32, #tpu.memory_space<hbm>>
        %dma_wait3A_261 = arith.constant 0 : i32
        %dma_wait3A_262 = tpu.memref_slice %arg6[%select_n3A, %add3A_185, %dma_wait3A_261] : memref<16x16384x32xi32, #tpu.memory_space<hbm>> -> memref<1x128x32xi32, #tpu.memory_space<hbm>>
        %dma_wait3A_263 = tpu.memref_squeeze %dma_wait3A_262 : memref<1x128x32xi32, #tpu.memory_space<hbm>> -> memref<128x32xi32, #tpu.memory_space<hbm>>
        tpu.wait_dma2 semaphore(%run_scoped3A : memref<!tpu.dma_semaphore, #tpu.memory_space<semaphore_mem>>) src(%arg11 : memref<128x32xi32, #tpu.memory_space<vmem>>) dst(%dma_wait3A_263 : memref<128x32xi32, #tpu.memory_space<hbm>>)
        tpu.yield
      }) : () -> ()
      %add3A_186 = arith.constant 2 : i32
      %add3A_187 = arith.addi %mul3A_146, %add3A_186 : i32
      %lt3A_188 = arith.constant 64 : i32
      %lt3A_189 = arith.cmpi slt, %add3A_187, %lt3A_188 : i32
      %convert_element_type3A = arith.extui %lt3A_189 : i1 to i32
      %cond3A = arith.constant 0 : i32
      %cond3A_190 = arith.cmpi ne, %convert_element_type3A, %cond3A : i32
      scf.if %cond3A_190 {
        %add3A_252 = arith.constant 2 : i32
        %add3A_253 = arith.addi %mul3A_146, %add3A_252 : i32
        %mul3A_254 = arith.constant 128 : i32
        %mul3A_255 = arith.muli %add3A_253, %mul3A_254 : i32
        %dma_start3A_256 = tpu.memref_slice %arg10[%mul3A_255] : memref<8192xi32, #tpu.memory_space<vmem>> -> memref<128xi32, #tpu.memory_space<vmem>>
        %dma_start3A_257 = arith.constant 0 : i32
        %dma_start3A_258 = arith.constant 0 : i32
        %dma_start3A_259 = tpu.memref_slice %arg4[%dma_start3A_257, %dma_start3A_258] : memref<100000x32xi32, #tpu.memory_space<hbm>> -> memref<100000x32xi32, #tpu.memory_space<hbm>>
        tpu.enqueue_indirect_dma source(%dma_start3A_259 : memref<100000x32xi32, #tpu.memory_space<hbm>>) target(%arg11 : memref<128x32xi32, #tpu.memory_space<vmem>>) offsets(%dma_start3A_256 : memref<128xi32, #tpu.memory_space<vmem>>) semaphore(%arg14 : memref<!tpu.dma_semaphore, #tpu.memory_space<semaphore_mem>>)
      } else {
      }
      %add3A_191 = arith.constant 1 : i32
      %add3A_192 = arith.addi %mul3A_146, %add3A_191 : i32
      %mul3A_193 = arith.constant 128 : i32
      %mul3A_194 = arith.muli %add3A_192, %mul3A_193 : i32
      %dma_wait3A_195 = tpu.memref_slice %arg10[%mul3A_194] : memref<8192xi32, #tpu.memory_space<vmem>> -> memref<128xi32, #tpu.memory_space<vmem>>
      %dma_wait3A_196 = arith.constant 0 : i32
      %dma_wait3A_197 = arith.constant 0 : i32
      %dma_wait3A_198 = tpu.memref_slice %arg4[%dma_wait3A_196, %dma_wait3A_197] : memref<100000x32xi32, #tpu.memory_space<hbm>> -> memref<100000x32xi32, #tpu.memory_space<hbm>>
      tpu.wait_indirect_dma semaphore(%arg15 : memref<!tpu.dma_semaphore, #tpu.memory_space<semaphore_mem>>) src(%dma_wait3A_198 : memref<100000x32xi32, #tpu.memory_space<hbm>>) dst(%arg12 : memref<128x32xi32, #tpu.memory_space<vmem>>)
      %add3A_199 = arith.constant 1 : i32
      %add3A_200 = arith.addi %mul3A_146, %add3A_199 : i32
      %jit3A_201 = arith.constant 4 : i32
      %div3A_202 = arith.divsi %add3A_200, %jit3A_201 : i32
      %sign3A_203 = arith.constant 0 : i32
      %sign3A_204 = arith.cmpi sgt, %add3A_200, %sign3A_203 : i32
      %sign3A_205 = arith.extui %sign3A_204 : i1 to i32
      %sign3A_206 = arith.constant 0 : i32
      %sign3A_207 = arith.cmpi slt, %add3A_200, %sign3A_206 : i32
      %sign3A_208 = arith.extui %sign3A_207 : i1 to i32
      %sign3A_209 = arith.subi %sign3A_205, %sign3A_208 : i32
      %sign3A_210 = arith.constant 0 : i32
      %sign3A_211 = arith.cmpi sgt, %jit3A_201, %sign3A_210 : i32
      %sign3A_212 = arith.extui %sign3A_211 : i1 to i32
      %sign3A_213 = arith.constant 0 : i32
      %sign3A_214 = arith.cmpi slt, %jit3A_201, %sign3A_213 : i32
      %sign3A_215 = arith.extui %sign3A_214 : i1 to i32
      %sign3A_216 = arith.subi %sign3A_212, %sign3A_215 : i32
      %ne3A_217 = arith.cmpi ne, %sign3A_209, %sign3A_216 : i32
      %rem3A_218 = arith.remsi %add3A_200, %jit3A_201 : i32
      %ne3A_219 = arith.constant 0 : i32
      %ne3A_220 = arith.cmpi ne, %rem3A_218, %ne3A_219 : i32
      %and3A_221 = arith.andi %ne3A_217, %ne3A_220 : i1
      %sub3A_222 = arith.constant 1 : i32
      %sub3A_223 = arith.subi %div3A_202, %sub3A_222 : i32
      %select_n3A_224 = arith.select %and3A_221, %sub3A_223, %div3A_202 : i32
      %jit3A_225 = arith.constant 4 : i32
      %eq3A_226 = arith.constant 0 : i32
      %eq3A_227 = arith.cmpi eq, %jit3A_225, %eq3A_226 : i32
      %jit3A_228 = arith.constant 1 : i32
      %select_n3A_229 = arith.select %eq3A_227, %jit3A_228, %jit3A_225 : i32
      %rem3A_230 = arith.remsi %add3A_200, %select_n3A_229 : i32
      %ne3A_231 = arith.constant 0 : i32
      %ne3A_232 = arith.cmpi ne, %rem3A_230, %ne3A_231 : i32
      %lt3A_233 = arith.constant 0 : i32
      %lt3A_234 = arith.cmpi slt, %rem3A_230, %lt3A_233 : i32
      %lt3A_235 = arith.constant 0 : i32
      %lt3A_236 = arith.cmpi slt, %select_n3A_229, %lt3A_235 : i32
      %ne3A_237 = arith.xori %lt3A_234, %lt3A_236 : i1
      %and3A_238 = arith.andi %ne3A_237, %ne3A_232 : i1
      %add3A_239 = arith.addi %rem3A_230, %select_n3A_229 : i32
      %select_n3A_240 = arith.select %and3A_238, %add3A_239, %rem3A_230 : i32
      %mul3A_241 = arith.constant 128 : i32
      %mul3A_242 = arith.muli %select_n3A_240, %mul3A_241 : i32
      %add3A_243 = arith.addi %mul3A_2, %mul3A_242 : i32
      "tpu.region"() ({
        %run_scoped3A = tpu.sem_alloc : memref<!tpu.dma_semaphore, #tpu.memory_space<semaphore_mem>>
        %dma_start3A_252 = arith.constant 0 : i32
        %dma_start3A_253 = tpu.memref_slice %arg6[%select_n3A_224, %add3A_243, %dma_start3A_252] : memref<16x16384x32xi32, #tpu.memory_space<hbm>> -> memref<1x128x32xi32, #tpu.memory_space<hbm>>
        %dma_start3A_254 = tpu.memref_squeeze %dma_start3A_253 : memref<1x128x32xi32, #tpu.memory_space<hbm>> -> memref<128x32xi32, #tpu.memory_space<hbm>>
        %dma_start3A_255 = arith.constant 0 : i32
        %dma_start3A_256 = tpu.memref_slice %arg6[%select_n3A_224, %add3A_243, %dma_start3A_255] : memref<16x16384x32xi32, #tpu.memory_space<hbm>> -> memref<1x128x32xi32, #tpu.memory_space<hbm>>
        %dma_start3A_257 = tpu.memref_squeeze %dma_start3A_256 : memref<1x128x32xi32, #tpu.memory_space<hbm>> -> memref<128x32xi32, #tpu.memory_space<hbm>>
        tpu.enqueue_dma source(%arg12 : memref<128x32xi32, #tpu.memory_space<vmem>>) target(%dma_start3A_257 : memref<128x32xi32, #tpu.memory_space<hbm>>) target_semaphore(%run_scoped3A : memref<!tpu.dma_semaphore, #tpu.memory_space<semaphore_mem>>)
        %dma_wait3A_258 = arith.constant 0 : i32
        %dma_wait3A_259 = tpu.memref_slice %arg6[%select_n3A_224, %add3A_243, %dma_wait3A_258] : memref<16x16384x32xi32, #tpu.memory_space<hbm>> -> memref<1x128x32xi32, #tpu.memory_space<hbm>>
        %dma_wait3A_260 = tpu.memref_squeeze %dma_wait3A_259 : memref<1x128x32xi32, #tpu.memory_space<hbm>> -> memref<128x32xi32, #tpu.memory_space<hbm>>
        %dma_wait3A_261 = arith.constant 0 : i32
        %dma_wait3A_262 = tpu.memref_slice %arg6[%select_n3A_224, %add3A_243, %dma_wait3A_261] : memref<16x16384x32xi32, #tpu.memory_space<hbm>> -> memref<1x128x32xi32, #tpu.memory_space<hbm>>
        %dma_wait3A_263 = tpu.memref_squeeze %dma_wait3A_262 : memref<1x128x32xi32, #tpu.memory_space<hbm>> -> memref<128x32xi32, #tpu.memory_space<hbm>>
        tpu.wait_dma2 semaphore(%run_scoped3A : memref<!tpu.dma_semaphore, #tpu.memory_space<semaphore_mem>>) src(%arg12 : memref<128x32xi32, #tpu.memory_space<vmem>>) dst(%dma_wait3A_263 : memref<128x32xi32, #tpu.memory_space<hbm>>)
        tpu.yield
      }) : () -> ()
      %add3A_244 = arith.constant 3 : i32
      %add3A_245 = arith.addi %mul3A_146, %add3A_244 : i32
      %lt3A_246 = arith.constant 64 : i32
      %lt3A_247 = arith.cmpi slt, %add3A_245, %lt3A_246 : i32
      %convert_element_type3A_248 = arith.extui %lt3A_247 : i1 to i32
      %cond3A_249 = arith.constant 0 : i32
      %cond3A_250 = arith.cmpi ne, %convert_element_type3A_248, %cond3A_249 : i32
      scf.if %cond3A_250 {
        %add3A_252 = arith.constant 3 : i32
        %add3A_253 = arith.addi %mul3A_146, %add3A_252 : i32
        %mul3A_254 = arith.constant 128 : i32
        %mul3A_255 = arith.muli %add3A_253, %mul3A_254 : i32
        %dma_start3A_256 = tpu.memref_slice %arg10[%mul3A_255] : memref<8192xi32, #tpu.memory_space<vmem>> -> memref<128xi32, #tpu.memory_space<vmem>>
        %dma_start3A_257 = arith.constant 0 : i32
        %dma_start3A_258 = arith.constant 0 : i32
        %dma_start3A_259 = tpu.memref_slice %arg4[%dma_start3A_257, %dma_start3A_258] : memref<100000x32xi32, #tpu.memory_space<hbm>> -> memref<100000x32xi32, #tpu.memory_space<hbm>>
        tpu.enqueue_indirect_dma source(%dma_start3A_259 : memref<100000x32xi32, #tpu.memory_space<hbm>>) target(%arg12 : memref<128x32xi32, #tpu.memory_space<vmem>>) offsets(%dma_start3A_256 : memref<128xi32, #tpu.memory_space<vmem>>) semaphore(%arg15 : memref<!tpu.dma_semaphore, #tpu.memory_space<semaphore_mem>>)
      } else {
      }
      %scan3A_251 = arith.constant 0 : i32
      scf.yield %scan3A_251 : i32
    }
    %scan3A_142 = arith.constant 32 : i32
    return
  }
}

module attributes {stable_mosaic.version = 14 : i64} {
  func.func @_proj_body(%arg0: i32, %arg1: memref<5000x128xf32, #tpu.memory_space<vmem>>, %arg2: memref<5000x128xf32, #tpu.memory_space<vmem>>, %arg3: memref<5000x128xf32, #tpu.memory_space<vmem>>, %arg4: memref<5000x128xf32, #tpu.memory_space<vmem>>, %arg5: memref<128x64xf32, #tpu.memory_space<vmem>>, %arg6: memref<1x64xf32, #tpu.memory_space<vmem>>, %arg7: memref<5000x128xi32, #tpu.memory_space<vmem>>) attributes {dimension_semantics = [#tpu.dimension_semantics<arbitrary>], iteration_bounds = array<i64: 5>, scalar_prefetch = 0 : i64, scratch_operands = 0 : i64, tpu.core_type = #tpu.core_type<tc>, window_params = [{transform_indices = @transform_0, window_bounds = array<i64: 5000, 128>}, {transform_indices = @transform_1, window_bounds = array<i64: 5000, 128>}, {transform_indices = @transform_2, window_bounds = array<i64: 5000, 128>}, {transform_indices = @transform_3, window_bounds = array<i64: 5000, 128>}, {pipeline_mode = #tpu.pipeline_mode<synchronous>, transform_indices = @transform_4, window_bounds = array<i64: 128, 64>}, {pipeline_mode = #tpu.pipeline_mode<synchronous>, transform_indices = @transform_5, window_bounds = array<i64: 1, 64>}, {transform_indices = @transform_6, window_bounds = array<i64: 5000, 128>}]} {
    %get3A = arith.constant 0 : index
    %get3A_0 = arith.constant 0 : index
    %get3A_1 = vector.load %arg5[%get3A, %get3A_0] : memref<128x64xf32, #tpu.memory_space<vmem>>, vector<128x64xf32>
    %get3A_2 = arith.constant 0 : index
    %get3A_3 = arith.constant 0 : index
    %get3A_4 = vector.load %arg6[%get3A_2, %get3A_3] : memref<1x64xf32, #tpu.memory_space<vmem>>, vector<1x64xf32>
    %get3A_5 = arith.constant 0 : index
    %get3A_6 = arith.constant 0 : index
    %get3A_7 = vector.load %arg1[%get3A_5, %get3A_6] : memref<5000x128xf32, #tpu.memory_space<vmem>>, vector<5000x128xf32>
    %dot_general3A = arith.constant dense<0.000000e+00> : vector<5000x64xf32>
    %dot_general3A_8 = tpu.matmul %get3A_7, %get3A_1, %dot_general3A {dimension_numbers = #tpu.dot_dimension_numbers<[1], [0], [0], [1], [0, 0, 1, 1], [], []>, transpose_lhs_hint = false} : vector<5000x128xf32>, vector<128x64xf32>, vector<5000x64xf32> -> vector<5000x64xf32>
    %add3A = vector.broadcast %get3A_4 : vector<1x64xf32> to vector<5000x64xf32>
    %add3A_9 = arith.addf %dot_general3A_8, %add3A : vector<5000x64xf32>
    %bitcast_convert_type3A = tpu.bitcast %add3A_9 : vector<5000x64xf32> -> vector<5000x64xi32>
    %add3A_10 = arith.constant 32767 : i32
    %add3A_11 = vector.broadcast %add3A_10 : i32 to vector<5000x64xi32>
    %add3A_12 = arith.addi %bitcast_convert_type3A, %add3A_11 : vector<5000x64xi32>
    %shift_right_logical3A = arith.constant 16 : i32
    %shift_right_logical3A_13 = vector.broadcast %shift_right_logical3A : i32 to vector<5000x64xi32>
    %shift_right_logical3A_14 = arith.shrui %bitcast_convert_type3A, %shift_right_logical3A_13 : vector<5000x64xi32>
    %and3A = arith.constant 1 : i32
    %and3A_15 = vector.broadcast %and3A : i32 to vector<5000x64xi32>
    %and3A_16 = arith.andi %shift_right_logical3A_14, %and3A_15 : vector<5000x64xi32>
    %add3A_17 = arith.addi %add3A_12, %and3A_16 : vector<5000x64xi32>
    %shift_right_logical3A_18 = arith.constant 16 : i32
    %shift_right_logical3A_19 = vector.broadcast %shift_right_logical3A_18 : i32 to vector<5000x64xi32>
    %shift_right_logical3A_20 = arith.shrui %add3A_17, %shift_right_logical3A_19 : vector<5000x64xi32>
    %slice3A = vector.extract_strided_slice %shift_right_logical3A_20 {offsets = [0, 0], sizes = [5000, 32], strides = [1, 1]} : vector<5000x64xi32> to vector<5000x32xi32>
    %slice3A_21 = vector.extract_strided_slice %shift_right_logical3A_20 {offsets = [0, 32], sizes = [5000, 32], strides = [1, 1]} : vector<5000x64xi32> to vector<5000x32xi32>
    %shift_left3A = arith.constant 16 : i32
    %shift_left3A_22 = vector.broadcast %shift_left3A : i32 to vector<5000x32xi32>
    %shift_left3A_23 = arith.shli %slice3A_21, %shift_left3A_22 : vector<5000x32xi32>
    %or3A = arith.ori %slice3A, %shift_left3A_23 : vector<5000x32xi32>
    %bitcast_convert_type3A_24 = tpu.bitcast %or3A : vector<5000x32xi32> -> vector<5000x32xi32>
    %get3A_25 = arith.constant 0 : index
    %get3A_26 = arith.constant 0 : index
    %get3A_27 = vector.load %arg2[%get3A_25, %get3A_26] : memref<5000x128xf32, #tpu.memory_space<vmem>>, vector<5000x128xf32>
    %dot_general3A_28 = arith.constant dense<0.000000e+00> : vector<5000x64xf32>
    %dot_general3A_29 = tpu.matmul %get3A_27, %get3A_1, %dot_general3A_28 {dimension_numbers = #tpu.dot_dimension_numbers<[1], [0], [0], [1], [0, 0, 1, 1], [], []>, transpose_lhs_hint = false} : vector<5000x128xf32>, vector<128x64xf32>, vector<5000x64xf32> -> vector<5000x64xf32>
    %add3A_30 = vector.broadcast %get3A_4 : vector<1x64xf32> to vector<5000x64xf32>
    %add3A_31 = arith.addf %dot_general3A_29, %add3A_30 : vector<5000x64xf32>
    %bitcast_convert_type3A_32 = tpu.bitcast %add3A_31 : vector<5000x64xf32> -> vector<5000x64xi32>
    %add3A_33 = arith.constant 32767 : i32
    %add3A_34 = vector.broadcast %add3A_33 : i32 to vector<5000x64xi32>
    %add3A_35 = arith.addi %bitcast_convert_type3A_32, %add3A_34 : vector<5000x64xi32>
    %shift_right_logical3A_36 = arith.constant 16 : i32
    %shift_right_logical3A_37 = vector.broadcast %shift_right_logical3A_36 : i32 to vector<5000x64xi32>
    %shift_right_logical3A_38 = arith.shrui %bitcast_convert_type3A_32, %shift_right_logical3A_37 : vector<5000x64xi32>
    %and3A_39 = arith.constant 1 : i32
    %and3A_40 = vector.broadcast %and3A_39 : i32 to vector<5000x64xi32>
    %and3A_41 = arith.andi %shift_right_logical3A_38, %and3A_40 : vector<5000x64xi32>
    %add3A_42 = arith.addi %add3A_35, %and3A_41 : vector<5000x64xi32>
    %shift_right_logical3A_43 = arith.constant 16 : i32
    %shift_right_logical3A_44 = vector.broadcast %shift_right_logical3A_43 : i32 to vector<5000x64xi32>
    %shift_right_logical3A_45 = arith.shrui %add3A_42, %shift_right_logical3A_44 : vector<5000x64xi32>
    %slice3A_46 = vector.extract_strided_slice %shift_right_logical3A_45 {offsets = [0, 0], sizes = [5000, 32], strides = [1, 1]} : vector<5000x64xi32> to vector<5000x32xi32>
    %slice3A_47 = vector.extract_strided_slice %shift_right_logical3A_45 {offsets = [0, 32], sizes = [5000, 32], strides = [1, 1]} : vector<5000x64xi32> to vector<5000x32xi32>
    %shift_left3A_48 = arith.constant 16 : i32
    %shift_left3A_49 = vector.broadcast %shift_left3A_48 : i32 to vector<5000x32xi32>
    %shift_left3A_50 = arith.shli %slice3A_47, %shift_left3A_49 : vector<5000x32xi32>
    %or3A_51 = arith.ori %slice3A_46, %shift_left3A_50 : vector<5000x32xi32>
    %bitcast_convert_type3A_52 = tpu.bitcast %or3A_51 : vector<5000x32xi32> -> vector<5000x32xi32>
    %get3A_53 = arith.constant 0 : index
    %get3A_54 = arith.constant 0 : index
    %get3A_55 = vector.load %arg3[%get3A_53, %get3A_54] : memref<5000x128xf32, #tpu.memory_space<vmem>>, vector<5000x128xf32>
    %dot_general3A_56 = arith.constant dense<0.000000e+00> : vector<5000x64xf32>
    %dot_general3A_57 = tpu.matmul %get3A_55, %get3A_1, %dot_general3A_56 {dimension_numbers = #tpu.dot_dimension_numbers<[1], [0], [0], [1], [0, 0, 1, 1], [], []>, transpose_lhs_hint = false} : vector<5000x128xf32>, vector<128x64xf32>, vector<5000x64xf32> -> vector<5000x64xf32>
    %add3A_58 = vector.broadcast %get3A_4 : vector<1x64xf32> to vector<5000x64xf32>
    %add3A_59 = arith.addf %dot_general3A_57, %add3A_58 : vector<5000x64xf32>
    %bitcast_convert_type3A_60 = tpu.bitcast %add3A_59 : vector<5000x64xf32> -> vector<5000x64xi32>
    %add3A_61 = arith.constant 32767 : i32
    %add3A_62 = vector.broadcast %add3A_61 : i32 to vector<5000x64xi32>
    %add3A_63 = arith.addi %bitcast_convert_type3A_60, %add3A_62 : vector<5000x64xi32>
    %shift_right_logical3A_64 = arith.constant 16 : i32
    %shift_right_logical3A_65 = vector.broadcast %shift_right_logical3A_64 : i32 to vector<5000x64xi32>
    %shift_right_logical3A_66 = arith.shrui %bitcast_convert_type3A_60, %shift_right_logical3A_65 : vector<5000x64xi32>
    %and3A_67 = arith.constant 1 : i32
    %and3A_68 = vector.broadcast %and3A_67 : i32 to vector<5000x64xi32>
    %and3A_69 = arith.andi %shift_right_logical3A_66, %and3A_68 : vector<5000x64xi32>
    %add3A_70 = arith.addi %add3A_63, %and3A_69 : vector<5000x64xi32>
    %shift_right_logical3A_71 = arith.constant 16 : i32
    %shift_right_logical3A_72 = vector.broadcast %shift_right_logical3A_71 : i32 to vector<5000x64xi32>
    %shift_right_logical3A_73 = arith.shrui %add3A_70, %shift_right_logical3A_72 : vector<5000x64xi32>
    %slice3A_74 = vector.extract_strided_slice %shift_right_logical3A_73 {offsets = [0, 0], sizes = [5000, 32], strides = [1, 1]} : vector<5000x64xi32> to vector<5000x32xi32>
    %slice3A_75 = vector.extract_strided_slice %shift_right_logical3A_73 {offsets = [0, 32], sizes = [5000, 32], strides = [1, 1]} : vector<5000x64xi32> to vector<5000x32xi32>
    %shift_left3A_76 = arith.constant 16 : i32
    %shift_left3A_77 = vector.broadcast %shift_left3A_76 : i32 to vector<5000x32xi32>
    %shift_left3A_78 = arith.shli %slice3A_75, %shift_left3A_77 : vector<5000x32xi32>
    %or3A_79 = arith.ori %slice3A_74, %shift_left3A_78 : vector<5000x32xi32>
    %bitcast_convert_type3A_80 = tpu.bitcast %or3A_79 : vector<5000x32xi32> -> vector<5000x32xi32>
    %get3A_81 = arith.constant 0 : index
    %get3A_82 = arith.constant 0 : index
    %get3A_83 = vector.load %arg4[%get3A_81, %get3A_82] : memref<5000x128xf32, #tpu.memory_space<vmem>>, vector<5000x128xf32>
    %dot_general3A_84 = arith.constant dense<0.000000e+00> : vector<5000x64xf32>
    %dot_general3A_85 = tpu.matmul %get3A_83, %get3A_1, %dot_general3A_84 {dimension_numbers = #tpu.dot_dimension_numbers<[1], [0], [0], [1], [0, 0, 1, 1], [], []>, transpose_lhs_hint = false} : vector<5000x128xf32>, vector<128x64xf32>, vector<5000x64xf32> -> vector<5000x64xf32>
    %add3A_86 = vector.broadcast %get3A_4 : vector<1x64xf32> to vector<5000x64xf32>
    %add3A_87 = arith.addf %dot_general3A_85, %add3A_86 : vector<5000x64xf32>
    %bitcast_convert_type3A_88 = tpu.bitcast %add3A_87 : vector<5000x64xf32> -> vector<5000x64xi32>
    %add3A_89 = arith.constant 32767 : i32
    %add3A_90 = vector.broadcast %add3A_89 : i32 to vector<5000x64xi32>
    %add3A_91 = arith.addi %bitcast_convert_type3A_88, %add3A_90 : vector<5000x64xi32>
    %shift_right_logical3A_92 = arith.constant 16 : i32
    %shift_right_logical3A_93 = vector.broadcast %shift_right_logical3A_92 : i32 to vector<5000x64xi32>
    %shift_right_logical3A_94 = arith.shrui %bitcast_convert_type3A_88, %shift_right_logical3A_93 : vector<5000x64xi32>
    %and3A_95 = arith.constant 1 : i32
    %and3A_96 = vector.broadcast %and3A_95 : i32 to vector<5000x64xi32>
    %and3A_97 = arith.andi %shift_right_logical3A_94, %and3A_96 : vector<5000x64xi32>
    %add3A_98 = arith.addi %add3A_91, %and3A_97 : vector<5000x64xi32>
    %shift_right_logical3A_99 = arith.constant 16 : i32
    %shift_right_logical3A_100 = vector.broadcast %shift_right_logical3A_99 : i32 to vector<5000x64xi32>
    %shift_right_logical3A_101 = arith.shrui %add3A_98, %shift_right_logical3A_100 : vector<5000x64xi32>
    %slice3A_102 = vector.extract_strided_slice %shift_right_logical3A_101 {offsets = [0, 0], sizes = [5000, 32], strides = [1, 1]} : vector<5000x64xi32> to vector<5000x32xi32>
    %slice3A_103 = vector.extract_strided_slice %shift_right_logical3A_101 {offsets = [0, 32], sizes = [5000, 32], strides = [1, 1]} : vector<5000x64xi32> to vector<5000x32xi32>
    %shift_left3A_104 = arith.constant 16 : i32
    %shift_left3A_105 = vector.broadcast %shift_left3A_104 : i32 to vector<5000x32xi32>
    %shift_left3A_106 = arith.shli %slice3A_103, %shift_left3A_105 : vector<5000x32xi32>
    %or3A_107 = arith.ori %slice3A_102, %shift_left3A_106 : vector<5000x32xi32>
    %bitcast_convert_type3A_108 = tpu.bitcast %or3A_107 : vector<5000x32xi32> -> vector<5000x32xi32>
    %concatenate3A = tpu.concatenate %bitcast_convert_type3A_24, %bitcast_convert_type3A_52, %bitcast_convert_type3A_80, %bitcast_convert_type3A_108 in 1 : vector<5000x32xi32>, vector<5000x32xi32>, vector<5000x32xi32>, vector<5000x32xi32> -> vector<5000x128xi32>
    %swap3A = arith.constant 0 : index
    %swap3A_109 = arith.constant 0 : index
    %swap3A_110 = vector.load %arg7[%swap3A, %swap3A_109] : memref<5000x128xi32, #tpu.memory_space<vmem>>, vector<5000x128xi32>
    tpu.vector_store %arg7[%swap3A, %swap3A_109], %concatenate3A {strides = array<i32>} : memref<5000x128xi32, #tpu.memory_space<vmem>>, vector<5000x128xi32>,
    return
  }
  func.func @transform_0(%arg0: i32) -> (i32, i32) {
    %add3A = arith.constant 0 : i32
    %add3A_0 = arith.addi %arg0, %add3A : i32
    %c0_i32 = arith.constant 0 : i32
    %c0_i32_1 = arith.constant 0 : i32
    return %add3A_0, %c0_i32 : i32, i32
  }
  func.func @transform_1(%arg0: i32) -> (i32, i32) {
    %add3A = arith.constant 5 : i32
    %add3A_0 = arith.addi %arg0, %add3A : i32
    %c0_i32 = arith.constant 0 : i32
    %c0_i32_1 = arith.constant 0 : i32
    return %add3A_0, %c0_i32 : i32, i32
  }
  func.func @transform_2(%arg0: i32) -> (i32, i32) {
    %add3A = arith.constant 10 : i32
    %add3A_0 = arith.addi %arg0, %add3A : i32
    %c0_i32 = arith.constant 0 : i32
    %c0_i32_1 = arith.constant 0 : i32
    return %add3A_0, %c0_i32 : i32, i32
  }
  func.func @transform_3(%arg0: i32) -> (i32, i32) {
    %add3A = arith.constant 15 : i32
    %add3A_0 = arith.addi %arg0, %add3A : i32
    %c0_i32 = arith.constant 0 : i32
    %c0_i32_1 = arith.constant 0 : i32
    return %add3A_0, %c0_i32 : i32, i32
  }
  func.func @transform_4(%arg0: i32) -> (i32, i32) {
    %c0_i32 = arith.constant 0 : i32
    %c0_i32_0 = arith.constant 0 : i32
    %c0_i32_1 = arith.constant 0 : i32
    return %c0_i32, %c0_i32_0 : i32, i32
  }
  func.func @transform_5(%arg0: i32) -> (i32, i32) {
    %c0_i32 = arith.constant 0 : i32
    %c0_i32_0 = arith.constant 0 : i32
    %c0_i32_1 = arith.constant 0 : i32
    return %c0_i32, %c0_i32_0 : i32, i32
  }
  func.func @transform_6(%arg0: i32) -> (i32, i32) {
    %c0_i32 = arith.constant 0 : i32
    %c0_i32_0 = arith.constant 0 : i32
    return %arg0, %c0_i32 : i32, i32
  }
}

module attributes {stable_mosaic.version = 14 : i64} {
  func.func @_att_body(%arg0: i32, %arg1: memref<1024x128xi32, #tpu.memory_space<vmem>>, %arg2: memref<16x1024x128xi32, #tpu.memory_space<vmem>>, %arg3: memref<256x256xbf16, #tpu.memory_space<vmem>>, %arg4: memref<256x256xbf16, #tpu.memory_space<vmem>>, %arg5: memref<1x256xf32, #tpu.memory_space<vmem>>, %arg6: memref<256x4xf32, #tpu.memory_space<vmem>>, %arg7: memref<64x4xf32, #tpu.memory_space<vmem>>, %arg8: memref<4x128xf32, #tpu.memory_space<vmem>>, %arg9: memref<1x1xf32, #tpu.memory_space<vmem>>, %arg10: memref<1024x128xf32, #tpu.memory_space<vmem>>, %arg11: memref<1024x128xf32, #tpu.memory_space<vmem>>, %arg12: memref<1024x64xf32, #tpu.memory_space<vmem>>) attributes {dimension_semantics = [#tpu.dimension_semantics<arbitrary>], iteration_bounds = array<i64: 4>, scalar_prefetch = 0 : i64, scratch_operands = 1 : i64, tpu.core_type = #tpu.core_type<tc>, window_params = [{transform_indices = @transform_0, window_bounds = array<i64: 1024, 128>}, {transform_indices = @transform_1, window_bounds = array<i64: 16, 1024, 128>}, {pipeline_mode = #tpu.pipeline_mode<synchronous>, transform_indices = @transform_2, window_bounds = array<i64: 256, 256>}, {pipeline_mode = #tpu.pipeline_mode<synchronous>, transform_indices = @transform_3, window_bounds = array<i64: 256, 256>}, {pipeline_mode = #tpu.pipeline_mode<synchronous>, transform_indices = @transform_4, window_bounds = array<i64: 1, 256>}, {pipeline_mode = #tpu.pipeline_mode<synchronous>, transform_indices = @transform_5, window_bounds = array<i64: 256, 4>}, {pipeline_mode = #tpu.pipeline_mode<synchronous>, transform_indices = @transform_6, window_bounds = array<i64: 64, 4>}, {pipeline_mode = #tpu.pipeline_mode<synchronous>, transform_indices = @transform_7, window_bounds = array<i64: 4, 128>}, {pipeline_mode = #tpu.pipeline_mode<synchronous>, transform_indices = @transform_8, window_bounds = array<i64: 1, 1>}, {transform_indices = @transform_9, window_bounds = array<i64: 1024, 128>}, {transform_indices = @transform_10, window_bounds = array<i64: 1024, 128>}]} {
    %get3A = arith.constant 0 : index
    %get3A_0 = arith.constant 0 : index
    %get3A_1 = vector.load %arg1[%get3A, %get3A_0] : memref<1024x128xi32, #tpu.memory_space<vmem>>, vector<1024x128xi32>
    %shift_left3A = arith.constant 16 : i32
    %shift_left3A_2 = vector.broadcast %shift_left3A : i32 to vector<1024x128xi32>
    %shift_left3A_3 = arith.shli %get3A_1, %shift_left3A_2 : vector<1024x128xi32>
    %bitcast_convert_type3A = tpu.bitcast %shift_left3A_3 : vector<1024x128xi32> -> vector<1024x128xf32>
    %and3A = arith.constant -65536 : i32
    %and3A_4 = vector.broadcast %and3A : i32 to vector<1024x128xi32>
    %and3A_5 = arith.andi %get3A_1, %and3A_4 : vector<1024x128xi32>
    %bitcast_convert_type3A_6 = tpu.bitcast %and3A_5 : vector<1024x128xi32> -> vector<1024x128xf32>
    %concatenate3A = tpu.concatenate %bitcast_convert_type3A, %bitcast_convert_type3A_6 in 1 : vector<1024x128xf32>, vector<1024x128xf32> -> vector<1024x256xf32>
    %convert_element_type3A = arith.truncf %concatenate3A : vector<1024x256xf32> to vector<1024x256xbf16>
    %get3A_7 = arith.constant 0 : index
    %get3A_8 = arith.constant 0 : index
    %get3A_9 = vector.load %arg4[%get3A_7, %get3A_8] : memref<256x256xbf16, #tpu.memory_space<vmem>>, vector<256x256xbf16>
    %dot_general3A = arith.constant dense<0.000000e+00> : vector<1024x256xf32>
    %dot_general3A_10 = tpu.matmul %convert_element_type3A, %get3A_9, %dot_general3A {dimension_numbers = #tpu.dot_dimension_numbers<[1], [0], [0], [1], [0, 0, 1, 1], [], []>, transpose_lhs_hint = false} : vector<1024x256xbf16>, vector<256x256xbf16>, vector<1024x256xf32> -> vector<1024x256xf32>
    %get3A_11 = arith.constant 0 : index
    %get3A_12 = arith.constant 0 : index
    %get3A_13 = vector.load %arg5[%get3A_11, %get3A_12] : memref<1x256xf32, #tpu.memory_space<vmem>>, vector<1x256xf32>
    %add3A = vector.broadcast %get3A_13 : vector<1x256xf32> to vector<1024x256xf32>
    %add3A_14 = arith.addf %dot_general3A_10, %add3A : vector<1024x256xf32>
    %get3A_15 = arith.constant 0 : index
    %get3A_16 = arith.constant 0 : index
    %get3A_17 = vector.load %arg3[%get3A_15, %get3A_16] : memref<256x256xbf16, #tpu.memory_space<vmem>>, vector<256x256xbf16>
    %get3A_18 = arith.constant 0 : index
    %get3A_19 = arith.constant 0 : index
    %get3A_20 = vector.load %arg6[%get3A_18, %get3A_19] : memref<256x4xf32, #tpu.memory_space<vmem>>, vector<256x4xf32>
    %get3A_21 = arith.constant 0 : index
    %get3A_22 = arith.constant 0 : index
    %get3A_23 = vector.load %arg9[%get3A_21, %get3A_22] : memref<1x1xf32, #tpu.memory_space<vmem>>, vector<1x1xf32>
    %get3A_24 = vector.extract %get3A_23[0, 0] : f32 from vector<1x1xf32>
    %get3A_25 = arith.constant 0 : index
    %get3A_26 = arith.constant 0 : index
    %get3A_27 = arith.constant 0 : index
    %get3A_28 = vector.load %arg2[%get3A_25, %get3A_26, %get3A_27] : memref<16x1024x128xi32, #tpu.memory_space<vmem>>, vector<1x1024x128xi32>
    %get3A_29 = vector.shape_cast %get3A_28 : vector<1x1024x128xi32> to vector<1024x128xi32>
    %shift_left3A_30 = arith.constant 16 : i32
    %shift_left3A_31 = vector.broadcast %shift_left3A_30 : i32 to vector<1024x128xi32>
    %shift_left3A_32 = arith.shli %get3A_29, %shift_left3A_31 : vector<1024x128xi32>
    %bitcast_convert_type3A_33 = tpu.bitcast %shift_left3A_32 : vector<1024x128xi32> -> vector<1024x128xf32>
    %and3A_34 = arith.constant -65536 : i32
    %and3A_35 = vector.broadcast %and3A_34 : i32 to vector<1024x128xi32>
    %and3A_36 = arith.andi %get3A_29, %and3A_35 : vector<1024x128xi32>
    %bitcast_convert_type3A_37 = tpu.bitcast %and3A_36 : vector<1024x128xi32> -> vector<1024x128xf32>
    %concatenate3A_38 = tpu.concatenate %bitcast_convert_type3A_33, %bitcast_convert_type3A_37 in 1 : vector<1024x128xf32>, vector<1024x128xf32> -> vector<1024x256xf32>
    %convert_element_type3A_39 = arith.truncf %concatenate3A_38 : vector<1024x256xf32> to vector<1024x256xbf16>
    %dot_general3A_40 = arith.constant dense<0.000000e+00> : vector<1024x256xf32>
    %dot_general3A_41 = tpu.matmul %convert_element_type3A_39, %get3A_17, %dot_general3A_40 {dimension_numbers = #tpu.dot_dimension_numbers<[1], [0], [0], [1], [0, 0, 1, 1], [], []>, transpose_lhs_hint = false} : vector<1024x256xbf16>, vector<256x256xbf16>, vector<1024x256xf32> -> vector<1024x256xf32>
    %add3A_42 = arith.addf %dot_general3A_41, %add3A_14 : vector<1024x256xf32>
    %max3A = arith.constant 0.000000e+00 : f32
    %max3A_43 = vector.broadcast %max3A : f32 to vector<1024x256xf32>
    %max3A_44 = arith.maximumf %add3A_42, %max3A_43 : vector<1024x256xf32>
    %dot_general3A_45 = arith.constant dense<0.000000e+00> : vector<1024x4xf32>
    %dot_general3A_46 = tpu.matmul %max3A_44, %get3A_20, %dot_general3A_45 {dimension_numbers = #tpu.dot_dimension_numbers<[1], [0], [0], [1], [0, 0, 1, 1], [], []>, transpose_lhs_hint = false} : vector<1024x256xf32>, vector<256x4xf32>, vector<1024x4xf32> -> vector<1024x4xf32>
    %add3A_47 = vector.broadcast %get3A_24 : f32 to vector<1024x4xf32>
    %add3A_48 = arith.addf %dot_general3A_46, %add3A_47 : vector<1024x4xf32>
    %exp3A = math.exp %add3A_48 : vector<1024x4xf32>
    %swap3A = arith.constant 0 : index
    %swap3A_49 = arith.constant 0 : index
    %swap3A_50 = vector.load %arg12[%swap3A, %swap3A_49] : memref<1024x64xf32, #tpu.memory_space<vmem>>, vector<1024x4xf32>
    tpu.vector_store %arg12[%swap3A, %swap3A_49], %exp3A {strides = array<i32>} : memref<1024x64xf32, #tpu.memory_space<vmem>>, vector<1024x4xf32>,
    %get3A_51 = arith.constant 1 : index
    %get3A_52 = arith.constant 0 : index
    %get3A_53 = arith.constant 0 : index
    %get3A_54 = vector.load %arg2[%get3A_51, %get3A_52, %get3A_53] : memref<16x1024x128xi32, #tpu.memory_space<vmem>>, vector<1x1024x128xi32>
    %get3A_55 = vector.shape_cast %get3A_54 : vector<1x1024x128xi32> to vector<1024x128xi32>
    %shift_left3A_56 = arith.constant 16 : i32
    %shift_left3A_57 = vector.broadcast %shift_left3A_56 : i32 to vector<1024x128xi32>
    %shift_left3A_58 = arith.shli %get3A_55, %shift_left3A_57 : vector<1024x128xi32>
    %bitcast_convert_type3A_59 = tpu.bitcast %shift_left3A_58 : vector<1024x128xi32> -> vector<1024x128xf32>
    %and3A_60 = arith.constant -65536 : i32
    %and3A_61 = vector.broadcast %and3A_60 : i32 to vector<1024x128xi32>
    %and3A_62 = arith.andi %get3A_55, %and3A_61 : vector<1024x128xi32>
    %bitcast_convert_type3A_63 = tpu.bitcast %and3A_62 : vector<1024x128xi32> -> vector<1024x128xf32>
    %concatenate3A_64 = tpu.concatenate %bitcast_convert_type3A_59, %bitcast_convert_type3A_63 in 1 : vector<1024x128xf32>, vector<1024x128xf32> -> vector<1024x256xf32>
    %convert_element_type3A_65 = arith.truncf %concatenate3A_64 : vector<1024x256xf32> to vector<1024x256xbf16>
    %dot_general3A_66 = arith.constant dense<0.000000e+00> : vector<1024x256xf32>
    %dot_general3A_67 = tpu.matmul %convert_element_type3A_65, %get3A_17, %dot_general3A_66 {dimension_numbers = #tpu.dot_dimension_numbers<[1], [0], [0], [1], [0, 0, 1, 1], [], []>, transpose_lhs_hint = false} : vector<1024x256xbf16>, vector<256x256xbf16>, vector<1024x256xf32> -> vector<1024x256xf32>
    %add3A_68 = arith.addf %dot_general3A_67, %add3A_14 : vector<1024x256xf32>
    %max3A_69 = arith.constant 0.000000e+00 : f32
    %max3A_70 = vector.broadcast %max3A_69 : f32 to vector<1024x256xf32>
    %max3A_71 = arith.maximumf %add3A_68, %max3A_70 : vector<1024x256xf32>
    %dot_general3A_72 = arith.constant dense<0.000000e+00> : vector<1024x4xf32>
    %dot_general3A_73 = tpu.matmul %max3A_71, %get3A_20, %dot_general3A_72 {dimension_numbers = #tpu.dot_dimension_numbers<[1], [0], [0], [1], [0, 0, 1, 1], [], []>, transpose_lhs_hint = false} : vector<1024x256xf32>, vector<256x4xf32>, vector<1024x4xf32> -> vector<1024x4xf32>
    %add3A_74 = vector.broadcast %get3A_24 : f32 to vector<1024x4xf32>
    %add3A_75 = arith.addf %dot_general3A_73, %add3A_74 : vector<1024x4xf32>
    %exp3A_76 = math.exp %add3A_75 : vector<1024x4xf32>
    %swap3A_77 = arith.constant 0 : index
    %swap3A_78 = arith.constant 4 : index
    %swap3A_79 = vector.load %arg12[%swap3A_77, %swap3A_78] : memref<1024x64xf32, #tpu.memory_space<vmem>>, vector<1024x4xf32>
    tpu.vector_store %arg12[%swap3A_77, %swap3A_78], %exp3A_76 {strides = array<i32>} : memref<1024x64xf32, #tpu.memory_space<vmem>>, vector<1024x4xf32>,
    %get3A_80 = arith.constant 2 : index
    %get3A_81 = arith.constant 0 : index
    %get3A_82 = arith.constant 0 : index
    %get3A_83 = vector.load %arg2[%get3A_80, %get3A_81, %get3A_82] : memref<16x1024x128xi32, #tpu.memory_space<vmem>>, vector<1x1024x128xi32>
    %get3A_84 = vector.shape_cast %get3A_83 : vector<1x1024x128xi32> to vector<1024x128xi32>
    %shift_left3A_85 = arith.constant 16 : i32
    %shift_left3A_86 = vector.broadcast %shift_left3A_85 : i32 to vector<1024x128xi32>
    %shift_left3A_87 = arith.shli %get3A_84, %shift_left3A_86 : vector<1024x128xi32>
    %bitcast_convert_type3A_88 = tpu.bitcast %shift_left3A_87 : vector<1024x128xi32> -> vector<1024x128xf32>
    %and3A_89 = arith.constant -65536 : i32
    %and3A_90 = vector.broadcast %and3A_89 : i32 to vector<1024x128xi32>
    %and3A_91 = arith.andi %get3A_84, %and3A_90 : vector<1024x128xi32>
    %bitcast_convert_type3A_92 = tpu.bitcast %and3A_91 : vector<1024x128xi32> -> vector<1024x128xf32>
    %concatenate3A_93 = tpu.concatenate %bitcast_convert_type3A_88, %bitcast_convert_type3A_92 in 1 : vector<1024x128xf32>, vector<1024x128xf32> -> vector<1024x256xf32>
    %convert_element_type3A_94 = arith.truncf %concatenate3A_93 : vector<1024x256xf32> to vector<1024x256xbf16>
    %dot_general3A_95 = arith.constant dense<0.000000e+00> : vector<1024x256xf32>
    %dot_general3A_96 = tpu.matmul %convert_element_type3A_94, %get3A_17, %dot_general3A_95 {dimension_numbers = #tpu.dot_dimension_numbers<[1], [0], [0], [1], [0, 0, 1, 1], [], []>, transpose_lhs_hint = false} : vector<1024x256xbf16>, vector<256x256xbf16>, vector<1024x256xf32> -> vector<1024x256xf32>
    %add3A_97 = arith.addf %dot_general3A_96, %add3A_14 : vector<1024x256xf32>
    %max3A_98 = arith.constant 0.000000e+00 : f32
    %max3A_99 = vector.broadcast %max3A_98 : f32 to vector<1024x256xf32>
    %max3A_100 = arith.maximumf %add3A_97, %max3A_99 : vector<1024x256xf32>
    %dot_general3A_101 = arith.constant dense<0.000000e+00> : vector<1024x4xf32>
    %dot_general3A_102 = tpu.matmul %max3A_100, %get3A_20, %dot_general3A_101 {dimension_numbers = #tpu.dot_dimension_numbers<[1], [0], [0], [1], [0, 0, 1, 1], [], []>, transpose_lhs_hint = false} : vector<1024x256xf32>, vector<256x4xf32>, vector<1024x4xf32> -> vector<1024x4xf32>
    %add3A_103 = vector.broadcast %get3A_24 : f32 to vector<1024x4xf32>
    %add3A_104 = arith.addf %dot_general3A_102, %add3A_103 : vector<1024x4xf32>
    %exp3A_105 = math.exp %add3A_104 : vector<1024x4xf32>
    %swap3A_106 = arith.constant 0 : index
    %swap3A_107 = arith.constant 8 : index
    %swap3A_108 = vector.load %arg12[%swap3A_106, %swap3A_107] : memref<1024x64xf32, #tpu.memory_space<vmem>>, vector<1024x4xf32>
    tpu.vector_store %arg12[%swap3A_106, %swap3A_107], %exp3A_105 {strides = array<i32>} : memref<1024x64xf32, #tpu.memory_space<vmem>>, vector<1024x4xf32>,
    %get3A_109 = arith.constant 3 : index
    %get3A_110 = arith.constant 0 : index
    %get3A_111 = arith.constant 0 : index
    %get3A_112 = vector.load %arg2[%get3A_109, %get3A_110, %get3A_111] : memref<16x1024x128xi32, #tpu.memory_space<vmem>>, vector<1x1024x128xi32>
    %get3A_113 = vector.shape_cast %get3A_112 : vector<1x1024x128xi32> to vector<1024x128xi32>
    %shift_left3A_114 = arith.constant 16 : i32
    %shift_left3A_115 = vector.broadcast %shift_left3A_114 : i32 to vector<1024x128xi32>
    %shift_left3A_116 = arith.shli %get3A_113, %shift_left3A_115 : vector<1024x128xi32>
    %bitcast_convert_type3A_117 = tpu.bitcast %shift_left3A_116 : vector<1024x128xi32> -> vector<1024x128xf32>
    %and3A_118 = arith.constant -65536 : i32
    %and3A_119 = vector.broadcast %and3A_118 : i32 to vector<1024x128xi32>
    %and3A_120 = arith.andi %get3A_113, %and3A_119 : vector<1024x128xi32>
    %bitcast_convert_type3A_121 = tpu.bitcast %and3A_120 : vector<1024x128xi32> -> vector<1024x128xf32>
    %concatenate3A_122 = tpu.concatenate %bitcast_convert_type3A_117, %bitcast_convert_type3A_121 in 1 : vector<1024x128xf32>, vector<1024x128xf32> -> vector<1024x256xf32>
    %convert_element_type3A_123 = arith.truncf %concatenate3A_122 : vector<1024x256xf32> to vector<1024x256xbf16>
    %dot_general3A_124 = arith.constant dense<0.000000e+00> : vector<1024x256xf32>
    %dot_general3A_125 = tpu.matmul %convert_element_type3A_123, %get3A_17, %dot_general3A_124 {dimension_numbers = #tpu.dot_dimension_numbers<[1], [0], [0], [1], [0, 0, 1, 1], [], []>, transpose_lhs_hint = false} : vector<1024x256xbf16>, vector<256x256xbf16>, vector<1024x256xf32> -> vector<1024x256xf32>
    %add3A_126 = arith.addf %dot_general3A_125, %add3A_14 : vector<1024x256xf32>
    %max3A_127 = arith.constant 0.000000e+00 : f32
    %max3A_128 = vector.broadcast %max3A_127 : f32 to vector<1024x256xf32>
    %max3A_129 = arith.maximumf %add3A_126, %max3A_128 : vector<1024x256xf32>
    %dot_general3A_130 = arith.constant dense<0.000000e+00> : vector<1024x4xf32>
    %dot_general3A_131 = tpu.matmul %max3A_129, %get3A_20, %dot_general3A_130 {dimension_numbers = #tpu.dot_dimension_numbers<[1], [0], [0], [1], [0, 0, 1, 1], [], []>, transpose_lhs_hint = false} : vector<1024x256xf32>, vector<256x4xf32>, vector<1024x4xf32> -> vector<1024x4xf32>
    %add3A_132 = vector.broadcast %get3A_24 : f32 to vector<1024x4xf32>
    %add3A_133 = arith.addf %dot_general3A_131, %add3A_132 : vector<1024x4xf32>
    %exp3A_134 = math.exp %add3A_133 : vector<1024x4xf32>
    %swap3A_135 = arith.constant 0 : index
    %swap3A_136 = arith.constant 12 : index
    %swap3A_137 = vector.load %arg12[%swap3A_135, %swap3A_136] : memref<1024x64xf32, #tpu.memory_space<vmem>>, vector<1024x4xf32>
    tpu.vector_store %arg12[%swap3A_135, %swap3A_136], %exp3A_134 {strides = array<i32>} : memref<1024x64xf32, #tpu.memory_space<vmem>>, vector<1024x4xf32>,
    %get3A_138 = arith.constant 4 : index
    %get3A_139 = arith.constant 0 : index
    %get3A_140 = arith.constant 0 : index
    %get3A_141 = vector.load %arg2[%get3A_138, %get3A_139, %get3A_140] : memref<16x1024x128xi32, #tpu.memory_space<vmem>>, vector<1x1024x128xi32>
    %get3A_142 = vector.shape_cast %get3A_141 : vector<1x1024x128xi32> to vector<1024x128xi32>
    %shift_left3A_143 = arith.constant 16 : i32
    %shift_left3A_144 = vector.broadcast %shift_left3A_143 : i32 to vector<1024x128xi32>
    %shift_left3A_145 = arith.shli %get3A_142, %shift_left3A_144 : vector<1024x128xi32>
    %bitcast_convert_type3A_146 = tpu.bitcast %shift_left3A_145 : vector<1024x128xi32> -> vector<1024x128xf32>
    %and3A_147 = arith.constant -65536 : i32
    %and3A_148 = vector.broadcast %and3A_147 : i32 to vector<1024x128xi32>
    %and3A_149 = arith.andi %get3A_142, %and3A_148 : vector<1024x128xi32>
    %bitcast_convert_type3A_150 = tpu.bitcast %and3A_149 : vector<1024x128xi32> -> vector<1024x128xf32>
    %concatenate3A_151 = tpu.concatenate %bitcast_convert_type3A_146, %bitcast_convert_type3A_150 in 1 : vector<1024x128xf32>, vector<1024x128xf32> -> vector<1024x256xf32>
    %convert_element_type3A_152 = arith.truncf %concatenate3A_151 : vector<1024x256xf32> to vector<1024x256xbf16>
    %dot_general3A_153 = arith.constant dense<0.000000e+00> : vector<1024x256xf32>
    %dot_general3A_154 = tpu.matmul %convert_element_type3A_152, %get3A_17, %dot_general3A_153 {dimension_numbers = #tpu.dot_dimension_numbers<[1], [0], [0], [1], [0, 0, 1, 1], [], []>, transpose_lhs_hint = false} : vector<1024x256xbf16>, vector<256x256xbf16>, vector<1024x256xf32> -> vector<1024x256xf32>
    %add3A_155 = arith.addf %dot_general3A_154, %add3A_14 : vector<1024x256xf32>
    %max3A_156 = arith.constant 0.000000e+00 : f32
    %max3A_157 = vector.broadcast %max3A_156 : f32 to vector<1024x256xf32>
    %max3A_158 = arith.maximumf %add3A_155, %max3A_157 : vector<1024x256xf32>
    %dot_general3A_159 = arith.constant dense<0.000000e+00> : vector<1024x4xf32>
    %dot_general3A_160 = tpu.matmul %max3A_158, %get3A_20, %dot_general3A_159 {dimension_numbers = #tpu.dot_dimension_numbers<[1], [0], [0], [1], [0, 0, 1, 1], [], []>, transpose_lhs_hint = false} : vector<1024x256xf32>, vector<256x4xf32>, vector<1024x4xf32> -> vector<1024x4xf32>
    %add3A_161 = vector.broadcast %get3A_24 : f32 to vector<1024x4xf32>
    %add3A_162 = arith.addf %dot_general3A_160, %add3A_161 : vector<1024x4xf32>
    %exp3A_163 = math.exp %add3A_162 : vector<1024x4xf32>
    %swap3A_164 = arith.constant 0 : index
    %swap3A_165 = arith.constant 16 : index
    %swap3A_166 = vector.load %arg12[%swap3A_164, %swap3A_165] : memref<1024x64xf32, #tpu.memory_space<vmem>>, vector<1024x4xf32>
    tpu.vector_store %arg12[%swap3A_164, %swap3A_165], %exp3A_163 {strides = array<i32>} : memref<1024x64xf32, #tpu.memory_space<vmem>>, vector<1024x4xf32>,
    %get3A_167 = arith.constant 5 : index
    %get3A_168 = arith.constant 0 : index
    %get3A_169 = arith.constant 0 : index
    %get3A_170 = vector.load %arg2[%get3A_167, %get3A_168, %get3A_169] : memref<16x1024x128xi32, #tpu.memory_space<vmem>>, vector<1x1024x128xi32>
    %get3A_171 = vector.shape_cast %get3A_170 : vector<1x1024x128xi32> to vector<1024x128xi32>
    %shift_left3A_172 = arith.constant 16 : i32
    %shift_left3A_173 = vector.broadcast %shift_left3A_172 : i32 to vector<1024x128xi32>
    %shift_left3A_174 = arith.shli %get3A_171, %shift_left3A_173 : vector<1024x128xi32>
    %bitcast_convert_type3A_175 = tpu.bitcast %shift_left3A_174 : vector<1024x128xi32> -> vector<1024x128xf32>
    %and3A_176 = arith.constant -65536 : i32
    %and3A_177 = vector.broadcast %and3A_176 : i32 to vector<1024x128xi32>
    %and3A_178 = arith.andi %get3A_171, %and3A_177 : vector<1024x128xi32>
    %bitcast_convert_type3A_179 = tpu.bitcast %and3A_178 : vector<1024x128xi32> -> vector<1024x128xf32>
    %concatenate3A_180 = tpu.concatenate %bitcast_convert_type3A_175, %bitcast_convert_type3A_179 in 1 : vector<1024x128xf32>, vector<1024x128xf32> -> vector<1024x256xf32>
    %convert_element_type3A_181 = arith.truncf %concatenate3A_180 : vector<1024x256xf32> to vector<1024x256xbf16>
    %dot_general3A_182 = arith.constant dense<0.000000e+00> : vector<1024x256xf32>
    %dot_general3A_183 = tpu.matmul %convert_element_type3A_181, %get3A_17, %dot_general3A_182 {dimension_numbers = #tpu.dot_dimension_numbers<[1], [0], [0], [1], [0, 0, 1, 1], [], []>, transpose_lhs_hint = false} : vector<1024x256xbf16>, vector<256x256xbf16>, vector<1024x256xf32> -> vector<1024x256xf32>
    %add3A_184 = arith.addf %dot_general3A_183, %add3A_14 : vector<1024x256xf32>
    %max3A_185 = arith.constant 0.000000e+00 : f32
    %max3A_186 = vector.broadcast %max3A_185 : f32 to vector<1024x256xf32>
    %max3A_187 = arith.maximumf %add3A_184, %max3A_186 : vector<1024x256xf32>
    %dot_general3A_188 = arith.constant dense<0.000000e+00> : vector<1024x4xf32>
    %dot_general3A_189 = tpu.matmul %max3A_187, %get3A_20, %dot_general3A_188 {dimension_numbers = #tpu.dot_dimension_numbers<[1], [0], [0], [1], [0, 0, 1, 1], [], []>, transpose_lhs_hint = false} : vector<1024x256xf32>, vector<256x4xf32>, vector<1024x4xf32> -> vector<1024x4xf32>
    %add3A_190 = vector.broadcast %get3A_24 : f32 to vector<1024x4xf32>
    %add3A_191 = arith.addf %dot_general3A_189, %add3A_190 : vector<1024x4xf32>
    %exp3A_192 = math.exp %add3A_191 : vector<1024x4xf32>
    %swap3A_193 = arith.constant 0 : index
    %swap3A_194 = arith.constant 20 : index
    %swap3A_195 = vector.load %arg12[%swap3A_193, %swap3A_194] : memref<1024x64xf32, #tpu.memory_space<vmem>>, vector<1024x4xf32>
    tpu.vector_store %arg12[%swap3A_193, %swap3A_194], %exp3A_192 {strides = array<i32>} : memref<1024x64xf32, #tpu.memory_space<vmem>>, vector<1024x4xf32>,
    %get3A_196 = arith.constant 6 : index
    %get3A_197 = arith.constant 0 : index
    %get3A_198 = arith.constant 0 : index
    %get3A_199 = vector.load %arg2[%get3A_196, %get3A_197, %get3A_198] : memref<16x1024x128xi32, #tpu.memory_space<vmem>>, vector<1x1024x128xi32>
    %get3A_200 = vector.shape_cast %get3A_199 : vector<1x1024x128xi32> to vector<1024x128xi32>
    %shift_left3A_201 = arith.constant 16 : i32
    %shift_left3A_202 = vector.broadcast %shift_left3A_201 : i32 to vector<1024x128xi32>
    %shift_left3A_203 = arith.shli %get3A_200, %shift_left3A_202 : vector<1024x128xi32>
    %bitcast_convert_type3A_204 = tpu.bitcast %shift_left3A_203 : vector<1024x128xi32> -> vector<1024x128xf32>
    %and3A_205 = arith.constant -65536 : i32
    %and3A_206 = vector.broadcast %and3A_205 : i32 to vector<1024x128xi32>
    %and3A_207 = arith.andi %get3A_200, %and3A_206 : vector<1024x128xi32>
    %bitcast_convert_type3A_208 = tpu.bitcast %and3A_207 : vector<1024x128xi32> -> vector<1024x128xf32>
    %concatenate3A_209 = tpu.concatenate %bitcast_convert_type3A_204, %bitcast_convert_type3A_208 in 1 : vector<1024x128xf32>, vector<1024x128xf32> -> vector<1024x256xf32>
    %convert_element_type3A_210 = arith.truncf %concatenate3A_209 : vector<1024x256xf32> to vector<1024x256xbf16>
    %dot_general3A_211 = arith.constant dense<0.000000e+00> : vector<1024x256xf32>
    %dot_general3A_212 = tpu.matmul %convert_element_type3A_210, %get3A_17, %dot_general3A_211 {dimension_numbers = #tpu.dot_dimension_numbers<[1], [0], [0], [1], [0, 0, 1, 1], [], []>, transpose_lhs_hint = false} : vector<1024x256xbf16>, vector<256x256xbf16>, vector<1024x256xf32> -> vector<1024x256xf32>
    %add3A_213 = arith.addf %dot_general3A_212, %add3A_14 : vector<1024x256xf32>
    %max3A_214 = arith.constant 0.000000e+00 : f32
    %max3A_215 = vector.broadcast %max3A_214 : f32 to vector<1024x256xf32>
    %max3A_216 = arith.maximumf %add3A_213, %max3A_215 : vector<1024x256xf32>
    %dot_general3A_217 = arith.constant dense<0.000000e+00> : vector<1024x4xf32>
    %dot_general3A_218 = tpu.matmul %max3A_216, %get3A_20, %dot_general3A_217 {dimension_numbers = #tpu.dot_dimension_numbers<[1], [0], [0], [1], [0, 0, 1, 1], [], []>, transpose_lhs_hint = false} : vector<1024x256xf32>, vector<256x4xf32>, vector<1024x4xf32> -> vector<1024x4xf32>
    %add3A_219 = vector.broadcast %get3A_24 : f32 to vector<1024x4xf32>
    %add3A_220 = arith.addf %dot_general3A_218, %add3A_219 : vector<1024x4xf32>
    %exp3A_221 = math.exp %add3A_220 : vector<1024x4xf32>
    %swap3A_222 = arith.constant 0 : index
    %swap3A_223 = arith.constant 24 : index
    %swap3A_224 = vector.load %arg12[%swap3A_222, %swap3A_223] : memref<1024x64xf32, #tpu.memory_space<vmem>>, vector<1024x4xf32>
    tpu.vector_store %arg12[%swap3A_222, %swap3A_223], %exp3A_221 {strides = array<i32>} : memref<1024x64xf32, #tpu.memory_space<vmem>>, vector<1024x4xf32>,
    %get3A_225 = arith.constant 7 : index
    %get3A_226 = arith.constant 0 : index
    %get3A_227 = arith.constant 0 : index
    %get3A_228 = vector.load %arg2[%get3A_225, %get3A_226, %get3A_227] : memref<16x1024x128xi32, #tpu.memory_space<vmem>>, vector<1x1024x128xi32>
    %get3A_229 = vector.shape_cast %get3A_228 : vector<1x1024x128xi32> to vector<1024x128xi32>
    %shift_left3A_230 = arith.constant 16 : i32
    %shift_left3A_231 = vector.broadcast %shift_left3A_230 : i32 to vector<1024x128xi32>
    %shift_left3A_232 = arith.shli %get3A_229, %shift_left3A_231 : vector<1024x128xi32>
    %bitcast_convert_type3A_233 = tpu.bitcast %shift_left3A_232 : vector<1024x128xi32> -> vector<1024x128xf32>
    %and3A_234 = arith.constant -65536 : i32
    %and3A_235 = vector.broadcast %and3A_234 : i32 to vector<1024x128xi32>
    %and3A_236 = arith.andi %get3A_229, %and3A_235 : vector<1024x128xi32>
    %bitcast_convert_type3A_237 = tpu.bitcast %and3A_236 : vector<1024x128xi32> -> vector<1024x128xf32>
    %concatenate3A_238 = tpu.concatenate %bitcast_convert_type3A_233, %bitcast_convert_type3A_237 in 1 : vector<1024x128xf32>, vector<1024x128xf32> -> vector<1024x256xf32>
    %convert_element_type3A_239 = arith.truncf %concatenate3A_238 : vector<1024x256xf32> to vector<1024x256xbf16>
    %dot_general3A_240 = arith.constant dense<0.000000e+00> : vector<1024x256xf32>
    %dot_general3A_241 = tpu.matmul %convert_element_type3A_239, %get3A_17, %dot_general3A_240 {dimension_numbers = #tpu.dot_dimension_numbers<[1], [0], [0], [1], [0, 0, 1, 1], [], []>, transpose_lhs_hint = false} : vector<1024x256xbf16>, vector<256x256xbf16>, vector<1024x256xf32> -> vector<1024x256xf32>
    %add3A_242 = arith.addf %dot_general3A_241, %add3A_14 : vector<1024x256xf32>
    %max3A_243 = arith.constant 0.000000e+00 : f32
    %max3A_244 = vector.broadcast %max3A_243 : f32 to vector<1024x256xf32>
    %max3A_245 = arith.maximumf %add3A_242, %max3A_244 : vector<1024x256xf32>
    %dot_general3A_246 = arith.constant dense<0.000000e+00> : vector<1024x4xf32>
    %dot_general3A_247 = tpu.matmul %max3A_245, %get3A_20, %dot_general3A_246 {dimension_numbers = #tpu.dot_dimension_numbers<[1], [0], [0], [1], [0, 0, 1, 1], [], []>, transpose_lhs_hint = false} : vector<1024x256xf32>, vector<256x4xf32>, vector<1024x4xf32> -> vector<1024x4xf32>
    %add3A_248 = vector.broadcast %get3A_24 : f32 to vector<1024x4xf32>
    %add3A_249 = arith.addf %dot_general3A_247, %add3A_248 : vector<1024x4xf32>
    %exp3A_250 = math.exp %add3A_249 : vector<1024x4xf32>
    %swap3A_251 = arith.constant 0 : index
    %swap3A_252 = arith.constant 28 : index
    %swap3A_253 = vector.load %arg12[%swap3A_251, %swap3A_252] : memref<1024x64xf32, #tpu.memory_space<vmem>>, vector<1024x4xf32>
    tpu.vector_store %arg12[%swap3A_251, %swap3A_252], %exp3A_250 {strides = array<i32>} : memref<1024x64xf32, #tpu.memory_space<vmem>>, vector<1024x4xf32>,
    %get3A_254 = arith.constant 8 : index
    %get3A_255 = arith.constant 0 : index
    %get3A_256 = arith.constant 0 : index
    %get3A_257 = vector.load %arg2[%get3A_254, %get3A_255, %get3A_256] : memref<16x1024x128xi32, #tpu.memory_space<vmem>>, vector<1x1024x128xi32>
    %get3A_258 = vector.shape_cast %get3A_257 : vector<1x1024x128xi32> to vector<1024x128xi32>
    %shift_left3A_259 = arith.constant 16 : i32
    %shift_left3A_260 = vector.broadcast %shift_left3A_259 : i32 to vector<1024x128xi32>
    %shift_left3A_261 = arith.shli %get3A_258, %shift_left3A_260 : vector<1024x128xi32>
    %bitcast_convert_type3A_262 = tpu.bitcast %shift_left3A_261 : vector<1024x128xi32> -> vector<1024x128xf32>
    %and3A_263 = arith.constant -65536 : i32
    %and3A_264 = vector.broadcast %and3A_263 : i32 to vector<1024x128xi32>
    %and3A_265 = arith.andi %get3A_258, %and3A_264 : vector<1024x128xi32>
    %bitcast_convert_type3A_266 = tpu.bitcast %and3A_265 : vector<1024x128xi32> -> vector<1024x128xf32>
    %concatenate3A_267 = tpu.concatenate %bitcast_convert_type3A_262, %bitcast_convert_type3A_266 in 1 : vector<1024x128xf32>, vector<1024x128xf32> -> vector<1024x256xf32>
    %convert_element_type3A_268 = arith.truncf %concatenate3A_267 : vector<1024x256xf32> to vector<1024x256xbf16>
    %dot_general3A_269 = arith.constant dense<0.000000e+00> : vector<1024x256xf32>
    %dot_general3A_270 = tpu.matmul %convert_element_type3A_268, %get3A_17, %dot_general3A_269 {dimension_numbers = #tpu.dot_dimension_numbers<[1], [0], [0], [1], [0, 0, 1, 1], [], []>, transpose_lhs_hint = false} : vector<1024x256xbf16>, vector<256x256xbf16>, vector<1024x256xf32> -> vector<1024x256xf32>
    %add3A_271 = arith.addf %dot_general3A_270, %add3A_14 : vector<1024x256xf32>
    %max3A_272 = arith.constant 0.000000e+00 : f32
    %max3A_273 = vector.broadcast %max3A_272 : f32 to vector<1024x256xf32>
    %max3A_274 = arith.maximumf %add3A_271, %max3A_273 : vector<1024x256xf32>
    %dot_general3A_275 = arith.constant dense<0.000000e+00> : vector<1024x4xf32>
    %dot_general3A_276 = tpu.matmul %max3A_274, %get3A_20, %dot_general3A_275 {dimension_numbers = #tpu.dot_dimension_numbers<[1], [0], [0], [1], [0, 0, 1, 1], [], []>, transpose_lhs_hint = false} : vector<1024x256xf32>, vector<256x4xf32>, vector<1024x4xf32> -> vector<1024x4xf32>
    %add3A_277 = vector.broadcast %get3A_24 : f32 to vector<1024x4xf32>
    %add3A_278 = arith.addf %dot_general3A_276, %add3A_277 : vector<1024x4xf32>
    %exp3A_279 = math.exp %add3A_278 : vector<1024x4xf32>
    %swap3A_280 = arith.constant 0 : index
    %swap3A_281 = arith.constant 32 : index
    %swap3A_282 = vector.load %arg12[%swap3A_280, %swap3A_281] : memref<1024x64xf32, #tpu.memory_space<vmem>>, vector<1024x4xf32>
    tpu.vector_store %arg12[%swap3A_280, %swap3A_281], %exp3A_279 {strides = array<i32>} : memref<1024x64xf32, #tpu.memory_space<vmem>>, vector<1024x4xf32>,
    %get3A_283 = arith.constant 9 : index
    %get3A_284 = arith.constant 0 : index
    %get3A_285 = arith.constant 0 : index
    %get3A_286 = vector.load %arg2[%get3A_283, %get3A_284, %get3A_285] : memref<16x1024x128xi32, #tpu.memory_space<vmem>>, vector<1x1024x128xi32>
    %get3A_287 = vector.shape_cast %get3A_286 : vector<1x1024x128xi32> to vector<1024x128xi32>
    %shift_left3A_288 = arith.constant 16 : i32
    %shift_left3A_289 = vector.broadcast %shift_left3A_288 : i32 to vector<1024x128xi32>
    %shift_left3A_290 = arith.shli %get3A_287, %shift_left3A_289 : vector<1024x128xi32>
    %bitcast_convert_type3A_291 = tpu.bitcast %shift_left3A_290 : vector<1024x128xi32> -> vector<1024x128xf32>
    %and3A_292 = arith.constant -65536 : i32
    %and3A_293 = vector.broadcast %and3A_292 : i32 to vector<1024x128xi32>
    %and3A_294 = arith.andi %get3A_287, %and3A_293 : vector<1024x128xi32>
    %bitcast_convert_type3A_295 = tpu.bitcast %and3A_294 : vector<1024x128xi32> -> vector<1024x128xf32>
    %concatenate3A_296 = tpu.concatenate %bitcast_convert_type3A_291, %bitcast_convert_type3A_295 in 1 : vector<1024x128xf32>, vector<1024x128xf32> -> vector<1024x256xf32>
    %convert_element_type3A_297 = arith.truncf %concatenate3A_296 : vector<1024x256xf32> to vector<1024x256xbf16>
    %dot_general3A_298 = arith.constant dense<0.000000e+00> : vector<1024x256xf32>
    %dot_general3A_299 = tpu.matmul %convert_element_type3A_297, %get3A_17, %dot_general3A_298 {dimension_numbers = #tpu.dot_dimension_numbers<[1], [0], [0], [1], [0, 0, 1, 1], [], []>, transpose_lhs_hint = false} : vector<1024x256xbf16>, vector<256x256xbf16>, vector<1024x256xf32> -> vector<1024x256xf32>
    %add3A_300 = arith.addf %dot_general3A_299, %add3A_14 : vector<1024x256xf32>
    %max3A_301 = arith.constant 0.000000e+00 : f32
    %max3A_302 = vector.broadcast %max3A_301 : f32 to vector<1024x256xf32>
    %max3A_303 = arith.maximumf %add3A_300, %max3A_302 : vector<1024x256xf32>
    %dot_general3A_304 = arith.constant dense<0.000000e+00> : vector<1024x4xf32>
    %dot_general3A_305 = tpu.matmul %max3A_303, %get3A_20, %dot_general3A_304 {dimension_numbers = #tpu.dot_dimension_numbers<[1], [0], [0], [1], [0, 0, 1, 1], [], []>, transpose_lhs_hint = false} : vector<1024x256xf32>, vector<256x4xf32>, vector<1024x4xf32> -> vector<1024x4xf32>
    %add3A_306 = vector.broadcast %get3A_24 : f32 to vector<1024x4xf32>
    %add3A_307 = arith.addf %dot_general3A_305, %add3A_306 : vector<1024x4xf32>
    %exp3A_308 = math.exp %add3A_307 : vector<1024x4xf32>
    %swap3A_309 = arith.constant 0 : index
    %swap3A_310 = arith.constant 36 : index
    %swap3A_311 = vector.load %arg12[%swap3A_309, %swap3A_310] : memref<1024x64xf32, #tpu.memory_space<vmem>>, vector<1024x4xf32>
    tpu.vector_store %arg12[%swap3A_309, %swap3A_310], %exp3A_308 {strides = array<i32>} : memref<1024x64xf32, #tpu.memory_space<vmem>>, vector<1024x4xf32>,
    %get3A_312 = arith.constant 10 : index
    %get3A_313 = arith.constant 0 : index
    %get3A_314 = arith.constant 0 : index
    %get3A_315 = vector.load %arg2[%get3A_312, %get3A_313, %get3A_314] : memref<16x1024x128xi32, #tpu.memory_space<vmem>>, vector<1x1024x128xi32>
    %get3A_316 = vector.shape_cast %get3A_315 : vector<1x1024x128xi32> to vector<1024x128xi32>
    %shift_left3A_317 = arith.constant 16 : i32
    %shift_left3A_318 = vector.broadcast %shift_left3A_317 : i32 to vector<1024x128xi32>
    %shift_left3A_319 = arith.shli %get3A_316, %shift_left3A_318 : vector<1024x128xi32>
    %bitcast_convert_type3A_320 = tpu.bitcast %shift_left3A_319 : vector<1024x128xi32> -> vector<1024x128xf32>
    %and3A_321 = arith.constant -65536 : i32
    %and3A_322 = vector.broadcast %and3A_321 : i32 to vector<1024x128xi32>
    %and3A_323 = arith.andi %get3A_316, %and3A_322 : vector<1024x128xi32>
    %bitcast_convert_type3A_324 = tpu.bitcast %and3A_323 : vector<1024x128xi32> -> vector<1024x128xf32>
    %concatenate3A_325 = tpu.concatenate %bitcast_convert_type3A_320, %bitcast_convert_type3A_324 in 1 : vector<1024x128xf32>, vector<1024x128xf32> -> vector<1024x256xf32>
    %convert_element_type3A_326 = arith.truncf %concatenate3A_325 : vector<1024x256xf32> to vector<1024x256xbf16>
    %dot_general3A_327 = arith.constant dense<0.000000e+00> : vector<1024x256xf32>
    %dot_general3A_328 = tpu.matmul %convert_element_type3A_326, %get3A_17, %dot_general3A_327 {dimension_numbers = #tpu.dot_dimension_numbers<[1], [0], [0], [1], [0, 0, 1, 1], [], []>, transpose_lhs_hint = false} : vector<1024x256xbf16>, vector<256x256xbf16>, vector<1024x256xf32> -> vector<1024x256xf32>
    %add3A_329 = arith.addf %dot_general3A_328, %add3A_14 : vector<1024x256xf32>
    %max3A_330 = arith.constant 0.000000e+00 : f32
    %max3A_331 = vector.broadcast %max3A_330 : f32 to vector<1024x256xf32>
    %max3A_332 = arith.maximumf %add3A_329, %max3A_331 : vector<1024x256xf32>
    %dot_general3A_333 = arith.constant dense<0.000000e+00> : vector<1024x4xf32>
    %dot_general3A_334 = tpu.matmul %max3A_332, %get3A_20, %dot_general3A_333 {dimension_numbers = #tpu.dot_dimension_numbers<[1], [0], [0], [1], [0, 0, 1, 1], [], []>, transpose_lhs_hint = false} : vector<1024x256xf32>, vector<256x4xf32>, vector<1024x4xf32> -> vector<1024x4xf32>
    %add3A_335 = vector.broadcast %get3A_24 : f32 to vector<1024x4xf32>
    %add3A_336 = arith.addf %dot_general3A_334, %add3A_335 : vector<1024x4xf32>
    %exp3A_337 = math.exp %add3A_336 : vector<1024x4xf32>
    %swap3A_338 = arith.constant 0 : index
    %swap3A_339 = arith.constant 40 : index
    %swap3A_340 = vector.load %arg12[%swap3A_338, %swap3A_339] : memref<1024x64xf32, #tpu.memory_space<vmem>>, vector<1024x4xf32>
    tpu.vector_store %arg12[%swap3A_338, %swap3A_339], %exp3A_337 {strides = array<i32>} : memref<1024x64xf32, #tpu.memory_space<vmem>>, vector<1024x4xf32>,
    %get3A_341 = arith.constant 11 : index
    %get3A_342 = arith.constant 0 : index
    %get3A_343 = arith.constant 0 : index
    %get3A_344 = vector.load %arg2[%get3A_341, %get3A_342, %get3A_343] : memref<16x1024x128xi32, #tpu.memory_space<vmem>>, vector<1x1024x128xi32>
    %get3A_345 = vector.shape_cast %get3A_344 : vector<1x1024x128xi32> to vector<1024x128xi32>
    %shift_left3A_346 = arith.constant 16 : i32
    %shift_left3A_347 = vector.broadcast %shift_left3A_346 : i32 to vector<1024x128xi32>
    %shift_left3A_348 = arith.shli %get3A_345, %shift_left3A_347 : vector<1024x128xi32>
    %bitcast_convert_type3A_349 = tpu.bitcast %shift_left3A_348 : vector<1024x128xi32> -> vector<1024x128xf32>
    %and3A_350 = arith.constant -65536 : i32
    %and3A_351 = vector.broadcast %and3A_350 : i32 to vector<1024x128xi32>
    %and3A_352 = arith.andi %get3A_345, %and3A_351 : vector<1024x128xi32>
    %bitcast_convert_type3A_353 = tpu.bitcast %and3A_352 : vector<1024x128xi32> -> vector<1024x128xf32>
    %concatenate3A_354 = tpu.concatenate %bitcast_convert_type3A_349, %bitcast_convert_type3A_353 in 1 : vector<1024x128xf32>, vector<1024x128xf32> -> vector<1024x256xf32>
    %convert_element_type3A_355 = arith.truncf %concatenate3A_354 : vector<1024x256xf32> to vector<1024x256xbf16>
    %dot_general3A_356 = arith.constant dense<0.000000e+00> : vector<1024x256xf32>
    %dot_general3A_357 = tpu.matmul %convert_element_type3A_355, %get3A_17, %dot_general3A_356 {dimension_numbers = #tpu.dot_dimension_numbers<[1], [0], [0], [1], [0, 0, 1, 1], [], []>, transpose_lhs_hint = false} : vector<1024x256xbf16>, vector<256x256xbf16>, vector<1024x256xf32> -> vector<1024x256xf32>
    %add3A_358 = arith.addf %dot_general3A_357, %add3A_14 : vector<1024x256xf32>
    %max3A_359 = arith.constant 0.000000e+00 : f32
    %max3A_360 = vector.broadcast %max3A_359 : f32 to vector<1024x256xf32>
    %max3A_361 = arith.maximumf %add3A_358, %max3A_360 : vector<1024x256xf32>
    %dot_general3A_362 = arith.constant dense<0.000000e+00> : vector<1024x4xf32>
    %dot_general3A_363 = tpu.matmul %max3A_361, %get3A_20, %dot_general3A_362 {dimension_numbers = #tpu.dot_dimension_numbers<[1], [0], [0], [1], [0, 0, 1, 1], [], []>, transpose_lhs_hint = false} : vector<1024x256xf32>, vector<256x4xf32>, vector<1024x4xf32> -> vector<1024x4xf32>
    %add3A_364 = vector.broadcast %get3A_24 : f32 to vector<1024x4xf32>
    %add3A_365 = arith.addf %dot_general3A_363, %add3A_364 : vector<1024x4xf32>
    %exp3A_366 = math.exp %add3A_365 : vector<1024x4xf32>
    %swap3A_367 = arith.constant 0 : index
    %swap3A_368 = arith.constant 44 : index
    %swap3A_369 = vector.load %arg12[%swap3A_367, %swap3A_368] : memref<1024x64xf32, #tpu.memory_space<vmem>>, vector<1024x4xf32>
    tpu.vector_store %arg12[%swap3A_367, %swap3A_368], %exp3A_366 {strides = array<i32>} : memref<1024x64xf32, #tpu.memory_space<vmem>>, vector<1024x4xf32>,
    %get3A_370 = arith.constant 12 : index
    %get3A_371 = arith.constant 0 : index
    %get3A_372 = arith.constant 0 : index
    %get3A_373 = vector.load %arg2[%get3A_370, %get3A_371, %get3A_372] : memref<16x1024x128xi32, #tpu.memory_space<vmem>>, vector<1x1024x128xi32>
    %get3A_374 = vector.shape_cast %get3A_373 : vector<1x1024x128xi32> to vector<1024x128xi32>
    %shift_left3A_375 = arith.constant 16 : i32
    %shift_left3A_376 = vector.broadcast %shift_left3A_375 : i32 to vector<1024x128xi32>
    %shift_left3A_377 = arith.shli %get3A_374, %shift_left3A_376 : vector<1024x128xi32>
    %bitcast_convert_type3A_378 = tpu.bitcast %shift_left3A_377 : vector<1024x128xi32> -> vector<1024x128xf32>
    %and3A_379 = arith.constant -65536 : i32
    %and3A_380 = vector.broadcast %and3A_379 : i32 to vector<1024x128xi32>
    %and3A_381 = arith.andi %get3A_374, %and3A_380 : vector<1024x128xi32>
    %bitcast_convert_type3A_382 = tpu.bitcast %and3A_381 : vector<1024x128xi32> -> vector<1024x128xf32>
    %concatenate3A_383 = tpu.concatenate %bitcast_convert_type3A_378, %bitcast_convert_type3A_382 in 1 : vector<1024x128xf32>, vector<1024x128xf32> -> vector<1024x256xf32>
    %convert_element_type3A_384 = arith.truncf %concatenate3A_383 : vector<1024x256xf32> to vector<1024x256xbf16>
    %dot_general3A_385 = arith.constant dense<0.000000e+00> : vector<1024x256xf32>
    %dot_general3A_386 = tpu.matmul %convert_element_type3A_384, %get3A_17, %dot_general3A_385 {dimension_numbers = #tpu.dot_dimension_numbers<[1], [0], [0], [1], [0, 0, 1, 1], [], []>, transpose_lhs_hint = false} : vector<1024x256xbf16>, vector<256x256xbf16>, vector<1024x256xf32> -> vector<1024x256xf32>
    %add3A_387 = arith.addf %dot_general3A_386, %add3A_14 : vector<1024x256xf32>
    %max3A_388 = arith.constant 0.000000e+00 : f32
    %max3A_389 = vector.broadcast %max3A_388 : f32 to vector<1024x256xf32>
    %max3A_390 = arith.maximumf %add3A_387, %max3A_389 : vector<1024x256xf32>
    %dot_general3A_391 = arith.constant dense<0.000000e+00> : vector<1024x4xf32>
    %dot_general3A_392 = tpu.matmul %max3A_390, %get3A_20, %dot_general3A_391 {dimension_numbers = #tpu.dot_dimension_numbers<[1], [0], [0], [1], [0, 0, 1, 1], [], []>, transpose_lhs_hint = false} : vector<1024x256xf32>, vector<256x4xf32>, vector<1024x4xf32> -> vector<1024x4xf32>
    %add3A_393 = vector.broadcast %get3A_24 : f32 to vector<1024x4xf32>
    %add3A_394 = arith.addf %dot_general3A_392, %add3A_393 : vector<1024x4xf32>
    %exp3A_395 = math.exp %add3A_394 : vector<1024x4xf32>
    %swap3A_396 = arith.constant 0 : index
    %swap3A_397 = arith.constant 48 : index
    %swap3A_398 = vector.load %arg12[%swap3A_396, %swap3A_397] : memref<1024x64xf32, #tpu.memory_space<vmem>>, vector<1024x4xf32>
    tpu.vector_store %arg12[%swap3A_396, %swap3A_397], %exp3A_395 {strides = array<i32>} : memref<1024x64xf32, #tpu.memory_space<vmem>>, vector<1024x4xf32>,
    %get3A_399 = arith.constant 13 : index
    %get3A_400 = arith.constant 0 : index
    %get3A_401 = arith.constant 0 : index
    %get3A_402 = vector.load %arg2[%get3A_399, %get3A_400, %get3A_401] : memref<16x1024x128xi32, #tpu.memory_space<vmem>>, vector<1x1024x128xi32>
    %get3A_403 = vector.shape_cast %get3A_402 : vector<1x1024x128xi32> to vector<1024x128xi32>
    %shift_left3A_404 = arith.constant 16 : i32
    %shift_left3A_405 = vector.broadcast %shift_left3A_404 : i32 to vector<1024x128xi32>
    %shift_left3A_406 = arith.shli %get3A_403, %shift_left3A_405 : vector<1024x128xi32>
    %bitcast_convert_type3A_407 = tpu.bitcast %shift_left3A_406 : vector<1024x128xi32> -> vector<1024x128xf32>
    %and3A_408 = arith.constant -65536 : i32
    %and3A_409 = vector.broadcast %and3A_408 : i32 to vector<1024x128xi32>
    %and3A_410 = arith.andi %get3A_403, %and3A_409 : vector<1024x128xi32>
    %bitcast_convert_type3A_411 = tpu.bitcast %and3A_410 : vector<1024x128xi32> -> vector<1024x128xf32>
    %concatenate3A_412 = tpu.concatenate %bitcast_convert_type3A_407, %bitcast_convert_type3A_411 in 1 : vector<1024x128xf32>, vector<1024x128xf32> -> vector<1024x256xf32>
    %convert_element_type3A_413 = arith.truncf %concatenate3A_412 : vector<1024x256xf32> to vector<1024x256xbf16>
    %dot_general3A_414 = arith.constant dense<0.000000e+00> : vector<1024x256xf32>
    %dot_general3A_415 = tpu.matmul %convert_element_type3A_413, %get3A_17, %dot_general3A_414 {dimension_numbers = #tpu.dot_dimension_numbers<[1], [0], [0], [1], [0, 0, 1, 1], [], []>, transpose_lhs_hint = false} : vector<1024x256xbf16>, vector<256x256xbf16>, vector<1024x256xf32> -> vector<1024x256xf32>
    %add3A_416 = arith.addf %dot_general3A_415, %add3A_14 : vector<1024x256xf32>
    %max3A_417 = arith.constant 0.000000e+00 : f32
    %max3A_418 = vector.broadcast %max3A_417 : f32 to vector<1024x256xf32>
    %max3A_419 = arith.maximumf %add3A_416, %max3A_418 : vector<1024x256xf32>
    %dot_general3A_420 = arith.constant dense<0.000000e+00> : vector<1024x4xf32>
    %dot_general3A_421 = tpu.matmul %max3A_419, %get3A_20, %dot_general3A_420 {dimension_numbers = #tpu.dot_dimension_numbers<[1], [0], [0], [1], [0, 0, 1, 1], [], []>, transpose_lhs_hint = false} : vector<1024x256xf32>, vector<256x4xf32>, vector<1024x4xf32> -> vector<1024x4xf32>
    %add3A_422 = vector.broadcast %get3A_24 : f32 to vector<1024x4xf32>
    %add3A_423 = arith.addf %dot_general3A_421, %add3A_422 : vector<1024x4xf32>
    %exp3A_424 = math.exp %add3A_423 : vector<1024x4xf32>
    %swap3A_425 = arith.constant 0 : index
    %swap3A_426 = arith.constant 52 : index
    %swap3A_427 = vector.load %arg12[%swap3A_425, %swap3A_426] : memref<1024x64xf32, #tpu.memory_space<vmem>>, vector<1024x4xf32>
    tpu.vector_store %arg12[%swap3A_425, %swap3A_426], %exp3A_424 {strides = array<i32>} : memref<1024x64xf32, #tpu.memory_space<vmem>>, vector<1024x4xf32>,
    %get3A_428 = arith.constant 14 : index
    %get3A_429 = arith.constant 0 : index
    %get3A_430 = arith.constant 0 : index
    %get3A_431 = vector.load %arg2[%get3A_428, %get3A_429, %get3A_430] : memref<16x1024x128xi32, #tpu.memory_space<vmem>>, vector<1x1024x128xi32>
    %get3A_432 = vector.shape_cast %get3A_431 : vector<1x1024x128xi32> to vector<1024x128xi32>
    %shift_left3A_433 = arith.constant 16 : i32
    %shift_left3A_434 = vector.broadcast %shift_left3A_433 : i32 to vector<1024x128xi32>
    %shift_left3A_435 = arith.shli %get3A_432, %shift_left3A_434 : vector<1024x128xi32>
    %bitcast_convert_type3A_436 = tpu.bitcast %shift_left3A_435 : vector<1024x128xi32> -> vector<1024x128xf32>
    %and3A_437 = arith.constant -65536 : i32
    %and3A_438 = vector.broadcast %and3A_437 : i32 to vector<1024x128xi32>
    %and3A_439 = arith.andi %get3A_432, %and3A_438 : vector<1024x128xi32>
    %bitcast_convert_type3A_440 = tpu.bitcast %and3A_439 : vector<1024x128xi32> -> vector<1024x128xf32>
    %concatenate3A_441 = tpu.concatenate %bitcast_convert_type3A_436, %bitcast_convert_type3A_440 in 1 : vector<1024x128xf32>, vector<1024x128xf32> -> vector<1024x256xf32>
    %convert_element_type3A_442 = arith.truncf %concatenate3A_441 : vector<1024x256xf32> to vector<1024x256xbf16>
    %dot_general3A_443 = arith.constant dense<0.000000e+00> : vector<1024x256xf32>
    %dot_general3A_444 = tpu.matmul %convert_element_type3A_442, %get3A_17, %dot_general3A_443 {dimension_numbers = #tpu.dot_dimension_numbers<[1], [0], [0], [1], [0, 0, 1, 1], [], []>, transpose_lhs_hint = false} : vector<1024x256xbf16>, vector<256x256xbf16>, vector<1024x256xf32> -> vector<1024x256xf32>
    %add3A_445 = arith.addf %dot_general3A_444, %add3A_14 : vector<1024x256xf32>
    %max3A_446 = arith.constant 0.000000e+00 : f32
    %max3A_447 = vector.broadcast %max3A_446 : f32 to vector<1024x256xf32>
    %max3A_448 = arith.maximumf %add3A_445, %max3A_447 : vector<1024x256xf32>
    %dot_general3A_449 = arith.constant dense<0.000000e+00> : vector<1024x4xf32>
    %dot_general3A_450 = tpu.matmul %max3A_448, %get3A_20, %dot_general3A_449 {dimension_numbers = #tpu.dot_dimension_numbers<[1], [0], [0], [1], [0, 0, 1, 1], [], []>, transpose_lhs_hint = false} : vector<1024x256xf32>, vector<256x4xf32>, vector<1024x4xf32> -> vector<1024x4xf32>
    %add3A_451 = vector.broadcast %get3A_24 : f32 to vector<1024x4xf32>
    %add3A_452 = arith.addf %dot_general3A_450, %add3A_451 : vector<1024x4xf32>
    %exp3A_453 = math.exp %add3A_452 : vector<1024x4xf32>
    %swap3A_454 = arith.constant 0 : index
    %swap3A_455 = arith.constant 56 : index
    %swap3A_456 = vector.load %arg12[%swap3A_454, %swap3A_455] : memref<1024x64xf32, #tpu.memory_space<vmem>>, vector<1024x4xf32>
    tpu.vector_store %arg12[%swap3A_454, %swap3A_455], %exp3A_453 {strides = array<i32>} : memref<1024x64xf32, #tpu.memory_space<vmem>>, vector<1024x4xf32>,
    %get3A_457 = arith.constant 15 : index
    %get3A_458 = arith.constant 0 : index
    %get3A_459 = arith.constant 0 : index
    %get3A_460 = vector.load %arg2[%get3A_457, %get3A_458, %get3A_459] : memref<16x1024x128xi32, #tpu.memory_space<vmem>>, vector<1x1024x128xi32>
    %get3A_461 = vector.shape_cast %get3A_460 : vector<1x1024x128xi32> to vector<1024x128xi32>
    %shift_left3A_462 = arith.constant 16 : i32
    %shift_left3A_463 = vector.broadcast %shift_left3A_462 : i32 to vector<1024x128xi32>
    %shift_left3A_464 = arith.shli %get3A_461, %shift_left3A_463 : vector<1024x128xi32>
    %bitcast_convert_type3A_465 = tpu.bitcast %shift_left3A_464 : vector<1024x128xi32> -> vector<1024x128xf32>
    %and3A_466 = arith.constant -65536 : i32
    %and3A_467 = vector.broadcast %and3A_466 : i32 to vector<1024x128xi32>
    %and3A_468 = arith.andi %get3A_461, %and3A_467 : vector<1024x128xi32>
    %bitcast_convert_type3A_469 = tpu.bitcast %and3A_468 : vector<1024x128xi32> -> vector<1024x128xf32>
    %concatenate3A_470 = tpu.concatenate %bitcast_convert_type3A_465, %bitcast_convert_type3A_469 in 1 : vector<1024x128xf32>, vector<1024x128xf32> -> vector<1024x256xf32>
    %convert_element_type3A_471 = arith.truncf %concatenate3A_470 : vector<1024x256xf32> to vector<1024x256xbf16>
    %dot_general3A_472 = arith.constant dense<0.000000e+00> : vector<1024x256xf32>
    %dot_general3A_473 = tpu.matmul %convert_element_type3A_471, %get3A_17, %dot_general3A_472 {dimension_numbers = #tpu.dot_dimension_numbers<[1], [0], [0], [1], [0, 0, 1, 1], [], []>, transpose_lhs_hint = false} : vector<1024x256xbf16>, vector<256x256xbf16>, vector<1024x256xf32> -> vector<1024x256xf32>
    %add3A_474 = arith.addf %dot_general3A_473, %add3A_14 : vector<1024x256xf32>
    %max3A_475 = arith.constant 0.000000e+00 : f32
    %max3A_476 = vector.broadcast %max3A_475 : f32 to vector<1024x256xf32>
    %max3A_477 = arith.maximumf %add3A_474, %max3A_476 : vector<1024x256xf32>
    %dot_general3A_478 = arith.constant dense<0.000000e+00> : vector<1024x4xf32>
    %dot_general3A_479 = tpu.matmul %max3A_477, %get3A_20, %dot_general3A_478 {dimension_numbers = #tpu.dot_dimension_numbers<[1], [0], [0], [1], [0, 0, 1, 1], [], []>, transpose_lhs_hint = false} : vector<1024x256xf32>, vector<256x4xf32>, vector<1024x4xf32> -> vector<1024x4xf32>
    %add3A_480 = vector.broadcast %get3A_24 : f32 to vector<1024x4xf32>
    %add3A_481 = arith.addf %dot_general3A_479, %add3A_480 : vector<1024x4xf32>
    %exp3A_482 = math.exp %add3A_481 : vector<1024x4xf32>
    %swap3A_483 = arith.constant 0 : index
    %swap3A_484 = arith.constant 60 : index
    %swap3A_485 = vector.load %arg12[%swap3A_483, %swap3A_484] : memref<1024x64xf32, #tpu.memory_space<vmem>>, vector<1024x4xf32>
    tpu.vector_store %arg12[%swap3A_483, %swap3A_484], %exp3A_482 {strides = array<i32>} : memref<1024x64xf32, #tpu.memory_space<vmem>>, vector<1024x4xf32>,
    %get3A_486 = arith.constant 0 : index
    %get3A_487 = arith.constant 0 : index
    %get3A_488 = vector.load %arg12[%get3A_486, %get3A_487] : memref<1024x64xf32, #tpu.memory_space<vmem>>, vector<1024x64xf32>
    %get3A_489 = arith.constant 0 : index
    %get3A_490 = arith.constant 0 : index
    %get3A_491 = vector.load %arg7[%get3A_489, %get3A_490] : memref<64x4xf32, #tpu.memory_space<vmem>>, vector<64x4xf32>
    %dot_general3A_492 = arith.constant dense<0.000000e+00> : vector<1024x4xf32>
    %dot_general3A_493 = tpu.matmul %get3A_488, %get3A_491, %dot_general3A_492 {dimension_numbers = #tpu.dot_dimension_numbers<[1], [0], [0], [1], [0, 0, 1, 1], [], []>, transpose_lhs_hint = false} : vector<1024x64xf32>, vector<64x4xf32>, vector<1024x4xf32> -> vector<1024x4xf32>
    %div3A = arith.constant 1.000000e+00 : f32
    %div3A_494 = vector.broadcast %div3A : f32 to vector<1024x4xf32>
    %div3A_495 = arith.divf %div3A_494, %dot_general3A_493 : vector<1024x4xf32>
    %get3A_496 = arith.constant 0 : index
    %get3A_497 = arith.constant 0 : index
    %get3A_498 = vector.load %arg8[%get3A_496, %get3A_497] : memref<4x128xf32, #tpu.memory_space<vmem>>, vector<4x128xf32>
    %slice3A = vector.extract_strided_slice %get3A_488 {offsets = [0, 0], sizes = [1024, 4], strides = [1, 1]} : vector<1024x64xf32> to vector<1024x4xf32>
    %mul3A = arith.mulf %slice3A, %div3A_495 : vector<1024x4xf32>
    %dot_general3A_499 = arith.constant dense<0.000000e+00> : vector<1024x128xf32>
    %dot_general3A_500 = tpu.matmul %mul3A, %get3A_498, %dot_general3A_499 {dimension_numbers = #tpu.dot_dimension_numbers<[1], [0], [0], [1], [0, 0, 1, 1], [], []>, transpose_lhs_hint = false} : vector<1024x4xf32>, vector<4x128xf32>, vector<1024x128xf32> -> vector<1024x128xf32>
    %get3A_501 = arith.constant 0 : index
    %get3A_502 = arith.constant 0 : index
    %get3A_503 = arith.constant 0 : index
    %get3A_504 = vector.load %arg2[%get3A_501, %get3A_502, %get3A_503] : memref<16x1024x128xi32, #tpu.memory_space<vmem>>, vector<1x1024x128xi32>
    %get3A_505 = vector.shape_cast %get3A_504 : vector<1x1024x128xi32> to vector<1024x128xi32>
    %shift_left3A_506 = arith.constant 16 : i32
    %shift_left3A_507 = vector.broadcast %shift_left3A_506 : i32 to vector<1024x128xi32>
    %shift_left3A_508 = arith.shli %get3A_505, %shift_left3A_507 : vector<1024x128xi32>
    %bitcast_convert_type3A_509 = tpu.bitcast %shift_left3A_508 : vector<1024x128xi32> -> vector<1024x128xf32>
    %and3A_510 = arith.constant -65536 : i32
    %and3A_511 = vector.broadcast %and3A_510 : i32 to vector<1024x128xi32>
    %and3A_512 = arith.andi %get3A_505, %and3A_511 : vector<1024x128xi32>
    %bitcast_convert_type3A_513 = tpu.bitcast %and3A_512 : vector<1024x128xi32> -> vector<1024x128xf32>
    %mul3A_514 = arith.mulf %dot_general3A_500, %bitcast_convert_type3A_509 : vector<1024x128xf32>
    %mul3A_515 = arith.mulf %dot_general3A_500, %bitcast_convert_type3A_513 : vector<1024x128xf32>
    %slice3A_516 = vector.extract_strided_slice %get3A_488 {offsets = [0, 4], sizes = [1024, 4], strides = [1, 1]} : vector<1024x64xf32> to vector<1024x4xf32>
    %mul3A_517 = arith.mulf %slice3A_516, %div3A_495 : vector<1024x4xf32>
    %dot_general3A_518 = arith.constant dense<0.000000e+00> : vector<1024x128xf32>
    %dot_general3A_519 = tpu.matmul %mul3A_517, %get3A_498, %dot_general3A_518 {dimension_numbers = #tpu.dot_dimension_numbers<[1], [0], [0], [1], [0, 0, 1, 1], [], []>, transpose_lhs_hint = false} : vector<1024x4xf32>, vector<4x128xf32>, vector<1024x128xf32> -> vector<1024x128xf32>
    %get3A_520 = arith.constant 1 : index
    %get3A_521 = arith.constant 0 : index
    %get3A_522 = arith.constant 0 : index
    %get3A_523 = vector.load %arg2[%get3A_520, %get3A_521, %get3A_522] : memref<16x1024x128xi32, #tpu.memory_space<vmem>>, vector<1x1024x128xi32>
    %get3A_524 = vector.shape_cast %get3A_523 : vector<1x1024x128xi32> to vector<1024x128xi32>
    %shift_left3A_525 = arith.constant 16 : i32
    %shift_left3A_526 = vector.broadcast %shift_left3A_525 : i32 to vector<1024x128xi32>
    %shift_left3A_527 = arith.shli %get3A_524, %shift_left3A_526 : vector<1024x128xi32>
    %bitcast_convert_type3A_528 = tpu.bitcast %shift_left3A_527 : vector<1024x128xi32> -> vector<1024x128xf32>
    %and3A_529 = arith.constant -65536 : i32
    %and3A_530 = vector.broadcast %and3A_529 : i32 to vector<1024x128xi32>
    %and3A_531 = arith.andi %get3A_524, %and3A_530 : vector<1024x128xi32>
    %bitcast_convert_type3A_532 = tpu.bitcast %and3A_531 : vector<1024x128xi32> -> vector<1024x128xf32>
    %mul3A_533 = arith.mulf %dot_general3A_519, %bitcast_convert_type3A_528 : vector<1024x128xf32>
    %add3A_534 = arith.addf %mul3A_514, %mul3A_533 : vector<1024x128xf32>
    %mul3A_535 = arith.mulf %dot_general3A_519, %bitcast_convert_type3A_532 : vector<1024x128xf32>
    %add3A_536 = arith.addf %mul3A_515, %mul3A_535 : vector<1024x128xf32>
    %slice3A_537 = vector.extract_strided_slice %get3A_488 {offsets = [0, 8], sizes = [1024, 4], strides = [1, 1]} : vector<1024x64xf32> to vector<1024x4xf32>
    %mul3A_538 = arith.mulf %slice3A_537, %div3A_495 : vector<1024x4xf32>
    %dot_general3A_539 = arith.constant dense<0.000000e+00> : vector<1024x128xf32>
    %dot_general3A_540 = tpu.matmul %mul3A_538, %get3A_498, %dot_general3A_539 {dimension_numbers = #tpu.dot_dimension_numbers<[1], [0], [0], [1], [0, 0, 1, 1], [], []>, transpose_lhs_hint = false} : vector<1024x4xf32>, vector<4x128xf32>, vector<1024x128xf32> -> vector<1024x128xf32>
    %get3A_541 = arith.constant 2 : index
    %get3A_542 = arith.constant 0 : index
    %get3A_543 = arith.constant 0 : index
    %get3A_544 = vector.load %arg2[%get3A_541, %get3A_542, %get3A_543] : memref<16x1024x128xi32, #tpu.memory_space<vmem>>, vector<1x1024x128xi32>
    %get3A_545 = vector.shape_cast %get3A_544 : vector<1x1024x128xi32> to vector<1024x128xi32>
    %shift_left3A_546 = arith.constant 16 : i32
    %shift_left3A_547 = vector.broadcast %shift_left3A_546 : i32 to vector<1024x128xi32>
    %shift_left3A_548 = arith.shli %get3A_545, %shift_left3A_547 : vector<1024x128xi32>
    %bitcast_convert_type3A_549 = tpu.bitcast %shift_left3A_548 : vector<1024x128xi32> -> vector<1024x128xf32>
    %and3A_550 = arith.constant -65536 : i32
    %and3A_551 = vector.broadcast %and3A_550 : i32 to vector<1024x128xi32>
    %and3A_552 = arith.andi %get3A_545, %and3A_551 : vector<1024x128xi32>
    %bitcast_convert_type3A_553 = tpu.bitcast %and3A_552 : vector<1024x128xi32> -> vector<1024x128xf32>
    %mul3A_554 = arith.mulf %dot_general3A_540, %bitcast_convert_type3A_549 : vector<1024x128xf32>
    %add3A_555 = arith.addf %add3A_534, %mul3A_554 : vector<1024x128xf32>
    %mul3A_556 = arith.mulf %dot_general3A_540, %bitcast_convert_type3A_553 : vector<1024x128xf32>
    %add3A_557 = arith.addf %add3A_536, %mul3A_556 : vector<1024x128xf32>
    %slice3A_558 = vector.extract_strided_slice %get3A_488 {offsets = [0, 12], sizes = [1024, 4], strides = [1, 1]} : vector<1024x64xf32> to vector<1024x4xf32>
    %mul3A_559 = arith.mulf %slice3A_558, %div3A_495 : vector<1024x4xf32>
    %dot_general3A_560 = arith.constant dense<0.000000e+00> : vector<1024x128xf32>
    %dot_general3A_561 = tpu.matmul %mul3A_559, %get3A_498, %dot_general3A_560 {dimension_numbers = #tpu.dot_dimension_numbers<[1], [0], [0], [1], [0, 0, 1, 1], [], []>, transpose_lhs_hint = false} : vector<1024x4xf32>, vector<4x128xf32>, vector<1024x128xf32> -> vector<1024x128xf32>
    %get3A_562 = arith.constant 3 : index
    %get3A_563 = arith.constant 0 : index
    %get3A_564 = arith.constant 0 : index
    %get3A_565 = vector.load %arg2[%get3A_562, %get3A_563, %get3A_564] : memref<16x1024x128xi32, #tpu.memory_space<vmem>>, vector<1x1024x128xi32>
    %get3A_566 = vector.shape_cast %get3A_565 : vector<1x1024x128xi32> to vector<1024x128xi32>
    %shift_left3A_567 = arith.constant 16 : i32
    %shift_left3A_568 = vector.broadcast %shift_left3A_567 : i32 to vector<1024x128xi32>
    %shift_left3A_569 = arith.shli %get3A_566, %shift_left3A_568 : vector<1024x128xi32>
    %bitcast_convert_type3A_570 = tpu.bitcast %shift_left3A_569 : vector<1024x128xi32> -> vector<1024x128xf32>
    %and3A_571 = arith.constant -65536 : i32
    %and3A_572 = vector.broadcast %and3A_571 : i32 to vector<1024x128xi32>
    %and3A_573 = arith.andi %get3A_566, %and3A_572 : vector<1024x128xi32>
    %bitcast_convert_type3A_574 = tpu.bitcast %and3A_573 : vector<1024x128xi32> -> vector<1024x128xf32>
    %mul3A_575 = arith.mulf %dot_general3A_561, %bitcast_convert_type3A_570 : vector<1024x128xf32>
    %add3A_576 = arith.addf %add3A_555, %mul3A_575 : vector<1024x128xf32>
    %mul3A_577 = arith.mulf %dot_general3A_561, %bitcast_convert_type3A_574 : vector<1024x128xf32>
    %add3A_578 = arith.addf %add3A_557, %mul3A_577 : vector<1024x128xf32>
    %slice3A_579 = vector.extract_strided_slice %get3A_488 {offsets = [0, 16], sizes = [1024, 4], strides = [1, 1]} : vector<1024x64xf32> to vector<1024x4xf32>
    %mul3A_580 = arith.mulf %slice3A_579, %div3A_495 : vector<1024x4xf32>
    %dot_general3A_581 = arith.constant dense<0.000000e+00> : vector<1024x128xf32>
    %dot_general3A_582 = tpu.matmul %mul3A_580, %get3A_498, %dot_general3A_581 {dimension_numbers = #tpu.dot_dimension_numbers<[1], [0], [0], [1], [0, 0, 1, 1], [], []>, transpose_lhs_hint = false} : vector<1024x4xf32>, vector<4x128xf32>, vector<1024x128xf32> -> vector<1024x128xf32>
    %get3A_583 = arith.constant 4 : index
    %get3A_584 = arith.constant 0 : index
    %get3A_585 = arith.constant 0 : index
    %get3A_586 = vector.load %arg2[%get3A_583, %get3A_584, %get3A_585] : memref<16x1024x128xi32, #tpu.memory_space<vmem>>, vector<1x1024x128xi32>
    %get3A_587 = vector.shape_cast %get3A_586 : vector<1x1024x128xi32> to vector<1024x128xi32>
    %shift_left3A_588 = arith.constant 16 : i32
    %shift_left3A_589 = vector.broadcast %shift_left3A_588 : i32 to vector<1024x128xi32>
    %shift_left3A_590 = arith.shli %get3A_587, %shift_left3A_589 : vector<1024x128xi32>
    %bitcast_convert_type3A_591 = tpu.bitcast %shift_left3A_590 : vector<1024x128xi32> -> vector<1024x128xf32>
    %and3A_592 = arith.constant -65536 : i32
    %and3A_593 = vector.broadcast %and3A_592 : i32 to vector<1024x128xi32>
    %and3A_594 = arith.andi %get3A_587, %and3A_593 : vector<1024x128xi32>
    %bitcast_convert_type3A_595 = tpu.bitcast %and3A_594 : vector<1024x128xi32> -> vector<1024x128xf32>
    %mul3A_596 = arith.mulf %dot_general3A_582, %bitcast_convert_type3A_591 : vector<1024x128xf32>
    %add3A_597 = arith.addf %add3A_576, %mul3A_596 : vector<1024x128xf32>
    %mul3A_598 = arith.mulf %dot_general3A_582, %bitcast_convert_type3A_595 : vector<1024x128xf32>
    %add3A_599 = arith.addf %add3A_578, %mul3A_598 : vector<1024x128xf32>
    %slice3A_600 = vector.extract_strided_slice %get3A_488 {offsets = [0, 20], sizes = [1024, 4], strides = [1, 1]} : vector<1024x64xf32> to vector<1024x4xf32>
    %mul3A_601 = arith.mulf %slice3A_600, %div3A_495 : vector<1024x4xf32>
    %dot_general3A_602 = arith.constant dense<0.000000e+00> : vector<1024x128xf32>
    %dot_general3A_603 = tpu.matmul %mul3A_601, %get3A_498, %dot_general3A_602 {dimension_numbers = #tpu.dot_dimension_numbers<[1], [0], [0], [1], [0, 0, 1, 1], [], []>, transpose_lhs_hint = false} : vector<1024x4xf32>, vector<4x128xf32>, vector<1024x128xf32> -> vector<1024x128xf32>
    %get3A_604 = arith.constant 5 : index
    %get3A_605 = arith.constant 0 : index
    %get3A_606 = arith.constant 0 : index
    %get3A_607 = vector.load %arg2[%get3A_604, %get3A_605, %get3A_606] : memref<16x1024x128xi32, #tpu.memory_space<vmem>>, vector<1x1024x128xi32>
    %get3A_608 = vector.shape_cast %get3A_607 : vector<1x1024x128xi32> to vector<1024x128xi32>
    %shift_left3A_609 = arith.constant 16 : i32
    %shift_left3A_610 = vector.broadcast %shift_left3A_609 : i32 to vector<1024x128xi32>
    %shift_left3A_611 = arith.shli %get3A_608, %shift_left3A_610 : vector<1024x128xi32>
    %bitcast_convert_type3A_612 = tpu.bitcast %shift_left3A_611 : vector<1024x128xi32> -> vector<1024x128xf32>
    %and3A_613 = arith.constant -65536 : i32
    %and3A_614 = vector.broadcast %and3A_613 : i32 to vector<1024x128xi32>
    %and3A_615 = arith.andi %get3A_608, %and3A_614 : vector<1024x128xi32>
    %bitcast_convert_type3A_616 = tpu.bitcast %and3A_615 : vector<1024x128xi32> -> vector<1024x128xf32>
    %mul3A_617 = arith.mulf %dot_general3A_603, %bitcast_convert_type3A_612 : vector<1024x128xf32>
    %add3A_618 = arith.addf %add3A_597, %mul3A_617 : vector<1024x128xf32>
    %mul3A_619 = arith.mulf %dot_general3A_603, %bitcast_convert_type3A_616 : vector<1024x128xf32>
    %add3A_620 = arith.addf %add3A_599, %mul3A_619 : vector<1024x128xf32>
    %slice3A_621 = vector.extract_strided_slice %get3A_488 {offsets = [0, 24], sizes = [1024, 4], strides = [1, 1]} : vector<1024x64xf32> to vector<1024x4xf32>
    %mul3A_622 = arith.mulf %slice3A_621, %div3A_495 : vector<1024x4xf32>
    %dot_general3A_623 = arith.constant dense<0.000000e+00> : vector<1024x128xf32>
    %dot_general3A_624 = tpu.matmul %mul3A_622, %get3A_498, %dot_general3A_623 {dimension_numbers = #tpu.dot_dimension_numbers<[1], [0], [0], [1], [0, 0, 1, 1], [], []>, transpose_lhs_hint = false} : vector<1024x4xf32>, vector<4x128xf32>, vector<1024x128xf32> -> vector<1024x128xf32>
    %get3A_625 = arith.constant 6 : index
    %get3A_626 = arith.constant 0 : index
    %get3A_627 = arith.constant 0 : index
    %get3A_628 = vector.load %arg2[%get3A_625, %get3A_626, %get3A_627] : memref<16x1024x128xi32, #tpu.memory_space<vmem>>, vector<1x1024x128xi32>
    %get3A_629 = vector.shape_cast %get3A_628 : vector<1x1024x128xi32> to vector<1024x128xi32>
    %shift_left3A_630 = arith.constant 16 : i32
    %shift_left3A_631 = vector.broadcast %shift_left3A_630 : i32 to vector<1024x128xi32>
    %shift_left3A_632 = arith.shli %get3A_629, %shift_left3A_631 : vector<1024x128xi32>
    %bitcast_convert_type3A_633 = tpu.bitcast %shift_left3A_632 : vector<1024x128xi32> -> vector<1024x128xf32>
    %and3A_634 = arith.constant -65536 : i32
    %and3A_635 = vector.broadcast %and3A_634 : i32 to vector<1024x128xi32>
    %and3A_636 = arith.andi %get3A_629, %and3A_635 : vector<1024x128xi32>
    %bitcast_convert_type3A_637 = tpu.bitcast %and3A_636 : vector<1024x128xi32> -> vector<1024x128xf32>
    %mul3A_638 = arith.mulf %dot_general3A_624, %bitcast_convert_type3A_633 : vector<1024x128xf32>
    %add3A_639 = arith.addf %add3A_618, %mul3A_638 : vector<1024x128xf32>
    %mul3A_640 = arith.mulf %dot_general3A_624, %bitcast_convert_type3A_637 : vector<1024x128xf32>
    %add3A_641 = arith.addf %add3A_620, %mul3A_640 : vector<1024x128xf32>
    %slice3A_642 = vector.extract_strided_slice %get3A_488 {offsets = [0, 28], sizes = [1024, 4], strides = [1, 1]} : vector<1024x64xf32> to vector<1024x4xf32>
    %mul3A_643 = arith.mulf %slice3A_642, %div3A_495 : vector<1024x4xf32>
    %dot_general3A_644 = arith.constant dense<0.000000e+00> : vector<1024x128xf32>
    %dot_general3A_645 = tpu.matmul %mul3A_643, %get3A_498, %dot_general3A_644 {dimension_numbers = #tpu.dot_dimension_numbers<[1], [0], [0], [1], [0, 0, 1, 1], [], []>, transpose_lhs_hint = false} : vector<1024x4xf32>, vector<4x128xf32>, vector<1024x128xf32> -> vector<1024x128xf32>
    %get3A_646 = arith.constant 7 : index
    %get3A_647 = arith.constant 0 : index
    %get3A_648 = arith.constant 0 : index
    %get3A_649 = vector.load %arg2[%get3A_646, %get3A_647, %get3A_648] : memref<16x1024x128xi32, #tpu.memory_space<vmem>>, vector<1x1024x128xi32>
    %get3A_650 = vector.shape_cast %get3A_649 : vector<1x1024x128xi32> to vector<1024x128xi32>
    %shift_left3A_651 = arith.constant 16 : i32
    %shift_left3A_652 = vector.broadcast %shift_left3A_651 : i32 to vector<1024x128xi32>
    %shift_left3A_653 = arith.shli %get3A_650, %shift_left3A_652 : vector<1024x128xi32>
    %bitcast_convert_type3A_654 = tpu.bitcast %shift_left3A_653 : vector<1024x128xi32> -> vector<1024x128xf32>
    %and3A_655 = arith.constant -65536 : i32
    %and3A_656 = vector.broadcast %and3A_655 : i32 to vector<1024x128xi32>
    %and3A_657 = arith.andi %get3A_650, %and3A_656 : vector<1024x128xi32>
    %bitcast_convert_type3A_658 = tpu.bitcast %and3A_657 : vector<1024x128xi32> -> vector<1024x128xf32>
    %mul3A_659 = arith.mulf %dot_general3A_645, %bitcast_convert_type3A_654 : vector<1024x128xf32>
    %add3A_660 = arith.addf %add3A_639, %mul3A_659 : vector<1024x128xf32>
    %mul3A_661 = arith.mulf %dot_general3A_645, %bitcast_convert_type3A_658 : vector<1024x128xf32>
    %add3A_662 = arith.addf %add3A_641, %mul3A_661 : vector<1024x128xf32>
    %slice3A_663 = vector.extract_strided_slice %get3A_488 {offsets = [0, 32], sizes = [1024, 4], strides = [1, 1]} : vector<1024x64xf32> to vector<1024x4xf32>
    %mul3A_664 = arith.mulf %slice3A_663, %div3A_495 : vector<1024x4xf32>
    %dot_general3A_665 = arith.constant dense<0.000000e+00> : vector<1024x128xf32>
    %dot_general3A_666 = tpu.matmul %mul3A_664, %get3A_498, %dot_general3A_665 {dimension_numbers = #tpu.dot_dimension_numbers<[1], [0], [0], [1], [0, 0, 1, 1], [], []>, transpose_lhs_hint = false} : vector<1024x4xf32>, vector<4x128xf32>, vector<1024x128xf32> -> vector<1024x128xf32>
    %get3A_667 = arith.constant 8 : index
    %get3A_668 = arith.constant 0 : index
    %get3A_669 = arith.constant 0 : index
    %get3A_670 = vector.load %arg2[%get3A_667, %get3A_668, %get3A_669] : memref<16x1024x128xi32, #tpu.memory_space<vmem>>, vector<1x1024x128xi32>
    %get3A_671 = vector.shape_cast %get3A_670 : vector<1x1024x128xi32> to vector<1024x128xi32>
    %shift_left3A_672 = arith.constant 16 : i32
    %shift_left3A_673 = vector.broadcast %shift_left3A_672 : i32 to vector<1024x128xi32>
    %shift_left3A_674 = arith.shli %get3A_671, %shift_left3A_673 : vector<1024x128xi32>
    %bitcast_convert_type3A_675 = tpu.bitcast %shift_left3A_674 : vector<1024x128xi32> -> vector<1024x128xf32>
    %and3A_676 = arith.constant -65536 : i32
    %and3A_677 = vector.broadcast %and3A_676 : i32 to vector<1024x128xi32>
    %and3A_678 = arith.andi %get3A_671, %and3A_677 : vector<1024x128xi32>
    %bitcast_convert_type3A_679 = tpu.bitcast %and3A_678 : vector<1024x128xi32> -> vector<1024x128xf32>
    %mul3A_680 = arith.mulf %dot_general3A_666, %bitcast_convert_type3A_675 : vector<1024x128xf32>
    %add3A_681 = arith.addf %add3A_660, %mul3A_680 : vector<1024x128xf32>
    %mul3A_682 = arith.mulf %dot_general3A_666, %bitcast_convert_type3A_679 : vector<1024x128xf32>
    %add3A_683 = arith.addf %add3A_662, %mul3A_682 : vector<1024x128xf32>
    %slice3A_684 = vector.extract_strided_slice %get3A_488 {offsets = [0, 36], sizes = [1024, 4], strides = [1, 1]} : vector<1024x64xf32> to vector<1024x4xf32>
    %mul3A_685 = arith.mulf %slice3A_684, %div3A_495 : vector<1024x4xf32>
    %dot_general3A_686 = arith.constant dense<0.000000e+00> : vector<1024x128xf32>
    %dot_general3A_687 = tpu.matmul %mul3A_685, %get3A_498, %dot_general3A_686 {dimension_numbers = #tpu.dot_dimension_numbers<[1], [0], [0], [1], [0, 0, 1, 1], [], []>, transpose_lhs_hint = false} : vector<1024x4xf32>, vector<4x128xf32>, vector<1024x128xf32> -> vector<1024x128xf32>
    %get3A_688 = arith.constant 9 : index
    %get3A_689 = arith.constant 0 : index
    %get3A_690 = arith.constant 0 : index
    %get3A_691 = vector.load %arg2[%get3A_688, %get3A_689, %get3A_690] : memref<16x1024x128xi32, #tpu.memory_space<vmem>>, vector<1x1024x128xi32>
    %get3A_692 = vector.shape_cast %get3A_691 : vector<1x1024x128xi32> to vector<1024x128xi32>
    %shift_left3A_693 = arith.constant 16 : i32
    %shift_left3A_694 = vector.broadcast %shift_left3A_693 : i32 to vector<1024x128xi32>
    %shift_left3A_695 = arith.shli %get3A_692, %shift_left3A_694 : vector<1024x128xi32>
    %bitcast_convert_type3A_696 = tpu.bitcast %shift_left3A_695 : vector<1024x128xi32> -> vector<1024x128xf32>
    %and3A_697 = arith.constant -65536 : i32
    %and3A_698 = vector.broadcast %and3A_697 : i32 to vector<1024x128xi32>
    %and3A_699 = arith.andi %get3A_692, %and3A_698 : vector<1024x128xi32>
    %bitcast_convert_type3A_700 = tpu.bitcast %and3A_699 : vector<1024x128xi32> -> vector<1024x128xf32>
    %mul3A_701 = arith.mulf %dot_general3A_687, %bitcast_convert_type3A_696 : vector<1024x128xf32>
    %add3A_702 = arith.addf %add3A_681, %mul3A_701 : vector<1024x128xf32>
    %mul3A_703 = arith.mulf %dot_general3A_687, %bitcast_convert_type3A_700 : vector<1024x128xf32>
    %add3A_704 = arith.addf %add3A_683, %mul3A_703 : vector<1024x128xf32>
    %slice3A_705 = vector.extract_strided_slice %get3A_488 {offsets = [0, 40], sizes = [1024, 4], strides = [1, 1]} : vector<1024x64xf32> to vector<1024x4xf32>
    %mul3A_706 = arith.mulf %slice3A_705, %div3A_495 : vector<1024x4xf32>
    %dot_general3A_707 = arith.constant dense<0.000000e+00> : vector<1024x128xf32>
    %dot_general3A_708 = tpu.matmul %mul3A_706, %get3A_498, %dot_general3A_707 {dimension_numbers = #tpu.dot_dimension_numbers<[1], [0], [0], [1], [0, 0, 1, 1], [], []>, transpose_lhs_hint = false} : vector<1024x4xf32>, vector<4x128xf32>, vector<1024x128xf32> -> vector<1024x128xf32>
    %get3A_709 = arith.constant 10 : index
    %get3A_710 = arith.constant 0 : index
    %get3A_711 = arith.constant 0 : index
    %get3A_712 = vector.load %arg2[%get3A_709, %get3A_710, %get3A_711] : memref<16x1024x128xi32, #tpu.memory_space<vmem>>, vector<1x1024x128xi32>
    %get3A_713 = vector.shape_cast %get3A_712 : vector<1x1024x128xi32> to vector<1024x128xi32>
    %shift_left3A_714 = arith.constant 16 : i32
    %shift_left3A_715 = vector.broadcast %shift_left3A_714 : i32 to vector<1024x128xi32>
    %shift_left3A_716 = arith.shli %get3A_713, %shift_left3A_715 : vector<1024x128xi32>
    %bitcast_convert_type3A_717 = tpu.bitcast %shift_left3A_716 : vector<1024x128xi32> -> vector<1024x128xf32>
    %and3A_718 = arith.constant -65536 : i32
    %and3A_719 = vector.broadcast %and3A_718 : i32 to vector<1024x128xi32>
    %and3A_720 = arith.andi %get3A_713, %and3A_719 : vector<1024x128xi32>
    %bitcast_convert_type3A_721 = tpu.bitcast %and3A_720 : vector<1024x128xi32> -> vector<1024x128xf32>
    %mul3A_722 = arith.mulf %dot_general3A_708, %bitcast_convert_type3A_717 : vector<1024x128xf32>
    %add3A_723 = arith.addf %add3A_702, %mul3A_722 : vector<1024x128xf32>
    %mul3A_724 = arith.mulf %dot_general3A_708, %bitcast_convert_type3A_721 : vector<1024x128xf32>
    %add3A_725 = arith.addf %add3A_704, %mul3A_724 : vector<1024x128xf32>
    %slice3A_726 = vector.extract_strided_slice %get3A_488 {offsets = [0, 44], sizes = [1024, 4], strides = [1, 1]} : vector<1024x64xf32> to vector<1024x4xf32>
    %mul3A_727 = arith.mulf %slice3A_726, %div3A_495 : vector<1024x4xf32>
    %dot_general3A_728 = arith.constant dense<0.000000e+00> : vector<1024x128xf32>
    %dot_general3A_729 = tpu.matmul %mul3A_727, %get3A_498, %dot_general3A_728 {dimension_numbers = #tpu.dot_dimension_numbers<[1], [0], [0], [1], [0, 0, 1, 1], [], []>, transpose_lhs_hint = false} : vector<1024x4xf32>, vector<4x128xf32>, vector<1024x128xf32> -> vector<1024x128xf32>
    %get3A_730 = arith.constant 11 : index
    %get3A_731 = arith.constant 0 : index
    %get3A_732 = arith.constant 0 : index
    %get3A_733 = vector.load %arg2[%get3A_730, %get3A_731, %get3A_732] : memref<16x1024x128xi32, #tpu.memory_space<vmem>>, vector<1x1024x128xi32>
    %get3A_734 = vector.shape_cast %get3A_733 : vector<1x1024x128xi32> to vector<1024x128xi32>
    %shift_left3A_735 = arith.constant 16 : i32
    %shift_left3A_736 = vector.broadcast %shift_left3A_735 : i32 to vector<1024x128xi32>
    %shift_left3A_737 = arith.shli %get3A_734, %shift_left3A_736 : vector<1024x128xi32>
    %bitcast_convert_type3A_738 = tpu.bitcast %shift_left3A_737 : vector<1024x128xi32> -> vector<1024x128xf32>
    %and3A_739 = arith.constant -65536 : i32
    %and3A_740 = vector.broadcast %and3A_739 : i32 to vector<1024x128xi32>
    %and3A_741 = arith.andi %get3A_734, %and3A_740 : vector<1024x128xi32>
    %bitcast_convert_type3A_742 = tpu.bitcast %and3A_741 : vector<1024x128xi32> -> vector<1024x128xf32>
    %mul3A_743 = arith.mulf %dot_general3A_729, %bitcast_convert_type3A_738 : vector<1024x128xf32>
    %add3A_744 = arith.addf %add3A_723, %mul3A_743 : vector<1024x128xf32>
    %mul3A_745 = arith.mulf %dot_general3A_729, %bitcast_convert_type3A_742 : vector<1024x128xf32>
    %add3A_746 = arith.addf %add3A_725, %mul3A_745 : vector<1024x128xf32>
    %slice3A_747 = vector.extract_strided_slice %get3A_488 {offsets = [0, 48], sizes = [1024, 4], strides = [1, 1]} : vector<1024x64xf32> to vector<1024x4xf32>
    %mul3A_748 = arith.mulf %slice3A_747, %div3A_495 : vector<1024x4xf32>
    %dot_general3A_749 = arith.constant dense<0.000000e+00> : vector<1024x128xf32>
    %dot_general3A_750 = tpu.matmul %mul3A_748, %get3A_498, %dot_general3A_749 {dimension_numbers = #tpu.dot_dimension_numbers<[1], [0], [0], [1], [0, 0, 1, 1], [], []>, transpose_lhs_hint = false} : vector<1024x4xf32>, vector<4x128xf32>, vector<1024x128xf32> -> vector<1024x128xf32>
    %get3A_751 = arith.constant 12 : index
    %get3A_752 = arith.constant 0 : index
    %get3A_753 = arith.constant 0 : index
    %get3A_754 = vector.load %arg2[%get3A_751, %get3A_752, %get3A_753] : memref<16x1024x128xi32, #tpu.memory_space<vmem>>, vector<1x1024x128xi32>
    %get3A_755 = vector.shape_cast %get3A_754 : vector<1x1024x128xi32> to vector<1024x128xi32>
    %shift_left3A_756 = arith.constant 16 : i32
    %shift_left3A_757 = vector.broadcast %shift_left3A_756 : i32 to vector<1024x128xi32>
    %shift_left3A_758 = arith.shli %get3A_755, %shift_left3A_757 : vector<1024x128xi32>
    %bitcast_convert_type3A_759 = tpu.bitcast %shift_left3A_758 : vector<1024x128xi32> -> vector<1024x128xf32>
    %and3A_760 = arith.constant -65536 : i32
    %and3A_761 = vector.broadcast %and3A_760 : i32 to vector<1024x128xi32>
    %and3A_762 = arith.andi %get3A_755, %and3A_761 : vector<1024x128xi32>
    %bitcast_convert_type3A_763 = tpu.bitcast %and3A_762 : vector<1024x128xi32> -> vector<1024x128xf32>
    %mul3A_764 = arith.mulf %dot_general3A_750, %bitcast_convert_type3A_759 : vector<1024x128xf32>
    %add3A_765 = arith.addf %add3A_744, %mul3A_764 : vector<1024x128xf32>
    %mul3A_766 = arith.mulf %dot_general3A_750, %bitcast_convert_type3A_763 : vector<1024x128xf32>
    %add3A_767 = arith.addf %add3A_746, %mul3A_766 : vector<1024x128xf32>
    %slice3A_768 = vector.extract_strided_slice %get3A_488 {offsets = [0, 52], sizes = [1024, 4], strides = [1, 1]} : vector<1024x64xf32> to vector<1024x4xf32>
    %mul3A_769 = arith.mulf %slice3A_768, %div3A_495 : vector<1024x4xf32>
    %dot_general3A_770 = arith.constant dense<0.000000e+00> : vector<1024x128xf32>
    %dot_general3A_771 = tpu.matmul %mul3A_769, %get3A_498, %dot_general3A_770 {dimension_numbers = #tpu.dot_dimension_numbers<[1], [0], [0], [1], [0, 0, 1, 1], [], []>, transpose_lhs_hint = false} : vector<1024x4xf32>, vector<4x128xf32>, vector<1024x128xf32> -> vector<1024x128xf32>
    %get3A_772 = arith.constant 13 : index
    %get3A_773 = arith.constant 0 : index
    %get3A_774 = arith.constant 0 : index
    %get3A_775 = vector.load %arg2[%get3A_772, %get3A_773, %get3A_774] : memref<16x1024x128xi32, #tpu.memory_space<vmem>>, vector<1x1024x128xi32>
    %get3A_776 = vector.shape_cast %get3A_775 : vector<1x1024x128xi32> to vector<1024x128xi32>
    %shift_left3A_777 = arith.constant 16 : i32
    %shift_left3A_778 = vector.broadcast %shift_left3A_777 : i32 to vector<1024x128xi32>
    %shift_left3A_779 = arith.shli %get3A_776, %shift_left3A_778 : vector<1024x128xi32>
    %bitcast_convert_type3A_780 = tpu.bitcast %shift_left3A_779 : vector<1024x128xi32> -> vector<1024x128xf32>
    %and3A_781 = arith.constant -65536 : i32
    %and3A_782 = vector.broadcast %and3A_781 : i32 to vector<1024x128xi32>
    %and3A_783 = arith.andi %get3A_776, %and3A_782 : vector<1024x128xi32>
    %bitcast_convert_type3A_784 = tpu.bitcast %and3A_783 : vector<1024x128xi32> -> vector<1024x128xf32>
    %mul3A_785 = arith.mulf %dot_general3A_771, %bitcast_convert_type3A_780 : vector<1024x128xf32>
    %add3A_786 = arith.addf %add3A_765, %mul3A_785 : vector<1024x128xf32>
    %mul3A_787 = arith.mulf %dot_general3A_771, %bitcast_convert_type3A_784 : vector<1024x128xf32>
    %add3A_788 = arith.addf %add3A_767, %mul3A_787 : vector<1024x128xf32>
    %slice3A_789 = vector.extract_strided_slice %get3A_488 {offsets = [0, 56], sizes = [1024, 4], strides = [1, 1]} : vector<1024x64xf32> to vector<1024x4xf32>
    %mul3A_790 = arith.mulf %slice3A_789, %div3A_495 : vector<1024x4xf32>
    %dot_general3A_791 = arith.constant dense<0.000000e+00> : vector<1024x128xf32>
    %dot_general3A_792 = tpu.matmul %mul3A_790, %get3A_498, %dot_general3A_791 {dimension_numbers = #tpu.dot_dimension_numbers<[1], [0], [0], [1], [0, 0, 1, 1], [], []>, transpose_lhs_hint = false} : vector<1024x4xf32>, vector<4x128xf32>, vector<1024x128xf32> -> vector<1024x128xf32>
    %get3A_793 = arith.constant 14 : index
    %get3A_794 = arith.constant 0 : index
    %get3A_795 = arith.constant 0 : index
    %get3A_796 = vector.load %arg2[%get3A_793, %get3A_794, %get3A_795] : memref<16x1024x128xi32, #tpu.memory_space<vmem>>, vector<1x1024x128xi32>
    %get3A_797 = vector.shape_cast %get3A_796 : vector<1x1024x128xi32> to vector<1024x128xi32>
    %shift_left3A_798 = arith.constant 16 : i32
    %shift_left3A_799 = vector.broadcast %shift_left3A_798 : i32 to vector<1024x128xi32>
    %shift_left3A_800 = arith.shli %get3A_797, %shift_left3A_799 : vector<1024x128xi32>
    %bitcast_convert_type3A_801 = tpu.bitcast %shift_left3A_800 : vector<1024x128xi32> -> vector<1024x128xf32>
    %and3A_802 = arith.constant -65536 : i32
    %and3A_803 = vector.broadcast %and3A_802 : i32 to vector<1024x128xi32>
    %and3A_804 = arith.andi %get3A_797, %and3A_803 : vector<1024x128xi32>
    %bitcast_convert_type3A_805 = tpu.bitcast %and3A_804 : vector<1024x128xi32> -> vector<1024x128xf32>
    %mul3A_806 = arith.mulf %dot_general3A_792, %bitcast_convert_type3A_801 : vector<1024x128xf32>
    %add3A_807 = arith.addf %add3A_786, %mul3A_806 : vector<1024x128xf32>
    %mul3A_808 = arith.mulf %dot_general3A_792, %bitcast_convert_type3A_805 : vector<1024x128xf32>
    %add3A_809 = arith.addf %add3A_788, %mul3A_808 : vector<1024x128xf32>
    %slice3A_810 = vector.extract_strided_slice %get3A_488 {offsets = [0, 60], sizes = [1024, 4], strides = [1, 1]} : vector<1024x64xf32> to vector<1024x4xf32>
    %mul3A_811 = arith.mulf %slice3A_810, %div3A_495 : vector<1024x4xf32>
    %dot_general3A_812 = arith.constant dense<0.000000e+00> : vector<1024x128xf32>
    %dot_general3A_813 = tpu.matmul %mul3A_811, %get3A_498, %dot_general3A_812 {dimension_numbers = #tpu.dot_dimension_numbers<[1], [0], [0], [1], [0, 0, 1, 1], [], []>, transpose_lhs_hint = false} : vector<1024x4xf32>, vector<4x128xf32>, vector<1024x128xf32> -> vector<1024x128xf32>
    %get3A_814 = arith.constant 15 : index
    %get3A_815 = arith.constant 0 : index
    %get3A_816 = arith.constant 0 : index
    %get3A_817 = vector.load %arg2[%get3A_814, %get3A_815, %get3A_816] : memref<16x1024x128xi32, #tpu.memory_space<vmem>>, vector<1x1024x128xi32>
    %get3A_818 = vector.shape_cast %get3A_817 : vector<1x1024x128xi32> to vector<1024x128xi32>
    %shift_left3A_819 = arith.constant 16 : i32
    %shift_left3A_820 = vector.broadcast %shift_left3A_819 : i32 to vector<1024x128xi32>
    %shift_left3A_821 = arith.shli %get3A_818, %shift_left3A_820 : vector<1024x128xi32>
    %bitcast_convert_type3A_822 = tpu.bitcast %shift_left3A_821 : vector<1024x128xi32> -> vector<1024x128xf32>
    %and3A_823 = arith.constant -65536 : i32
    %and3A_824 = vector.broadcast %and3A_823 : i32 to vector<1024x128xi32>
    %and3A_825 = arith.andi %get3A_818, %and3A_824 : vector<1024x128xi32>
    %bitcast_convert_type3A_826 = tpu.bitcast %and3A_825 : vector<1024x128xi32> -> vector<1024x128xf32>
    %mul3A_827 = arith.mulf %dot_general3A_813, %bitcast_convert_type3A_822 : vector<1024x128xf32>
    %add3A_828 = arith.addf %add3A_807, %mul3A_827 : vector<1024x128xf32>
    %mul3A_829 = arith.mulf %dot_general3A_813, %bitcast_convert_type3A_826 : vector<1024x128xf32>
    %add3A_830 = arith.addf %add3A_809, %mul3A_829 : vector<1024x128xf32>
    %swap3A_831 = arith.constant 0 : index
    %swap3A_832 = arith.constant 0 : index
    %swap3A_833 = vector.load %arg10[%swap3A_831, %swap3A_832] : memref<1024x128xf32, #tpu.memory_space<vmem>>, vector<1024x128xf32>
    tpu.vector_store %arg10[%swap3A_831, %swap3A_832], %add3A_828 {strides = array<i32>} : memref<1024x128xf32, #tpu.memory_space<vmem>>, vector<1024x128xf32>,
    %swap3A_834 = arith.constant 0 : index
    %swap3A_835 = arith.constant 0 : index
    %swap3A_836 = vector.load %arg11[%swap3A_834, %swap3A_835] : memref<1024x128xf32, #tpu.memory_space<vmem>>, vector<1024x128xf32>
    tpu.vector_store %arg11[%swap3A_834, %swap3A_835], %add3A_830 {strides = array<i32>} : memref<1024x128xf32, #tpu.memory_space<vmem>>, vector<1024x128xf32>,
    return
  }
  func.func @transform_0(%arg0: i32) -> (i32, i32) {
    %c0_i32 = arith.constant 0 : i32
    %c0_i32_0 = arith.constant 0 : i32
    return %arg0, %c0_i32 : i32, i32
  }
  func.func @transform_1(%arg0: i32) -> (i32, i32, i32) {
    %c0_i32 = arith.constant 0 : i32
    %c0_i32_0 = arith.constant 0 : i32
    %c0_i32_1 = arith.constant 0 : i32
    return %c0_i32, %arg0, %c0_i32_0 : i32, i32, i32
  }
  func.func @transform_2(%arg0: i32) -> (i32, i32) {
    %c0_i32 = arith.constant 0 : i32
    %c0_i32_0 = arith.constant 0 : i32
    %c0_i32_1 = arith.constant 0 : i32
    return %c0_i32, %c0_i32_0 : i32, i32
  }
  func.func @transform_3(%arg0: i32) -> (i32, i32) {
    %c0_i32 = arith.constant 0 : i32
    %c0_i32_0 = arith.constant 0 : i32
    %c0_i32_1 = arith.constant 0 : i32
    return %c0_i32, %c0_i32_0 : i32, i32
  }
  func.func @transform_4(%arg0: i32) -> (i32, i32) {
    %c0_i32 = arith.constant 0 : i32
    %c0_i32_0 = arith.constant 0 : i32
    %c0_i32_1 = arith.constant 0 : i32
    return %c0_i32, %c0_i32_0 : i32, i32
  }
  func.func @transform_5(%arg0: i32) -> (i32, i32) {
    %c0_i32 = arith.constant 0 : i32
    %c0_i32_0 = arith.constant 0 : i32
    %c0_i32_1 = arith.constant 0 : i32
    return %c0_i32, %c0_i32_0 : i32, i32
  }
  func.func @transform_6(%arg0: i32) -> (i32, i32) {
    %c0_i32 = arith.constant 0 : i32
    %c0_i32_0 = arith.constant 0 : i32
    %c0_i32_1 = arith.constant 0 : i32
    return %c0_i32, %c0_i32_0 : i32, i32
  }
  func.func @transform_7(%arg0: i32) -> (i32, i32) {
    %c0_i32 = arith.constant 0 : i32
    %c0_i32_0 = arith.constant 0 : i32
    %c0_i32_1 = arith.constant 0 : i32
    return %c0_i32, %c0_i32_0 : i32, i32
  }
  func.func @transform_8(%arg0: i32) -> (i32, i32) {
    %c0_i32 = arith.constant 0 : i32
    %c0_i32_0 = arith.constant 0 : i32
    %c0_i32_1 = arith.constant 0 : i32
    return %c0_i32, %c0_i32_0 : i32, i32
  }
  func.func @transform_9(%arg0: i32) -> (i32, i32) {
    %c0_i32 = arith.constant 0 : i32
    %c0_i32_0 = arith.constant 0 : i32
    return %arg0, %c0_i32 : i32, i32
  }
  func.func @transform_10(%arg0: i32) -> (i32, i32) {
    %c0_i32 = arith.constant 0 : i32
    %c0_i32_0 = arith.constant 0 : i32
    return %arg0, %c0_i32 : i32, i32
  }
}

</mosaic_0001>

<sc_bundles>
// kernel: kernel.5.cloned.1.call-start
scs
__scs_entry_jumppad:
0x0: {  	(pc) =	sbr.rel $0x88, $3  }
0x1: {  	(tag) =	ssettag $0x0;
	lr =	simm.s32 $0x1  }
0x2: {  	[smem:$0x3F98] =	sst lr;
	_ =	strace $0xD0000000  }
0x3: {  	_ = 	snop  }
0x4: {  	_ = 	snop  }
0x5: {  	_ = 	snop  }
0x6: {  	_ = 	snop  }
0x7: {  	_ = 	snop  }
__scs_overlays_trampoline_lowered:
0x8: {  	[smem:$0x3FA7] =	sst s0  }
0x9: {  	[smem:$0x3FA8] =	sst s1  }
0xa: {  	[smem:$0x3FA9] =	sst s2  }
0xb: {  	[smem:$0x3FAA] =	sst s3  }
0xc: {  	[smem:$0x3FAB] =	sst s4  }
0xd: {  	[smem:$0x3FAC] =	sst s5  }
0xe: {  	[smem:$0x3FAD] =	sst s6  }
0xf: {  	[smem:$0x3FAE] =	sst s7  }
0x10: {  	[smem:$0x3FAF] =	sst s8  }
0x11: {  	[smem:$0x3FB0] =	sst s9;
	s0 =	simm.s32 @!p0 $0x0  }
0x12: {  	s1 =	sld [smem:$0x3F96];
	s0 =	simm.s32 @p0 $0x1  }
0x13: {  	[smem:$0x3FB1] =	sst s0;
	s0 =	simm.s32 @!p1 $0x0  }
0x14: {  	s2 =	sld [smem:$0x3F95];
	s0 =	simm.s32 @p1 $0x1  }
0x15: {  	[smem:$0x3FB2] =	sst s0;
	s0 =	simm.s32 @!p2 $0x0  }
0x16: {  	s3 =	sld [smem:$0x3FDB];
	s0 =	simm.s32 @p2 $0x1  }
0x17: {  	s4 =	simm.s32 $0x1BF5;
	[smem:$0x3FB4] =	sst s0  }
0x18: {  	s0 =	sld [smem:$0x3F97];
	_ =	swait.ge [sflag:s4], $0x0  }
0x19: {  	s7 =	sld [smem:$0x3F98]  }
0x1a: {  	s8 =	sadd.s32 $0xFFFFE003, lr  }
0x1b: {  	s9 =	sadd.s32 $0xFFFFFEF7, lr;
	s5 =	simm.s32 $0xFFFFFFFF;
	p2 =	slt.u32 s8, $0xFFFFF086  }
0x1c: {  	p1 =	slt.u32 s9, $0xF7A;
	s5 =	simm.s32 @!p2 $0x0  }
0x1d: {  	s5 =	simm.s32 @p1 $0x1;
	p0 =	seq.s32 s7, s2  }
0x1e: {  	s7 =	smul.u32 @!p0 $0xF7A, s2;
	p2 =	seq.s32 @!p0 s5, $0x0  }
0x1f: {  	s9 =	smul.u32 $0xF7A, s1;
	s8 =	simm.s32 @!p0 $0x1BF5;
	p2 =	por !p2, p0  }
0x20: {  	[sflag:s8] =	ssyncset.s32 @!p0 $0xFFFFF086;
	s6 =	sadd.s32 @!p0 s3, s7;
	s7 =	simm.s32 @!p0 $0x108  }
0x21: {  	s3 =	sadd.s32 s3, s9;
	s6 =	sadd.s32 @!p0 $0x88, s6;
	s7 =	simm.s32 @p2 $0x1082  }
0x22: {  	[simem:s7], [sflag:s8] =	dma.local @!p0 [hbm:s6], $0xF7A  }
0x23: {  	s9 =	sor.u32 $0xD0000000, s2;
	s6 =	simm.s32 $0x108;
	_ =	swait.ge @!p0 [sflag:s8], $0x0  }
0x24: {  	s3 =	sadd.s32 $0x88, s3;
	s6 =	simm.s32 @!p1 $0x1082;
	[sflag:s4] =	ssyncset.s32 $0xFFFFF086  }
0x25: {  	[simem:s6], [sflag:s4] =	dma.local [hbm:s3], $0xF7A  }
0x26: {  	[smem:$0x3F98] =	sst s1;
	(tag) =	ssettag s2;
	_ =	strace s9  }
0x27: {  	s1 =	sld [smem:$0x3FA8]  }
0x28: {  	s2 =	sld [smem:$0x3FA9]  }
0x29: {  	s4 =	sld [smem:$0x3FAB]  }
0x2a: {  	p0 =	seq.s32 s5, $0x0;
	s5 =	sld [smem:$0x3FAC]  }
0x2b: {  	s6 =	sld [smem:$0x3FAD]  }
0x2c: {  	s7 =	sld [smem:$0x3FAE]  }
0x2d: {  	s3 =	simm.s32 $0x108;
	s8 =	sld [smem:$0x3FAF]  }
0x2e: {  	s3 =	simm.s32 @!p0 $0x1082;
	s9 =	sld [smem:$0x3FB0]  }
0x2f: {  	lr =	sadd.s32 s0, s3;
	s0 =	sld [smem:$0x3FA7]  }
0x30: {  	s3 =	sld [smem:$0x3FAA]  }
0x31: {  	[smem:$0x3FB3] =	sst s10  }
0x32: {  	s10 =	sld [smem:$0x3FB1];
	_ =	sdelay $0x3  }
0x33: {  	p0 =	seq.s32 s10, $0x1;
	s10 =	sld [smem:$0x3FB3];
	_ =	sdelay $0x3  }
0x34: {  	[smem:$0x3FB3] =	sst s10  }
0x35: {  	s10 =	sld [smem:$0x3FB2];
	_ =	sdelay $0x3  }
0x36: {  	p1 =	seq.s32 s10, $0x1;
	s10 =	sld [smem:$0x3FB3];
	_ =	sdelay $0x3  }
0x37: {  	[smem:$0x3FB3] =	sst s10  }
0x38: {  	s10 =	sld [smem:$0x3FB4]  }
0x39: {  	_ = 	snop;
	(pc) =	sbr.ind lr, $3  }
0x3a: {  	_ = 	snop  }
0x3b: {  	_ = 	snop  }
0x3c: {  	p2 =	seq.s32 s10, $0x1;
	s10 =	sld [smem:$0x3FB3]  }
0x3d: {  	_ =	shalt  }
0x3e: {  	_ =	shalt  }
0x3f: {  	_ =	shalt  }
0x40: {  	_ =	shalt  }
0x41: {  	_ =	shalt  }
0x42: {  	_ =	shalt  }
0x43: {  	_ =	shalt  }
0x44: {  	_ =	shalt  }
0x45: {  	_ =	shalt  }
0x46: {  	_ =	shalt  }
0x47: {  	_ =	shalt  }
0x48: {  	_ =	shalt  }
0x49: {  	_ =	shalt  }
0x4a: {  	_ =	shalt  }
0x4b: {  	_ =	shalt  }
0x4c: {  	_ =	shalt  }
0x4d: {  	_ =	shalt  }
0x4e: {  	_ =	shalt  }
0x4f: {  	_ =	shalt  }
0x50: {  	_ =	shalt  }
0x51: {  	_ =	shalt  }
0x52: {  	_ =	shalt  }
0x53: {  	_ =	shalt  }
0x54: {  	_ =	shalt  }
0x55: {  	_ =	shalt  }
0x56: {  	_ =	shalt  }
0x57: {  	_ =	shalt  }
0x58: {  	_ =	shalt  }
0x59: {  	_ =	shalt  }
0x5a: {  	_ =	shalt  }
0x5b: {  	_ =	shalt  }
0x5c: {  	_ =	shalt  }
0x5d: {  	_ =	shalt  }
0x5e: {  	_ =	shalt  }
0x5f: {  	_ =	shalt  }
0x60: {  	_ =	shalt  }
0x61: {  	_ =	shalt  }
0x62: {  	_ =	shalt  }
0x63: {  	_ =	shalt  }
0x64: {  	_ =	shalt  }
0x65: {  	_ =	shalt  }
0x66: {  	_ =	shalt  }
0x67: {  	_ =	shalt  }
0x68: {  	_ =	shalt  }
0x69: {  	_ =	shalt  }
0x6a: {  	_ =	shalt  }
0x6b: {  	_ =	shalt  }
0x6c: {  	_ =	shalt  }
0x6d: {  	_ =	shalt  }
0x6e: {  	_ =	shalt  }
0x6f: {  	_ =	shalt  }
0x70: {  	_ =	shalt  }
0x71: {  	_ =	shalt  }
0x72: {  	_ =	shalt  }
0x73: {  	_ =	shalt  }
0x74: {  	_ =	shalt  }
0x75: {  	_ =	shalt  }
0x76: {  	_ =	shalt  }
0x77: {  	_ =	shalt  }
0x78: {  	_ =	shalt  }
0x79: {  	_ =	shalt  }
0x7a: {  	_ =	shalt  }
0x7b: {  	_ =	shalt  }
0x7c: {  	_ =	shalt  }
0x7d: {  	_ =	shalt  }
0x7e: {  	_ =	shalt  }
0x7f: {  	_ =	shalt  }
0x80: {  	_ =	shalt  }
0x81: {  	_ =	shalt  }
0x82: {  	_ =	shalt  }
0x83: {  	_ =	shalt  }
0x84: {  	_ =	shalt  }
0x85: {  	_ =	shalt  }
0x86: {  	_ =	shalt  }
0x87: {  	_ =	shalt  }
.Lfunc_end0:
.L_simem_size_0:
called_computation_lowered:
.L_overlay_start_0:
0x88: {  	s2 =	sld [smem:$0x3FD9]  }
0x89: {  	s3 =	sld [smem:$0x3FFE];
	_ =	sdelay $0x1  }
0x8a: {  	s1 =	srdreg.scid  }
0x8b: {  	s0 =	sand.u32 $0x1, s1  }
0x8c: {  	s17 =	sshll.u32 s0, $0xA;
	s2 =	sadd.s32 s3, s2  }
0x8d: {  	s2 =	sadd.s32 s2, s17  }
0x8e: {  	[smem:$0x3FBF] =	sst s2  }
0x8f: {  	_ = 	snop  }
0x90: {  	s2 =	sld [smem:$0x3FC9]  }
0x91: {  	s18 =	sld [smem:$0x3FD0];
	(tm) =	ssettm $0x1  }
0x92: {  	s4 =	sld [smem:$0x3FFB];
	_ =	sdelay $0x3  }
0x93: {  	_ =	strace s4  }
0x94: {  	s4 =	sld [smem:$0x3FFC];
	_ =	sdelay $0x3  }
0x95: {  	_ =	strace s4  }
0x96: {  	s4 =	sld [smem:$0x3FFD];
	_ =	sdelay $0x3  }
0x97: {  	_ =	strace s4  }
0x98: {  	_ =	strace $0x8FFFFFFF  }
0x99: {  	s19 =	sld [smem:$0x3FDB];
	_ =	sdelay $0x1  }
0x9a: {  	s5 =	simm.s32 $_scs_section_size  }
0x9b: {  	s6 =	simm.s32 $_size__tile_overlayer_lowered;
	s7 =	simm.s32 $_tile_overlayer_lowered  }
0x9c: {  	s22 =	simm.s32 $0x1BFF;
	s21 =	sshll.u32 s7, $0x1;
	s4 =	sadd.s32 s5, s19  }
0x9d: {  	s8 =	simm.s32 $0x0;
	s20 =	sshll.u32 s6, $0x1;
	s6 =	sadd.s32 s21, s4  }
0x9e: {  	[timem:s8], [sflag:s22] =	dma.local [hbm:s6], s20  }
0x9f: {  	_ =	swait.ge [sflag:s22], s20  }
0xa0: {  	s5 =	ssub.s32 $0x0, s20;
	[sflag:s22] =	ssyncset.done $0x0  }
0xa1: {  	[sflag:s22] =	ssyncadd.s32 s5;
	_ =	sdelay $0x1  }
0xa2: {  	s23 =	simm.s32 $0x1B8B  }
0xa3: {  	_ =	swait.ge [sflag:s23], $0x1  }
0xa4: {  	[sflag:s23] =	ssyncset.done $0x0  }
0xa5: {  	s25 =	simm.s32 $0x1B8E;
	s24 =	sld [smem:$0x3FFE];
	[sflag:s23] =	ssyncadd.s32 $0xFFFFFFFF  }
0xa6: {  	s26 =	simm.s32 $execute0_lowered;
	[smem:$0x3FD2] =	sst s25  }
0xa7: {  	s6 =	sshll.u32 s26, $0x1;
	_ =	strace $0x80000046;
	[dreg:$0x1] =	wrdreg $0xFFFFFFFF  }
0xa8: {  	s28 =	simm.s32 $_size_execute0_lowered;
	s4 =	sadd.s32 s4, s6;
	[dreg:$0x0] =	wrdreg $0x0  }
0xa9: {  	s6 =	sshll.u32 s28, $0x1;
	[dreg:$0x2] =	wrdreg s4  }
0xaa: {  	[dreg:$0x3] =	wrdreg s6  }
0xab: {  	[dreg:$0x4] =	wrdreg $0xC0  }
0xac: {  	_ =	task [dreg:s8], $0x5FFFF  }
0xad: {  	[dreg:$0x1] =	wrdreg $0xFFFFFFFF  }
0xae: {  	[dreg:$0x0] =	wrdreg $0x60  }
0xaf: {  	[dreg:$0x2] =	wrdreg s2  }
0xb0: {  	[dreg:$0x3] =	wrdreg s24  }
0xb1: {  	[dreg:$0x4] =	wrdreg s18  }
0xb2: {  	[dreg:$0x5] =	wrdreg $0x9  }
0xb3: {  	_ =	task.clear_ibuf [dreg:s8], $0x6FFFF;
	_ =	strace $0x90000046  }
0xb4: {  	s29 =	simm.s32 $0x9;
	_ =	strace $0x80000048  }
0xb5: {  	_ =	swait.ge [sflag:s29], $0x1  }
0xb6: {  	[sflag:s29] =	ssyncadd.s32 $0xFFFFFFFF  }
0xb7: {  	_ =	strace $0x90000048  }
0xb8: {  	_ =	sfence  }
0xb9: {  	s30 =	sld [smem:$0x0];
	_ =	sdelay $0x2  }
0xba: {  	s31 =	sshll.u32 s1, $0xD;
	s1 =	sshrl.u32 s1, $0x2  }
0xbb: {  	s3 =	sand.u32 $0x4000, s31;
	s1 =	sadd.s32 s1, s30  }
0xbc: {  	s0 =	sor.u32 s3, s0;
	s1 =	sshll.u32 s1, $0x11  }
0xbd: {  	s0 =	sor.u32 s1, s0  }
0xbe: {  	s0 =	sadd.s32 $0x8F2B, s0  }
0xbf: {  	[sflag:s0] =	ssyncadd.remote.s32 $0x1  }
0xc0: {  	_ =	sfence.sel $0xFFFF  }
0xc1: {  	[dreg:$0x0] =	wrdreg $0xFFFFFFFF;
	(pc) =	sbr.abs _section_cstart, $3  }
0xc2: {  	[dreg:$0x1] =	wrdreg $0xFFFFFFFF  }
0xc3: {  	_ =	task.clear_ibuf [dreg:s8], $0x2FFFF;
	_ =	strace $0x9FFFFFFF  }
0xc4: {  	(tm) =	ssettm $0x7FFFFFFF  }
0xc5: {  	_ =	shalt  }
tec
execute0_lowered:
.L_overlay_start_1:
0x0: {  	(tag) =	ssettag $0x1  }
0x1: {  	s0 =	rddreg [dreg:$0x0]  }
0x2: {  	s2 =	rddreg [dreg:$0x1]  }
0x3: {  	s8 =	rddreg [dreg:$0x2];
	s1 =	simm.s32 $0x0;
	s4 =	srdreg.scid  }
0x4: {  	s5 =	stileid.u32;
	s15 =	simm.s32 $0x4;
	s16 =	simm.s32 $0x80  }
0x5: {  	s17 =	simm.s32 $0x400;
	s23 =	simm.s32 $0x1;
	s25 =	simm.s32 $0x4400  }
0x6: {  	s28 =	simm.s32 $0x5400;
	s29 =	simm.s32 $0x2;
	s31 =	simm.s32 $0x3  }
0x7: {  	s19 =	simm.s32 $0x0;
	[smem:$0x7FF] =	sst s1;
	s3 =	sadd.s32 $0x188800, s2  }
0x8: {  	s6 =	sand.u32 $0x1, s4;
	s4 =	sadd.s32 $0x1E00, s2;
	s7 =	sshll.u32 s5, $0xA  }
0x9: {  	s5 =	sadd.s32 $0x63A00, s2;
	s9 =	sshll.u32 s6, $0x9;
	s10 =	ssub.s32 $0x2, s6  }
0xa: {  	_ =	strace $0x80000047;
	s6 =	sor.u32 s9, s7;
	s26 =	sshrl.u32 s10, $0x1  }
0xb: {  	s9 =	sshrl.u32 s6, $0x3;
	s11 =	sshll.u32 s6, $0x2;
	s12 =	ssub.s32 s10, s26  }
0xc: {  	s7 =	sadd.s32 s0, s9;
	s8 =	sadd.s32 s8, s11;
	s30 =	sadd.s32 s11, s2  }
0xd: {  	v1 =	vlaneseq.u32;
	s12 =	smax.u32 s12, $0x1;
	s9 =	sadd.s32 $0x200, s8;
	s10 =	sadd.s32 $0x400, s8  }
0xe: {  	v0 =	vimm.s32 $0x0;
	v1 =	vmul.u32 $0x10, v1;
	s11 =	sadd.s32 $0x600, s8;
	s13 =	sadd.s32 $0x153E00, s30;
	s14 =	sadd.s32 $0x154000, s30  }
.LBB2_1:
0xf: {  	[tilespmem:s1], [sflag:$0x4] =	stream.linear.gather [hbm4b:s7+s1], $0x200, $0x38;
	[tilespmem:$0x6400] =	vst v63  }
0x10: {  	_ =	swait.ge [sflag:s15], $0x200  }
0x11: {  	[sflag:s15] =	ssyncset.done $0x0  }
0x12: {  	s20 =	simm.s32 $0x0;
	[sflag:s15] =	ssyncadd.s32 $0xFFFFFE00  }
0x13: {  	v2 =	vld [tilespmem:s20+$0x0];
	_ =	sdelay $0x4  }
0x14: {  	vm0 =	vgt.s32 v2, $0x61A7;
	vm1 =	vgt.s32 v2, $0xC34F  }
0x15: {  	vm2 =	vgt.s32 v2, $0x124F7;
	v3 =	vsel vm0, $0x1, v0;
	v4 =	vsel vm1, $0x1, v0  }
0x16: {  	s21 =	simm.s32 $0x10;
	v3 =	vadd.s32 v4, v3;
	v4 =	vsel vm2, $0x1, v0  }
0x17: {  	v3 =	vadd.s32 v4, v3;
	v4 =	vld [tilespmem:s21+$0x0];
	_ =	sdelay $0x3  }
0x18: {  	s22 =	simm.s32 $0x80;
	v5 =	vmul.u32 $0x3FFF9E58, v3  }
.LBB2_2:
0x19: {  	s24 =	sshra.s32 s22, $0x2;
	vm0 =	vgt.s32 v4, $0x124F7;
	p0 =	sne.s32 s22, $0x7C0  }
.Ltmp0:
0x1a: {  	s22 =	sadd.s32 $0x40, s22;
	vm1 =	vgt.s32 v4, $0x61A7;
	vm2 =	vgt.s32 v4, $0xC34F;
	v5 =	vadd.s32 v2, v5;
	v2 =	vmovc v4;
	v4 =	vld [tilespmem:s24+$0x0];
	(pc) =	sbr.rel @p0 .LBB2_2-.Ltmp0, $4  }
0x1b: {  	v6 =	vsel vm1, $0x1, v0;
	v7 =	vsel vm2, $0x1, v0;
	v5 =	vshll.u32 v5, $0x2  }
0x1c: {  	v6 =	vadd.s32 v7, v6;
	v7 =	vsel vm0, $0x1, v0;
	v5 =	vadd.s32 v3, v5  }
0x1d: {  	v3 =	vadd.s32 v7, v6;
	[tilespmem:s20+$0x200] =	vst v5;
	s20 =	smov.u32 s21;
	s21 =	smov.u32 s24  }
0x1e: {  	v5 =	vmul.u32 $0x3FFF9E58, v3  }
0x1f: {  	vm0 =	vgt.s32 v4, $0x61A7;
	vm1 =	vgt.s32 v4, $0xC34F  }
0x20: {  	vm2 =	vgt.s32 v4, $0x124F7;
	v6 =	vsel vm0, $0x1, v0;
	v7 =	vsel vm1, $0x1, v0  }
0x21: {  	v49 =	vsel vm2, $0x1, v0;
	v6 =	vadd.s32 v7, v6  }
0x22: {  	v6 =	vadd.s32 v49, v6  }
0x23: {  	v7 =	vmul.u32 $0x3FFF9E58, v6  }
0x24: {  	v2 =	vadd.s32 v2, v5  }
0x25: {  	v2 =	vshll.u32 v2, $0x2;
	v4 =	vadd.s32 v4, v7  }
0x26: {  	v2 =	vadd.s32 v3, v2;
	v3 =	vshll.u32 v4, $0x2  }
0x27: {  	[tilespmem:s20+$0x200] =	vst v2;
	v2 =	vadd.s32 v6, v3  }
0x28: {  	[tilespmem:s21+$0x200] =	vst v2;
	s21 =	simm.s32 $0x0  }
0x29: {  	[tilespmem:s17], [sflag:$0x1] =	stream.indirect.gather [hbm4b:s3+s16], $0x10, s21, s16, $0xb8;
	[tilespmem:$0x6400] =	vst v63  }
0x2a: {  	s0 =	simm.s32 $0xC00  }
0x2b: {  	[tilespmem:s0], [sflag:$0x1] =	stream.indirect.gather [hbm4b:s3+s16], $0x10, s16, s16, $0xb8;
	[tilespmem:$0x6400] =	vst v63  }
0x2c: {  	s22 =	simm.s32 $0x100;
	s2 =	simm.s32 $0x1400  }
0x2d: {  	[tilespmem:s2], [sflag:$0x1] =	stream.indirect.gather [hbm4b:s3+s16], $0x10, s22, s16, $0xb8;
	[tilespmem:$0x6400] =	vst v63  }
0x2e: {  	s24 =	simm.s32 $0x180;
	s26 =	simm.s32 $0x1C00  }
0x2f: {  	[tilespmem:s26], [sflag:$0x1] =	stream.indirect.gather [hbm4b:s3+s16], $0x10, s24, s16, $0xb8;
	[tilespmem:$0x6400] =	vst v63  }
0x30: {  	_ =	swait.ge [sflag:s23], $0x800  }
0x31: {  	[sflag:s23] =	ssyncset.done $0x0  }
0x32: {  	[sflag:s23] =	ssyncadd.s32 $0xFFFFF800  }
0x33: {  	_ =	swait.ge [sflag:s23], $0x800  }
0x34: {  	[sflag:s23] =	ssyncset.done $0x0  }
0x35: {  	v2 =	vmov s21;
	[sflag:s23] =	ssyncadd.s32 $0xFFFFF800  }
0x36: {  	v2 =	vshll.u32 v2, $0x4;
	_ =	swait.ge [sflag:s23], $0x800  }
0x37: {  	v2 =	vor.u32 v1, v2;
	[sflag:s23] =	ssyncset.done $0x0  }
0x38: {  	[sflag:s23] =	ssyncadd.s32 $0xFFFFF800  }
0x39: {  	_ =	swait.ge [sflag:s23], $0x800  }
0x3a: {  	[sflag:s23] =	ssyncset.done $0x0  }
0x3b: {  	[sflag:s23] =	ssyncadd.s32 $0xFFFFF800  }
0x3c: {  	v3 =	vld.idx.msk [tilespmem:v2+s17+$0x0], $0xffff;
	_ =	sdelay $0x4  }
0x3d: {  	vm4 =	vgt.s32 v3, $0x61A7;
	vm5 =	vgt.s32 v3, $0xC34F  }
0x3e: {  	vm6 =	vgt.s32 v3, $0x124F7;
	v4 =	vsel vm4, $0x1, v0;
	v5 =	vsel vm5, $0x1, v0  }
0x3f: {  	v4 =	vadd.s32 v5, v4;
	v5 =	vsel vm6, $0x1, v0  }
0x40: {  	v4 =	vadd.s32 v5, v4  }
0x41: {  	v5 =	vmul.u32 $0x3FFF9E58, v4  }
0x42: {  	v50 =	vor.u32 $0x1, v2  }
0x43: {  	v3 =	vadd.s32 v3, v5  }
0x44: {  	v3 =	vshll.u32 v3, $0x2  }
0x45: {  	s20 =	simm.s32 $0x3400;
	v3 =	vadd.s32 v4, v3  }
0x46: {  	[tilespmem:s20+$0xFFFFF000] =	vst v3  }
0x47: {  	v3 =	vld.idx.msk [tilespmem:v50+s17+$0x0], $0xffff;
	_ =	sdelay $0x4  }
0x48: {  	vm7 =	vgt.s32 v3, $0x61A7;
	vm8 =	vgt.s32 v3, $0xC34F  }
0x49: {  	vm9 =	vgt.s32 v3, $0x124F7;
	v4 =	vsel vm7, $0x1, v0;
	v5 =	vsel vm8, $0x1, v0  }
0x4a: {  	v4 =	vadd.s32 v5, v4;
	v5 =	vsel vm9, $0x1, v0  }
0x4b: {  	v4 =	vadd.s32 v5, v4  }
0x4c: {  	v5 =	vmul.u32 $0x3FFF9E58, v4  }
0x4d: {  	v51 =	vor.u32 $0x2, v2  }
0x4e: {  	v3 =	vadd.s32 v3, v5  }
0x4f: {  	v3 =	vshll.u32 v3, $0x2  }
0x50: {  	v3 =	vadd.s32 v4, v3  }
0x51: {  	[tilespmem:s20+$0xFFFFF200] =	vst v3  }
0x52: {  	v3 =	vld.idx.msk [tilespmem:v51+s17+$0x0], $0xffff;
	_ =	sdelay $0x4  }
0x53: {  	vm10 =	vgt.s32 v3, $0x61A7;
	vm11 =	vgt.s32 v3, $0xC34F  }
0x54: {  	vm12 =	vgt.s32 v3, $0x124F7;
	v4 =	vsel vm10, $0x1, v0;
	v5 =	vsel vm11, $0x1, v0  }
0x55: {  	v4 =	vadd.s32 v5, v4;
	v5 =	vsel vm12, $0x1, v0  }
0x56: {  	v4 =	vadd.s32 v5, v4  }
0x57: {  	v5 =	vmul.u32 $0x3FFF9E58, v4  }
0x58: {  	v52 =	vor.u32 $0x3, v2  }
0x59: {  	v3 =	vadd.s32 v3, v5  }
0x5a: {  	v3 =	vshll.u32 v3, $0x2  }
0x5b: {  	v3 =	vadd.s32 v4, v3  }
0x5c: {  	[tilespmem:s20+$0xFFFFF400] =	vst v3  }
0x5d: {  	v3 =	vld.idx.msk [tilespmem:v52+s17+$0x0], $0xffff;
	_ =	sdelay $0x4  }
0x5e: {  	vm13 =	vgt.s32 v3, $0x61A7;
	vm14 =	vgt.s32 v3, $0xC34F  }
0x5f: {  	vm15 =	vgt.s32 v3, $0x124F7;
	v4 =	vsel vm13, $0x1, v0;
	v5 =	vsel vm14, $0x1, v0  }
0x60: {  	v4 =	vadd.s32 v5, v4;
	v5 =	vsel vm15, $0x1, v0  }
0x61: {  	v4 =	vadd.s32 v5, v4  }
0x62: {  	v5 =	vmul.u32 $0x3FFF9E58, v4  }
0x63: {  	v53 =	vor.u32 $0x4, v2  }
0x64: {  	v3 =	vadd.s32 v3, v5  }
0x65: {  	v3 =	vshll.u32 v3, $0x2  }
0x66: {  	v3 =	vadd.s32 v4, v3  }
0x67: {  	[tilespmem:s20+$0xFFFFF600] =	vst v3  }
0x68: {  	v3 =	vld.idx.msk [tilespmem:v53+s17+$0x0], $0xffff;
	_ =	sdelay $0x4  }
0x69: {  	vm4 =	vgt.s32 v3, $0x61A7;
	vm5 =	vgt.s32 v3, $0xC34F  }
0x6a: {  	vm6 =	vgt.s32 v3, $0x124F7;
	v4 =	vsel vm4, $0x1, v0;
	v5 =	vsel vm5, $0x1, v0  }
0x6b: {  	v4 =	vadd.s32 v5, v4;
	v5 =	vsel vm6, $0x1, v0  }
0x6c: {  	v4 =	vadd.s32 v5, v4  }
0x6d: {  	v5 =	vmul.u32 $0x3FFF9E58, v4  }
0x6e: {  	v54 =	vor.u32 $0x5, v2  }
0x6f: {  	v3 =	vadd.s32 v3, v5  }
0x70: {  	v3 =	vshll.u32 v3, $0x2  }
0x71: {  	v3 =	vadd.s32 v4, v3  }
0x72: {  	[tilespmem:s20+$0xFFFFF800] =	vst v3  }
0x73: {  	v3 =	vld.idx.msk [tilespmem:v54+s17+$0x0], $0xffff;
	_ =	sdelay $0x4  }
0x74: {  	vm7 =	vgt.s32 v3, $0x61A7;
	vm8 =	vgt.s32 v3, $0xC34F  }
0x75: {  	vm9 =	vgt.s32 v3, $0x124F7;
	v4 =	vsel vm7, $0x1, v0;
	v5 =	vsel vm8, $0x1, v0  }
0x76: {  	v4 =	vadd.s32 v5, v4;
	v5 =	vsel vm9, $0x1, v0  }
0x77: {  	v4 =	vadd.s32 v5, v4  }
0x78: {  	v5 =	vmul.u32 $0x3FFF9E58, v4  }
0x79: {  	v55 =	vor.u32 $0x6, v2  }
0x7a: {  	v3 =	vadd.s32 v3, v5  }
0x7b: {  	v3 =	vshll.u32 v3, $0x2  }
0x7c: {  	v3 =	vadd.s32 v4, v3  }
0x7d: {  	[tilespmem:s20+$0xFFFFFA00] =	vst v3  }
0x7e: {  	v3 =	vld.idx.msk [tilespmem:v55+s17+$0x0], $0xffff;
	_ =	sdelay $0x4  }
0x7f: {  	vm10 =	vgt.s32 v3, $0x61A7;
	vm11 =	vgt.s32 v3, $0xC34F  }
0x80: {  	vm12 =	vgt.s32 v3, $0x124F7;
	v4 =	vsel vm10, $0x1, v0;
	v5 =	vsel vm11, $0x1, v0  }
0x81: {  	v4 =	vadd.s32 v5, v4;
	v5 =	vsel vm12, $0x1, v0  }
0x82: {  	v4 =	vadd.s32 v5, v4  }
0x83: {  	v5 =	vmul.u32 $0x3FFF9E58, v4  }
0x84: {  	v56 =	vor.u32 $0x7, v2  }
0x85: {  	v3 =	vadd.s32 v3, v5  }
0x86: {  	v3 =	vshll.u32 v3, $0x2  }
0x87: {  	v3 =	vadd.s32 v4, v3  }
0x88: {  	[tilespmem:s20+$0xFFFFFC00] =	vst v3  }
0x89: {  	v3 =	vld.idx.msk [tilespmem:v56+s17+$0x0], $0xffff;
	_ =	sdelay $0x4  }
0x8a: {  	vm13 =	vgt.s32 v3, $0x61A7;
	vm14 =	vgt.s32 v3, $0xC34F  }
0x8b: {  	vm15 =	vgt.s32 v3, $0x124F7;
	v4 =	vsel vm13, $0x1, v0;
	v5 =	vsel vm14, $0x1, v0  }
0x8c: {  	v4 =	vadd.s32 v5, v4;
	v5 =	vsel vm15, $0x1, v0  }
0x8d: {  	v4 =	vadd.s32 v5, v4  }
0x8e: {  	v5 =	vmul.u32 $0x3FFF9E58, v4  }
0x8f: {  	v57 =	vor.u32 $0x8, v2  }
0x90: {  	v3 =	vadd.s32 v3, v5  }
0x91: {  	v3 =	vshll.u32 v3, $0x2  }
0x92: {  	v3 =	vadd.s32 v4, v3  }
0x93: {  	[tilespmem:s20+$0xFFFFFE00] =	vst v3  }
0x94: {  	v3 =	vld.idx.msk [tilespmem:v57+s17+$0x0], $0xffff;
	_ =	sdelay $0x4  }
0x95: {  	vm4 =	vgt.s32 v3, $0x61A7;
	vm5 =	vgt.s32 v3, $0xC34F  }
0x96: {  	vm6 =	vgt.s32 v3, $0x124F7;
	v4 =	vsel vm4, $0x1, v0;
	v5 =	vsel vm5, $0x1, v0  }
0x97: {  	v4 =	vadd.s32 v5, v4;
	v5 =	vsel vm6, $0x1, v0  }
0x98: {  	v4 =	vadd.s32 v5, v4  }
0x99: {  	v5 =	vmul.u32 $0x3FFF9E58, v4  }
0x9a: {  	v58 =	vor.u32 $0x9, v2  }
0x9b: {  	v3 =	vadd.s32 v3, v5  }
0x9c: {  	v3 =	vshll.u32 v3, $0x2  }
0x9d: {  	v3 =	vadd.s32 v4, v3  }
0x9e: {  	[tilespmem:s20+$0x0] =	vst v3  }
0x9f: {  	v3 =	vld.idx.msk [tilespmem:v58+s17+$0x0], $0xffff;
	_ =	sdelay $0x4  }
0xa0: {  	vm7 =	vgt.s32 v3, $0x61A7;
	vm8 =	vgt.s32 v3, $0xC34F  }
0xa1: {  	vm9 =	vgt.s32 v3, $0x124F7;
	v4 =	vsel vm7, $0x1, v0;
	v5 =	vsel vm8, $0x1, v0  }
0xa2: {  	v4 =	vadd.s32 v5, v4;
	v5 =	vsel vm9, $0x1, v0  }
0xa3: {  	v4 =	vadd.s32 v5, v4  }
0xa4: {  	v5 =	vmul.u32 $0x3FFF9E58, v4  }
0xa5: {  	v59 =	vor.u32 $0xA, v2  }
0xa6: {  	v3 =	vadd.s32 v3, v5  }
0xa7: {  	v3 =	vshll.u32 v3, $0x2  }
0xa8: {  	v3 =	vadd.s32 v4, v3  }
0xa9: {  	[tilespmem:s20+$0x200] =	vst v3  }
0xaa: {  	v3 =	vld.idx.msk [tilespmem:v59+s17+$0x0], $0xffff;
	_ =	sdelay $0x4  }
0xab: {  	vm10 =	vgt.s32 v3, $0x61A7;
	vm11 =	vgt.s32 v3, $0xC34F  }
0xac: {  	vm12 =	vgt.s32 v3, $0x124F7;
	v4 =	vsel vm10, $0x1, v0;
	v5 =	vsel vm11, $0x1, v0  }
0xad: {  	v4 =	vadd.s32 v5, v4;
	v5 =	vsel vm12, $0x1, v0  }
0xae: {  	v4 =	vadd.s32 v5, v4  }
0xaf: {  	v5 =	vmul.u32 $0x3FFF9E58, v4  }
0xb0: {  	v60 =	vor.u32 $0xB, v2  }
0xb1: {  	v3 =	vadd.s32 v3, v5  }
0xb2: {  	v3 =	vshll.u32 v3, $0x2  }
0xb3: {  	v3 =	vadd.s32 v4, v3  }
0xb4: {  	[tilespmem:s20+$0x400] =	vst v3  }
0xb5: {  	v3 =	vld.idx.msk [tilespmem:v60+s17+$0x0], $0xffff;
	_ =	sdelay $0x4  }
0xb6: {  	vm13 =	vgt.s32 v3, $0x61A7;
	vm14 =	vgt.s32 v3, $0xC34F  }
0xb7: {  	vm15 =	vgt.s32 v3, $0x124F7;
	v4 =	vsel vm13, $0x1, v0;
	v5 =	vsel vm14, $0x1, v0  }
0xb8: {  	v4 =	vadd.s32 v5, v4;
	v5 =	vsel vm15, $0x1, v0  }
0xb9: {  	v4 =	vadd.s32 v5, v4  }
0xba: {  	v5 =	vmul.u32 $0x3FFF9E58, v4  }
0xbb: {  	v61 =	vor.u32 $0xC, v2  }
0xbc: {  	v3 =	vadd.s32 v3, v5  }
0xbd: {  	v3 =	vshll.u32 v3, $0x2  }
0xbe: {  	v3 =	vadd.s32 v4, v3  }
0xbf: {  	[tilespmem:s20+$0x600] =	vst v3  }
0xc0: {  	v3 =	vld.idx.msk [tilespmem:v61+s17+$0x0], $0xffff;
	_ =	sdelay $0x4  }
0xc1: {  	vm4 =	vgt.s32 v3, $0x61A7;
	vm5 =	vgt.s32 v3, $0xC34F  }
0xc2: {  	vm6 =	vgt.s32 v3, $0x124F7;
	v4 =	vsel vm4, $0x1, v0;
	v5 =	vsel vm5, $0x1, v0  }
0xc3: {  	v4 =	vadd.s32 v5, v4;
	v5 =	vsel vm6, $0x1, v0  }
0xc4: {  	v4 =	vadd.s32 v5, v4  }
0xc5: {  	v5 =	vmul.u32 $0x3FFF9E58, v4  }
0xc6: {  	v62 =	vor.u32 $0xD, v2  }
0xc7: {  	v3 =	vadd.s32 v3, v5  }
0xc8: {  	v3 =	vshll.u32 v3, $0x2  }
0xc9: {  	v3 =	vadd.s32 v4, v3  }
0xca: {  	[tilespmem:s20+$0x800] =	vst v3  }
0xcb: {  	v3 =	vld.idx.msk [tilespmem:v62+s17+$0x0], $0xffff;
	_ =	sdelay $0x4  }
0xcc: {  	vm7 =	vgt.s32 v3, $0x61A7;
	vm8 =	vgt.s32 v3, $0xC34F  }
0xcd: {  	vm9 =	vgt.s32 v3, $0x124F7;
	v4 =	vsel vm7, $0x1, v0;
	v5 =	vsel vm8, $0x1, v0  }
0xce: {  	v4 =	vadd.s32 v5, v4;
	v5 =	vsel vm9, $0x1, v0  }
0xcf: {  	v4 =	vadd.s32 v5, v4  }
0xd0: {  	v5 =	vmul.u32 $0x3FFF9E58, v4  }
0xd1: {  	v63 =	vor.u32 $0xE, v2  }
0xd2: {  	v3 =	vadd.s32 v3, v5  }
0xd3: {  	v3 =	vshll.u32 v3, $0x2  }
0xd4: {  	v3 =	vadd.s32 v4, v3  }
0xd5: {  	[tilespmem:s20+$0xA00] =	vst v3  }
0xd6: {  	v3 =	vld.idx.msk [tilespmem:v63+s17+$0x0], $0xffff;
	_ =	sdelay $0x4  }
0xd7: {  	vm10 =	vgt.s32 v3, $0x61A7;
	vm11 =	vgt.s32 v3, $0xC34F  }
0xd8: {  	vm12 =	vgt.s32 v3, $0x124F7;
	v4 =	vsel vm10, $0x1, v0;
	v5 =	vsel vm11, $0x1, v0  }
0xd9: {  	v4 =	vadd.s32 v5, v4;
	v5 =	vsel vm12, $0x1, v0  }
0xda: {  	v4 =	vadd.s32 v5, v4  }
0xdb: {  	v5 =	vmul.u32 $0x3FFF9E58, v4  }
0xdc: {  	v2 =	vor.u32 $0xF, v2  }
0xdd: {  	v3 =	vadd.s32 v3, v5  }
0xde: {  	v3 =	vshll.u32 v3, $0x2  }
0xdf: {  	v3 =	vadd.s32 v4, v3  }
0xe0: {  	[tilespmem:s20+$0xC00] =	vst v3  }
0xe1: {  	v2 =	vld.idx.msk [tilespmem:v2+s17+$0x0], $0xffff;
	_ =	sdelay $0x4  }
0xe2: {  	vm13 =	vgt.s32 v2, $0x61A7;
	vm14 =	vgt.s32 v2, $0xC34F  }
0xe3: {  	vm15 =	vgt.s32 v2, $0x124F7;
	v3 =	vsel vm13, $0x1, v0;
	v4 =	vsel vm14, $0x1, v0  }
0xe4: {  	v3 =	vadd.s32 v4, v3;
	v4 =	vsel vm15, $0x1, v0  }
0xe5: {  	v3 =	vadd.s32 v4, v3  }
0xe6: {  	s30 =	simm.s32 $0x10;
	v4 =	vmul.u32 $0x3FFF9E58, v3  }
0xe7: {  	v5 =	vmov s30  }
0xe8: {  	v2 =	vadd.s32 v2, v4;
	v4 =	vshll.u32 v5, $0x4  }
0xe9: {  	v5 =	vshll.u32 v2, $0x2;
	v2 =	vor.u32 v1, v4;
	_ =	sdelay $0x1  }
0xea: {  	s21 =	simm.s32 $0x20;
	v3 =	vadd.s32 v3, v5  }
.LBB2_4:
0xeb: {  	p0 =	sne.s32 s21, $0x1F0  }
0xec: {  	[tilespmem:s20+$0xE00] =	vst v3;
	s20 =	sadd.s32 $0x10, s20;
	s22 =	smov.u32 s21;
	s21 =	sadd.s32 $0x10, s21  }
0xed: {  	v3 =	vld.idx.msk [tilespmem:v2+s17+$0x0], $0xffff;
	_ =	sdelay $0x5  }
0xee: {  	vm0 =	vgt.s32 v3, $0x61A7;
	vm1 =	vgt.s32 v3, $0xC34F;
	vm2 =	vgt.s32 v3, $0x124F7  }
0xef: {  	v4 =	vsel vm0, $0x1, v0;
	v5 =	vsel vm1, $0x1, v0  }
0xf0: {  	v4 =	vadd.s32 v5, v4;
	v5 =	vsel vm2, $0x1, v0  }
0xf1: {  	v4 =	vadd.s32 v5, v4  }
0xf2: {  	v5 =	vmul.u32 $0x3FFF9E58, v4  }
0xf3: {  	v6 =	vor.u32 $0x1, v2  }
0xf4: {  	v3 =	vadd.s32 v3, v5  }
0xf5: {  	v3 =	vshll.u32 v3, $0x2  }
0xf6: {  	v3 =	vadd.s32 v4, v3  }
0xf7: {  	[tilespmem:s20+$0xFFFFF000] =	vst v3  }
0xf8: {  	v3 =	vld.idx.msk [tilespmem:v6+s17+$0x0], $0xffff;
	_ =	sdelay $0x5  }
0xf9: {  	vm0 =	vgt.s32 v3, $0x61A7;
	vm1 =	vgt.s32 v3, $0xC34F;
	vm2 =	vgt.s32 v3, $0x124F7  }
0xfa: {  	v4 =	vsel vm0, $0x1, v0;
	v5 =	vsel vm1, $0x1, v0  }
0xfb: {  	v4 =	vadd.s32 v5, v4;
	v5 =	vsel vm2, $0x1, v0  }
0xfc: {  	v4 =	vadd.s32 v5, v4  }
0xfd: {  	v5 =	vmul.u32 $0x3FFF9E58, v4  }
0xfe: {  	v6 =	vor.u32 $0x2, v2  }
0xff: {  	v3 =	vadd.s32 v3, v5  }
0x100: {  	v3 =	vshll.u32 v3, $0x2  }
0x101: {  	v3 =	vadd.s32 v4, v3  }
0x102: {  	[tilespmem:s20+$0xFFFFF200] =	vst v3  }
0x103: {  	v3 =	vld.idx.msk [tilespmem:v6+s17+$0x0], $0xffff;
	_ =	sdelay $0x5  }
0x104: {  	vm0 =	vgt.s32 v3, $0x61A7;
	vm1 =	vgt.s32 v3, $0xC34F;
	vm2 =	vgt.s32 v3, $0x124F7  }
0x105: {  	v4 =	vsel vm0, $0x1, v0;
	v5 =	vsel vm1, $0x1, v0  }
0x106: {  	v4 =	vadd.s32 v5, v4;
	v5 =	vsel vm2, $0x1, v0  }
0x107: {  	v4 =	vadd.s32 v5, v4  }
0x108: {  	v5 =	vmul.u32 $0x3FFF9E58, v4  }
0x109: {  	v6 =	vor.u32 $0x3, v2  }
0x10a: {  	v3 =	vadd.s32 v3, v5  }
0x10b: {  	v3 =	vshll.u32 v3, $0x2  }
0x10c: {  	v3 =	vadd.s32 v4, v3  }
0x10d: {  	[tilespmem:s20+$0xFFFFF400] =	vst v3  }
0x10e: {  	v3 =	vld.idx.msk [tilespmem:v6+s17+$0x0], $0xffff;
	_ =	sdelay $0x5  }
0x10f: {  	vm0 =	vgt.s32 v3, $0x61A7;
	vm1 =	vgt.s32 v3, $0xC34F;
	vm2 =	vgt.s32 v3, $0x124F7  }
0x110: {  	v4 =	vsel vm0, $0x1, v0;
	v5 =	vsel vm1, $0x1, v0  }
0x111: {  	v4 =	vadd.s32 v5, v4;
	v5 =	vsel vm2, $0x1, v0  }
0x112: {  	v4 =	vadd.s32 v5, v4  }
0x113: {  	v5 =	vmul.u32 $0x3FFF9E58, v4  }
0x114: {  	v6 =	vor.u32 $0x4, v2  }
0x115: {  	v3 =	vadd.s32 v3, v5  }
0x116: {  	v3 =	vshll.u32 v3, $0x2  }
0x117: {  	v3 =	vadd.s32 v4, v3  }
0x118: {  	[tilespmem:s20+$0xFFFFF600] =	vst v3  }
0x119: {  	v3 =	vld.idx.msk [tilespmem:v6+s17+$0x0], $0xffff;
	_ =	sdelay $0x5  }
0x11a: {  	vm0 =	vgt.s32 v3, $0x61A7;
	vm1 =	vgt.s32 v3, $0xC34F;
	vm2 =	vgt.s32 v3, $0x124F7  }
0x11b: {  	v4 =	vsel vm0, $0x1, v0;
	v5 =	vsel vm1, $0x1, v0  }
0x11c: {  	v4 =	vadd.s32 v5, v4;
	v5 =	vsel vm2, $0x1, v0  }
0x11d: {  	v4 =	vadd.s32 v5, v4  }
0x11e: {  	v5 =	vmul.u32 $0x3FFF9E58, v4  }
0x11f: {  	v6 =	vor.u32 $0x5, v2  }
0x120: {  	v3 =	vadd.s32 v3, v5  }
0x121: {  	v3 =	vshll.u32 v3, $0x2  }
0x122: {  	v3 =	vadd.s32 v4, v3  }
0x123: {  	[tilespmem:s20+$0xFFFFF800] =	vst v3  }
0x124: {  	v3 =	vld.idx.msk [tilespmem:v6+s17+$0x0], $0xffff;
	_ =	sdelay $0x5  }
0x125: {  	vm0 =	vgt.s32 v3, $0x61A7;
	vm1 =	vgt.s32 v3, $0xC34F;
	vm2 =	vgt.s32 v3, $0x124F7  }
0x126: {  	v4 =	vsel vm0, $0x1, v0;
	v5 =	vsel vm1, $0x1, v0  }
0x127: {  	v4 =	vadd.s32 v5, v4;
	v5 =	vsel vm2, $0x1, v0  }
0x128: {  	v4 =	vadd.s32 v5, v4  }
0x129: {  	v5 =	vmul.u32 $0x3FFF9E58, v4  }
0x12a: {  	v6 =	vor.u32 $0x6, v2  }
0x12b: {  	v3 =	vadd.s32 v3, v5  }
0x12c: {  	v3 =	vshll.u32 v3, $0x2  }
0x12d: {  	v3 =	vadd.s32 v4, v3  }
0x12e: {  	[tilespmem:s20+$0xFFFFFA00] =	vst v3  }
0x12f: {  	v3 =	vld.idx.msk [tilespmem:v6+s17+$0x0], $0xffff;
	_ =	sdelay $0x5  }
0x130: {  	vm0 =	vgt.s32 v3, $0x61A7;
	vm1 =	vgt.s32 v3, $0xC34F;
	vm2 =	vgt.s32 v3, $0x124F7  }
0x131: {  	v4 =	vsel vm0, $0x1, v0;
	v5 =	vsel vm1, $0x1, v0  }
0x132: {  	v4 =	vadd.s32 v5, v4;
	v5 =	vsel vm2, $0x1, v0  }
0x133: {  	v4 =	vadd.s32 v5, v4  }
0x134: {  	v5 =	vmul.u32 $0x3FFF9E58, v4  }
0x135: {  	v6 =	vor.u32 $0x7, v2  }
0x136: {  	v3 =	vadd.s32 v3, v5  }
0x137: {  	v3 =	vshll.u32 v3, $0x2  }
0x138: {  	v3 =	vadd.s32 v4, v3  }
0x139: {  	[tilespmem:s20+$0xFFFFFC00] =	vst v3  }
0x13a: {  	v3 =	vld.idx.msk [tilespmem:v6+s17+$0x0], $0xffff;
	_ =	sdelay $0x5  }
0x13b: {  	vm0 =	vgt.s32 v3, $0x61A7;
	vm1 =	vgt.s32 v3, $0xC34F;
	vm2 =	vgt.s32 v3, $0x124F7  }
0x13c: {  	v4 =	vsel vm0, $0x1, v0;
	v5 =	vsel vm1, $0x1, v0  }
0x13d: {  	v4 =	vadd.s32 v5, v4;
	v5 =	vsel vm2, $0x1, v0  }
0x13e: {  	v4 =	vadd.s32 v5, v4  }
0x13f: {  	v5 =	vmul.u32 $0x3FFF9E58, v4  }
0x140: {  	v6 =	vor.u32 $0x8, v2  }
0x141: {  	v3 =	vadd.s32 v3, v5  }
0x142: {  	v3 =	vshll.u32 v3, $0x2  }
0x143: {  	v3 =	vadd.s32 v4, v3  }
0x144: {  	[tilespmem:s20+$0xFFFFFE00] =	vst v3  }
0x145: {  	v3 =	vld.idx.msk [tilespmem:v6+s17+$0x0], $0xffff;
	_ =	sdelay $0x5  }
0x146: {  	vm0 =	vgt.s32 v3, $0x61A7;
	vm1 =	vgt.s32 v3, $0xC34F;
	vm2 =	vgt.s32 v3, $0x124F7  }
0x147: {  	v4 =	vsel vm0, $0x1, v0;
	v5 =	vsel vm1, $0x1, v0  }
0x148: {  	v4 =	vadd.s32 v5, v4;
	v5 =	vsel vm2, $0x1, v0  }
0x149: {  	v4 =	vadd.s32 v5, v4  }
0x14a: {  	v5 =	vmul.u32 $0x3FFF9E58, v4  }
0x14b: {  	v6 =	vor.u32 $0x9, v2  }
0x14c: {  	v3 =	vadd.s32 v3, v5  }
0x14d: {  	v3 =	vshll.u32 v3, $0x2  }
0x14e: {  	v3 =	vadd.s32 v4, v3  }
0x14f: {  	[tilespmem:s20+$0x0] =	vst v3  }
0x150: {  	v3 =	vld.idx.msk [tilespmem:v6+s17+$0x0], $0xffff;
	_ =	sdelay $0x5  }
0x151: {  	vm0 =	vgt.s32 v3, $0x61A7;
	vm1 =	vgt.s32 v3, $0xC34F;
	vm2 =	vgt.s32 v3, $0x124F7  }
0x152: {  	v4 =	vsel vm0, $0x1, v0;
	v5 =	vsel vm1, $0x1, v0  }
0x153: {  	v4 =	vadd.s32 v5, v4;
	v5 =	vsel vm2, $0x1, v0  }
0x154: {  	v4 =	vadd.s32 v5, v4  }
0x155: {  	v5 =	vmul.u32 $0x3FFF9E58, v4  }
0x156: {  	v6 =	vor.u32 $0xA, v2  }
0x157: {  	v3 =	vadd.s32 v3, v5  }
0x158: {  	v3 =	vshll.u32 v3, $0x2  }
0x159: {  	v3 =	vadd.s32 v4, v3  }
0x15a: {  	[tilespmem:s20+$0x200] =	vst v3  }
0x15b: {  	v3 =	vld.idx.msk [tilespmem:v6+s17+$0x0], $0xffff;
	_ =	sdelay $0x5  }
0x15c: {  	vm0 =	vgt.s32 v3, $0x61A7;
	vm1 =	vgt.s32 v3, $0xC34F;
	vm2 =	vgt.s32 v3, $0x124F7  }
0x15d: {  	v4 =	vsel vm0, $0x1, v0;
	v5 =	vsel vm1, $0x1, v0  }
0x15e: {  	v4 =	vadd.s32 v5, v4;
	v5 =	vsel vm2, $0x1, v0  }
0x15f: {  	v4 =	vadd.s32 v5, v4  }
0x160: {  	v5 =	vmul.u32 $0x3FFF9E58, v4  }
0x161: {  	v6 =	vor.u32 $0xB, v2  }
0x162: {  	v3 =	vadd.s32 v3, v5  }
0x163: {  	v3 =	vshll.u32 v3, $0x2  }
0x164: {  	v3 =	vadd.s32 v4, v3  }
0x165: {  	[tilespmem:s20+$0x400] =	vst v3  }
0x166: {  	v3 =	vld.idx.msk [tilespmem:v6+s17+$0x0], $0xffff;
	_ =	sdelay $0x5  }
0x167: {  	vm0 =	vgt.s32 v3, $0x61A7;
	vm1 =	vgt.s32 v3, $0xC34F;
	vm2 =	vgt.s32 v3, $0x124F7  }
0x168: {  	v4 =	vsel vm0, $0x1, v0;
	v5 =	vsel vm1, $0x1, v0  }
0x169: {  	v4 =	vadd.s32 v5, v4;
	v5 =	vsel vm2, $0x1, v0  }
0x16a: {  	v4 =	vadd.s32 v5, v4  }
0x16b: {  	v5 =	vmul.u32 $0x3FFF9E58, v4  }
0x16c: {  	v6 =	vor.u32 $0xC, v2  }
0x16d: {  	v3 =	vadd.s32 v3, v5  }
0x16e: {  	v3 =	vshll.u32 v3, $0x2  }
0x16f: {  	v3 =	vadd.s32 v4, v3  }
0x170: {  	[tilespmem:s20+$0x600] =	vst v3  }
0x171: {  	v3 =	vld.idx.msk [tilespmem:v6+s17+$0x0], $0xffff;
	_ =	sdelay $0x5  }
0x172: {  	vm0 =	vgt.s32 v3, $0x61A7;
	vm1 =	vgt.s32 v3, $0xC34F;
	vm2 =	vgt.s32 v3, $0x124F7  }
0x173: {  	v4 =	vsel vm0, $0x1, v0;
	v5 =	vsel vm1, $0x1, v0  }
0x174: {  	v4 =	vadd.s32 v5, v4;
	v5 =	vsel vm2, $0x1, v0  }
0x175: {  	v4 =	vadd.s32 v5, v4  }
0x176: {  	v5 =	vmul.u32 $0x3FFF9E58, v4  }
0x177: {  	v6 =	vor.u32 $0xD, v2  }
0x178: {  	v3 =	vadd.s32 v3, v5  }
0x179: {  	v3 =	vshll.u32 v3, $0x2  }
0x17a: {  	v3 =	vadd.s32 v4, v3  }
0x17b: {  	[tilespmem:s20+$0x800] =	vst v3  }
0x17c: {  	v3 =	vld.idx.msk [tilespmem:v6+s17+$0x0], $0xffff;
	_ =	sdelay $0x5  }
0x17d: {  	vm0 =	vgt.s32 v3, $0x61A7;
	vm1 =	vgt.s32 v3, $0xC34F;
	vm2 =	vgt.s32 v3, $0x124F7  }
0x17e: {  	v4 =	vsel vm0, $0x1, v0;
	v5 =	vsel vm1, $0x1, v0  }
0x17f: {  	v4 =	vadd.s32 v5, v4;
	v5 =	vsel vm2, $0x1, v0  }
0x180: {  	v4 =	vadd.s32 v5, v4  }
0x181: {  	v5 =	vmul.u32 $0x3FFF9E58, v4  }
0x182: {  	v6 =	vor.u32 $0xE, v2  }
0x183: {  	v3 =	vadd.s32 v3, v5  }
0x184: {  	v3 =	vshll.u32 v3, $0x2  }
0x185: {  	v3 =	vadd.s32 v4, v3  }
0x186: {  	[tilespmem:s20+$0xA00] =	vst v3  }
0x187: {  	v3 =	vld.idx.msk [tilespmem:v6+s17+$0x0], $0xffff;
	_ =	sdelay $0x5  }
0x188: {  	vm0 =	vgt.s32 v3, $0x61A7;
	vm1 =	vgt.s32 v3, $0xC34F;
	vm2 =	vgt.s32 v3, $0x124F7  }
0x189: {  	v4 =	vsel vm0, $0x1, v0;
	v5 =	vsel vm1, $0x1, v0  }
0x18a: {  	v4 =	vadd.s32 v5, v4;
	v5 =	vsel vm2, $0x1, v0  }
0x18b: {  	v4 =	vadd.s32 v5, v4  }
0x18c: {  	v5 =	vmul.u32 $0x3FFF9E58, v4  }
0x18d: {  	v2 =	vor.u32 $0xF, v2  }
0x18e: {  	v3 =	vadd.s32 v3, v5  }
0x18f: {  	v3 =	vshll.u32 v3, $0x2  }
0x190: {  	v3 =	vadd.s32 v4, v3  }
0x191: {  	[tilespmem:s20+$0xC00] =	vst v3  }
0x192: {  	v3 =	vld.idx.msk [tilespmem:v2+s17+$0x0], $0xffff;
	_ =	sdelay $0x5  }
0x193: {  	vm0 =	vgt.s32 v3, $0x61A7;
	vm1 =	vgt.s32 v3, $0xC34F;
	vm2 =	vgt.s32 v3, $0x124F7  }
0x194: {  	v2 =	vsel vm0, $0x1, v0;
	v4 =	vsel vm1, $0x1, v0  }
0x195: {  	v2 =	vadd.s32 v4, v2;
	v4 =	vsel vm2, $0x1, v0  }
0x196: {  	v5 =	vmov s22;
	v4 =	vadd.s32 v4, v2  }
.Ltmp1:
0x197: {  	v2 =	vshll.u32 v5, $0x4;
	v5 =	vmul.u32 $0x3FFF9E58, v4;
	(pc) =	sbr.rel @p0 .LBB2_4-.Ltmp1, $4  }
0x198: {  	v2 =	vor.u32 v1, v2  }
0x199: {  	v3 =	vadd.s32 v3, v5  }
0x19a: {  	v3 =	vshll.u32 v3, $0x2  }
0x19b: {  	v3 =	vadd.s32 v4, v3  }
0x19c: {  	_ =	sdelay $0x2  }
0x19d: {  	[tilespmem:s20+$0xE00] =	vst v3  }
0x19e: {  	v3 =	vld.idx.msk [tilespmem:v2+s17+$0x0], $0xffff;
	_ =	sdelay $0x4  }
0x19f: {  	vm0 =	vgt.s32 v3, $0x61A7;
	vm1 =	vgt.s32 v3, $0xC34F  }
0x1a0: {  	vm2 =	vgt.s32 v3, $0x124F7;
	v4 =	vsel vm0, $0x1, v0;
	v5 =	vsel vm1, $0x1, v0  }
0x1a1: {  	v62 =	vsel vm2, $0x1, v0;
	v4 =	vadd.s32 v5, v4  }
0x1a2: {  	v4 =	vadd.s32 v62, v4  }
0x1a3: {  	v5 =	vmul.u32 $0x3FFF9E58, v4  }
0x1a4: {  	v6 =	vor.u32 $0x1, v2  }
0x1a5: {  	v3 =	vadd.s32 v3, v5  }
0x1a6: {  	v3 =	vshll.u32 v3, $0x2  }
0x1a7: {  	s24 =	sadd.s32 $0x10, s20;
	v3 =	vadd.s32 v4, v3  }
0x1a8: {  	[tilespmem:s24+$0xFFFFF000] =	vst v3  }
0x1a9: {  	v3 =	vld.idx.msk [tilespmem:v6+s17+$0x0], $0xffff;
	_ =	sdelay $0x4  }
0x1aa: {  	vm7 =	vgt.s32 v3, $0x61A7;
	vm8 =	vgt.s32 v3, $0xC34F  }
0x1ab: {  	vm9 =	vgt.s32 v3, $0x124F7;
	v63 =	vsel vm7, $0x1, v0;
	v8 =	vsel vm8, $0x1, v0  }
0x1ac: {  	v9 =	vsel vm9, $0x1, v0;
	v4 =	vadd.s32 v8, v63  }
0x1ad: {  	v4 =	vadd.s32 v9, v4  }
0x1ae: {  	v5 =	vmul.u32 $0x3FFF9E58, v4  }
0x1af: {  	v10 =	vor.u32 $0x2, v2  }
0x1b0: {  	v3 =	vadd.s32 v3, v5  }
0x1b1: {  	v3 =	vshll.u32 v3, $0x2  }
0x1b2: {  	v3 =	vadd.s32 v4, v3  }
0x1b3: {  	[tilespmem:s24+$0xFFFFF200] =	vst v3  }
0x1b4: {  	v3 =	vld.idx.msk [tilespmem:v10+s17+$0x0], $0xffff;
	_ =	sdelay $0x4  }
0x1b5: {  	vm10 =	vgt.s32 v3, $0x61A7;
	vm11 =	vgt.s32 v3, $0xC34F  }
0x1b6: {  	vm12 =	vgt.s32 v3, $0x124F7;
	v11 =	vsel vm10, $0x1, v0;
	v12 =	vsel vm11, $0x1, v0  }
0x1b7: {  	v13 =	vsel vm12, $0x1, v0;
	v4 =	vadd.s32 v12, v11  }
0x1b8: {  	v4 =	vadd.s32 v13, v4  }
0x1b9: {  	v5 =	vmul.u32 $0x3FFF9E58, v4  }
0x1ba: {  	v14 =	vor.u32 $0x3, v2  }
0x1bb: {  	v3 =	vadd.s32 v3, v5  }
0x1bc: {  	v3 =	vshll.u32 v3, $0x2  }
0x1bd: {  	v3 =	vadd.s32 v4, v3  }
0x1be: {  	[tilespmem:s24+$0xFFFFF400] =	vst v3  }
0x1bf: {  	v3 =	vld.idx.msk [tilespmem:v14+s17+$0x0], $0xffff;
	_ =	sdelay $0x4  }
0x1c0: {  	vm13 =	vgt.s32 v3, $0x61A7;
	vm14 =	vgt.s32 v3, $0xC34F  }
0x1c1: {  	vm15 =	vgt.s32 v3, $0x124F7;
	v15 =	vsel vm13, $0x1, v0;
	v16 =	vsel vm14, $0x1, v0  }
0x1c2: {  	v17 =	vsel vm15, $0x1, v0;
	v4 =	vadd.s32 v16, v15  }
0x1c3: {  	v4 =	vadd.s32 v17, v4  }
0x1c4: {  	v5 =	vmul.u32 $0x3FFF9E58, v4  }
0x1c5: {  	v18 =	vor.u32 $0x4, v2  }
0x1c6: {  	v3 =	vadd.s32 v3, v5  }
0x1c7: {  	v3 =	vshll.u32 v3, $0x2  }
0x1c8: {  	v3 =	vadd.s32 v4, v3  }
0x1c9: {  	[tilespmem:s24+$0xFFFFF600] =	vst v3  }
0x1ca: {  	v3 =	vld.idx.msk [tilespmem:v18+s17+$0x0], $0xffff;
	_ =	sdelay $0x4  }
0x1cb: {  	vm4 =	vgt.s32 v3, $0x61A7;
	vm5 =	vgt.s32 v3, $0xC34F  }
0x1cc: {  	vm6 =	vgt.s32 v3, $0x124F7;
	v19 =	vsel vm4, $0x1, v0;
	v20 =	vsel vm5, $0x1, v0  }
0x1cd: {  	v21 =	vsel vm6, $0x1, v0;
	v4 =	vadd.s32 v20, v19  }
0x1ce: {  	v4 =	vadd.s32 v21, v4  }
0x1cf: {  	v5 =	vmul.u32 $0x3FFF9E58, v4  }
0x1d0: {  	v22 =	vor.u32 $0x5, v2  }
0x1d1: {  	v3 =	vadd.s32 v3, v5  }
0x1d2: {  	v3 =	vshll.u32 v3, $0x2  }
0x1d3: {  	v3 =	vadd.s32 v4, v3  }
0x1d4: {  	[tilespmem:s24+$0xFFFFF800] =	vst v3  }
0x1d5: {  	v3 =	vld.idx.msk [tilespmem:v22+s17+$0x0], $0xffff;
	_ =	sdelay $0x4  }
0x1d6: {  	vm7 =	vgt.s32 v3, $0x61A7;
	vm8 =	vgt.s32 v3, $0xC34F  }
0x1d7: {  	vm9 =	vgt.s32 v3, $0x124F7;
	v23 =	vsel vm7, $0x1, v0;
	v24 =	vsel vm8, $0x1, v0  }
0x1d8: {  	v25 =	vsel vm9, $0x1, v0;
	v4 =	vadd.s32 v24, v23  }
0x1d9: {  	v4 =	vadd.s32 v25, v4  }
0x1da: {  	v5 =	vmul.u32 $0x3FFF9E58, v4  }
0x1db: {  	v26 =	vor.u32 $0x6, v2  }
0x1dc: {  	v3 =	vadd.s32 v3, v5  }
0x1dd: {  	v3 =	vshll.u32 v3, $0x2  }
0x1de: {  	v3 =	vadd.s32 v4, v3  }
0x1df: {  	[tilespmem:s24+$0xFFFFFA00] =	vst v3  }
0x1e0: {  	v3 =	vld.idx.msk [tilespmem:v26+s17+$0x0], $0xffff;
	_ =	sdelay $0x4  }
0x1e1: {  	vm10 =	vgt.s32 v3, $0x61A7;
	vm11 =	vgt.s32 v3, $0xC34F  }
0x1e2: {  	vm12 =	vgt.s32 v3, $0x124F7;
	v27 =	vsel vm10, $0x1, v0;
	v28 =	vsel vm11, $0x1, v0  }
0x1e3: {  	v29 =	vsel vm12, $0x1, v0;
	v4 =	vadd.s32 v28, v27  }
0x1e4: {  	v4 =	vadd.s32 v29, v4  }
0x1e5: {  	v5 =	vmul.u32 $0x3FFF9E58, v4  }
0x1e6: {  	v30 =	vor.u32 $0x7, v2  }
0x1e7: {  	v3 =	vadd.s32 v3, v5  }
0x1e8: {  	v3 =	vshll.u32 v3, $0x2  }
0x1e9: {  	v3 =	vadd.s32 v4, v3  }
0x1ea: {  	[tilespmem:s24+$0xFFFFFC00] =	vst v3  }
0x1eb: {  	v3 =	vld.idx.msk [tilespmem:v30+s17+$0x0], $0xffff;
	_ =	sdelay $0x4  }
0x1ec: {  	vm13 =	vgt.s32 v3, $0x61A7;
	vm14 =	vgt.s32 v3, $0xC34F  }
0x1ed: {  	vm15 =	vgt.s32 v3, $0x124F7;
	v31 =	vsel vm13, $0x1, v0;
	v32 =	vsel vm14, $0x1, v0  }
0x1ee: {  	v33 =	vsel vm15, $0x1, v0;
	v4 =	vadd.s32 v32, v31  }
0x1ef: {  	v4 =	vadd.s32 v33, v4  }
0x1f0: {  	v5 =	vmul.u32 $0x3FFF9E58, v4  }
0x1f1: {  	v34 =	vor.u32 $0x8, v2  }
0x1f2: {  	v3 =	vadd.s32 v3, v5  }
0x1f3: {  	v3 =	vshll.u32 v3, $0x2  }
0x1f4: {  	v3 =	vadd.s32 v4, v3  }
0x1f5: {  	[tilespmem:s24+$0xFFFFFE00] =	vst v3  }
0x1f6: {  	v3 =	vld.idx.msk [tilespmem:v34+s17+$0x0], $0xffff;
	_ =	sdelay $0x4  }
0x1f7: {  	vm4 =	vgt.s32 v3, $0x61A7;
	vm5 =	vgt.s32 v3, $0xC34F  }
0x1f8: {  	vm6 =	vgt.s32 v3, $0x124F7;
	v35 =	vsel vm4, $0x1, v0;
	v36 =	vsel vm5, $0x1, v0  }
0x1f9: {  	v37 =	vsel vm6, $0x1, v0;
	v4 =	vadd.s32 v36, v35  }
0x1fa: {  	v4 =	vadd.s32 v37, v4  }
0x1fb: {  	v5 =	vmul.u32 $0x3FFF9E58, v4  }
0x1fc: {  	v38 =	vor.u32 $0x9, v2  }
0x1fd: {  	v3 =	vadd.s32 v3, v5  }
0x1fe: {  	v3 =	vshll.u32 v3, $0x2  }
0x1ff: {  	v3 =	vadd.s32 v4, v3  }
0x200: {  	[tilespmem:s24+$0x0] =	vst v3  }
0x201: {  	v3 =	vld.idx.msk [tilespmem:v38+s17+$0x0], $0xffff;
	_ =	sdelay $0x4  }
0x202: {  	vm7 =	vgt.s32 v3, $0x61A7;
	vm8 =	vgt.s32 v3, $0xC34F  }
0x203: {  	vm9 =	vgt.s32 v3, $0x124F7;
	v39 =	vsel vm7, $0x1, v0;
	v40 =	vsel vm8, $0x1, v0  }
0x204: {  	v41 =	vsel vm9, $0x1, v0;
	v4 =	vadd.s32 v40, v39  }
0x205: {  	v4 =	vadd.s32 v41, v4  }
0x206: {  	v5 =	vmul.u32 $0x3FFF9E58, v4  }
0x207: {  	v42 =	vor.u32 $0xA, v2  }
0x208: {  	v3 =	vadd.s32 v3, v5  }
0x209: {  	v3 =	vshll.u32 v3, $0x2  }
0x20a: {  	v3 =	vadd.s32 v4, v3  }
0x20b: {  	[tilespmem:s24+$0x200] =	vst v3  }
0x20c: {  	v3 =	vld.idx.msk [tilespmem:v42+s17+$0x0], $0xffff;
	_ =	sdelay $0x4  }
0x20d: {  	vm10 =	vgt.s32 v3, $0x61A7;
	vm11 =	vgt.s32 v3, $0xC34F  }
0x20e: {  	vm12 =	vgt.s32 v3, $0x124F7;
	v43 =	vsel vm10, $0x1, v0;
	v44 =	vsel vm11, $0x1, v0  }
0x20f: {  	v45 =	vsel vm12, $0x1, v0;
	v4 =	vadd.s32 v44, v43  }
0x210: {  	v4 =	vadd.s32 v45, v4  }
0x211: {  	v5 =	vmul.u32 $0x3FFF9E58, v4  }
0x212: {  	v46 =	vor.u32 $0xB, v2  }
0x213: {  	v3 =	vadd.s32 v3, v5  }
0x214: {  	v3 =	vshll.u32 v3, $0x2  }
0x215: {  	v3 =	vadd.s32 v4, v3  }
0x216: {  	[tilespmem:s24+$0x400] =	vst v3  }
0x217: {  	v3 =	vld.idx.msk [tilespmem:v46+s17+$0x0], $0xffff;
	_ =	sdelay $0x4  }
0x218: {  	vm13 =	vgt.s32 v3, $0x61A7;
	vm14 =	vgt.s32 v3, $0xC34F  }
0x219: {  	vm15 =	vgt.s32 v3, $0x124F7;
	v47 =	vsel vm13, $0x1, v0;
	v48 =	vsel vm14, $0x1, v0  }
0x21a: {  	v49 =	vsel vm15, $0x1, v0;
	v4 =	vadd.s32 v48, v47  }
0x21b: {  	v4 =	vadd.s32 v49, v4  }
0x21c: {  	v5 =	vmul.u32 $0x3FFF9E58, v4  }
0x21d: {  	v50 =	vor.u32 $0xC, v2  }
0x21e: {  	v3 =	vadd.s32 v3, v5  }
0x21f: {  	v3 =	vshll.u32 v3, $0x2  }
0x220: {  	v3 =	vadd.s32 v4, v3  }
0x221: {  	[tilespmem:s24+$0x600] =	vst v3  }
0x222: {  	v3 =	vld.idx.msk [tilespmem:v50+s17+$0x0], $0xffff;
	_ =	sdelay $0x4  }
0x223: {  	vm4 =	vgt.s32 v3, $0x61A7;
	vm5 =	vgt.s32 v3, $0xC34F  }
0x224: {  	vm6 =	vgt.s32 v3, $0x124F7;
	v51 =	vsel vm4, $0x1, v0;
	v52 =	vsel vm5, $0x1, v0  }
0x225: {  	v53 =	vsel vm6, $0x1, v0;
	v4 =	vadd.s32 v52, v51  }
0x226: {  	v4 =	vadd.s32 v53, v4  }
0x227: {  	v5 =	vmul.u32 $0x3FFF9E58, v4  }
0x228: {  	v54 =	vor.u32 $0xD, v2  }
0x229: {  	v3 =	vadd.s32 v3, v5  }
0x22a: {  	v3 =	vshll.u32 v3, $0x2  }
0x22b: {  	v3 =	vadd.s32 v4, v3  }
0x22c: {  	[tilespmem:s24+$0x800] =	vst v3  }
0x22d: {  	v3 =	vld.idx.msk [tilespmem:v54+s17+$0x0], $0xffff;
	_ =	sdelay $0x4  }
0x22e: {  	vm7 =	vgt.s32 v3, $0x61A7;
	vm8 =	vgt.s32 v3, $0xC34F  }
0x22f: {  	vm9 =	vgt.s32 v3, $0x124F7;
	v55 =	vsel vm7, $0x1, v0;
	v56 =	vsel vm8, $0x1, v0  }
0x230: {  	v57 =	vsel vm9, $0x1, v0;
	v4 =	vadd.s32 v56, v55  }
0x231: {  	v4 =	vadd.s32 v57, v4  }
0x232: {  	v5 =	vmul.u32 $0x3FFF9E58, v4  }
0x233: {  	v58 =	vor.u32 $0xE, v2  }
0x234: {  	v3 =	vadd.s32 v3, v5  }
0x235: {  	v3 =	vshll.u32 v3, $0x2  }
0x236: {  	v3 =	vadd.s32 v4, v3  }
0x237: {  	[tilespmem:s24+$0xA00] =	vst v3  }
0x238: {  	v3 =	vld.idx.msk [tilespmem:v58+s17+$0x0], $0xffff;
	_ =	sdelay $0x4  }
0x239: {  	vm10 =	vgt.s32 v3, $0x61A7;
	vm11 =	vgt.s32 v3, $0xC34F  }
0x23a: {  	vm12 =	vgt.s32 v3, $0x124F7;
	v59 =	vsel vm10, $0x1, v0;
	v60 =	vsel vm11, $0x1, v0  }
0x23b: {  	v61 =	vsel vm12, $0x1, v0;
	v4 =	vadd.s32 v60, v59  }
0x23c: {  	v4 =	vadd.s32 v61, v4  }
0x23d: {  	v5 =	vmul.u32 $0x3FFF9E58, v4  }
0x23e: {  	v2 =	vor.u32 $0xF, v2  }
0x23f: {  	v3 =	vadd.s32 v3, v5  }
0x240: {  	v3 =	vshll.u32 v3, $0x2  }
0x241: {  	v3 =	vadd.s32 v4, v3  }
0x242: {  	[tilespmem:s24+$0xC00] =	vst v3  }
0x243: {  	v2 =	vld.idx.msk [tilespmem:v2+s17+$0x0], $0xffff;
	_ =	sdelay $0x4  }
0x244: {  	vm13 =	vgt.s32 v2, $0x61A7;
	vm14 =	vgt.s32 v2, $0xC34F  }
0x245: {  	vm15 =	vgt.s32 v2, $0x124F7;
	v3 =	vsel vm13, $0x1, v0;
	v62 =	vsel vm14, $0x1, v0  }
0x246: {  	v63 =	vsel vm15, $0x1, v0;
	v3 =	vadd.s32 v62, v3  }
0x247: {  	v3 =	vadd.s32 v63, v3  }
0x248: {  	v4 =	vmul.u32 $0x3FFF9E58, v3;
	_ =	sdelay $0x1  }
0x249: {  	v2 =	vadd.s32 v2, v4  }
0x24a: {  	v2 =	vshll.u32 v2, $0x2  }
0x24b: {  	v2 =	vadd.s32 v3, v2  }
0x24c: {  	s0 =	simm.s32 $0x200;
	[tilespmem:s24+$0xE00] =	vst v2  }
0x24d: {  	[tilespmem:s25], [sflag:$0x2] =	stream.indirect.gather [hbm4b:s4+s16], $0x20, s0, s16, $0xb8;
	[tilespmem:$0x6400] =	vst v63  }
0x24e: {  	s26 =	simm.s32 $0x280  }
0x24f: {  	[tilespmem:s28], [sflag:$0x3] =	stream.indirect.gather [hbm4b:s4+s16], $0x20, s26, s16, $0xb8;
	[tilespmem:$0x6400] =	vst v63  }
0x250: {  	_ =	swait.ge [sflag:s29], $0x1000  }
0x251: {  	[sflag:s29] =	ssyncset.done $0x0  }
0x252: {  	s2 =	simm.s32 $0x0;
	[sflag:s29] =	ssyncadd.s32 $0xFFFFF000  }
0x253: {  	[hbm4b:s8+s2] =	stream.linear.scatter [tilespmem:s25], [sflag:$0x4], $0x1000, $0x38;
	[tilespmem:$0x6400] =	vst v63  }
0x254: {  	_ =	swait.ge [sflag:s15], $0x1000  }
0x255: {  	[sflag:s15] =	ssyncset.done $0x0  }
0x256: {  	s18 =	simm.s32 $0x300;
	[sflag:s15] =	ssyncadd.s32 $0xFFFFF000  }
0x257: {  	[tilespmem:s25], [sflag:$0x2] =	stream.indirect.gather [hbm4b:s4+s16], $0x20, s18, s16, $0xb8;
	[tilespmem:$0x6400] =	vst v63  }
0x258: {  	_ =	swait.ge [sflag:s31], $0x1000  }
0x259: {  	[sflag:s31] =	ssyncset.done $0x0  }
0x25a: {  	[sflag:s31] =	ssyncadd.s32 $0xFFFFF000  }
0x25b: {  	[hbm4b:s9+s2] =	stream.linear.scatter [tilespmem:s28], [sflag:$0x4], $0x1000, $0x38;
	[tilespmem:$0x6400] =	vst v63  }
0x25c: {  	_ =	swait.ge [sflag:s15], $0x1000  }
0x25d: {  	[sflag:s15] =	ssyncset.done $0x0  }
0x25e: {  	s21 =	simm.s32 $0x380;
	[sflag:s15] =	ssyncadd.s32 $0xFFFFF000  }
0x25f: {  	[tilespmem:s28], [sflag:$0x3] =	stream.indirect.gather [hbm4b:s4+s16], $0x20, s21, s16, $0xb8;
	[tilespmem:$0x6400] =	vst v63  }
0x260: {  	_ =	swait.ge [sflag:s29], $0x1000  }
0x261: {  	[sflag:s29] =	ssyncset.done $0x0  }
0x262: {  	[sflag:s29] =	ssyncadd.s32 $0xFFFFF000  }
0x263: {  	[hbm4b:s10+s2] =	stream.linear.scatter [tilespmem:s25], [sflag:$0x4], $0x1000, $0x38;
	[tilespmem:$0x6400] =	vst v63  }
0x264: {  	_ =	swait.ge [sflag:s15], $0x1000  }
0x265: {  	[sflag:s15] =	ssyncset.done $0x0  }
0x266: {  	s22 =	simm.s32 $0x2400;
	[sflag:s15] =	ssyncadd.s32 $0xFFFFF000  }
0x267: {  	[tilespmem:s25], [sflag:$0x2] =	stream.indirect.gather [hbm4b:s4+s16], $0x20, s22, s16, $0xb8;
	[tilespmem:$0x6400] =	vst v63  }
0x268: {  	_ =	swait.ge [sflag:s31], $0x1000  }
0x269: {  	[sflag:s31] =	ssyncset.done $0x0  }
0x26a: {  	[sflag:s31] =	ssyncadd.s32 $0xFFFFF000  }
0x26b: {  	[hbm4b:s11+s2] =	stream.linear.scatter [tilespmem:s28], [sflag:$0x4], $0x1000, $0x38;
	[tilespmem:$0x6400] =	vst v63  }
0x26c: {  	_ =	swait.ge [sflag:s15], $0x1000  }
0x26d: {  	[sflag:s15] =	ssyncset.done $0x0  }
0x26e: {  	s24 =	simm.s32 $0x2480;
	s21 =	sand.u32 $0x100, s2;
	[sflag:s15] =	ssyncadd.s32 $0xFFFFF000  }
0x26f: {  	[tilespmem:s28], [sflag:$0x3] =	stream.indirect.gather [hbm4b:s4+s16], $0x20, s24, s16, $0xb8;
	[tilespmem:$0x6400] =	vst v63  }
0x270: {  	s20 =	sand.u32 $0xF0000, s2;
	s21 =	sor.u32 s6, s21;
	_ =	swait.ge [sflag:s29], $0x1000  }
0x271: {  	s20 =	sadd.s32 s5, s20;
	s21 =	sshll.u32 s21, $0x2;
	[sflag:s29] =	ssyncset.done $0x0  }
0x272: {  	s20 =	sadd.s32 s21, s20;
	[sflag:s29] =	ssyncadd.s32 $0xFFFFF000  }
0x273: {  	[hbm4b:s20+s1] =	stream.linear.scatter [tilespmem:s25], [sflag:$0x4], $0x1000, $0x38;
	[tilespmem:$0x6400] =	vst v63  }
0x274: {  	_ =	swait.ge [sflag:s15], $0x1000  }
0x275: {  	[sflag:s15] =	ssyncset.done $0x0  }
0x276: {  	s26 =	simm.s32 $0x2500;
	[sflag:s15] =	ssyncadd.s32 $0xFFFFF000  }
0x277: {  	[tilespmem:s25], [sflag:$0x2] =	stream.indirect.gather [hbm4b:s4+s16], $0x20, s26, s16, $0xb8;
	[tilespmem:$0x6400] =	vst v63  }
0x278: {  	_ =	swait.ge [sflag:s31], $0x1000  }
0x279: {  	s21 =	simm.s32 $0x2580;
	[sflag:s31] =	ssyncset.done $0x0  }
0x27a: {  	s22 =	simm.s32 $0x100;
	s20 =	sadd.s32 $0x200, s20;
	[sflag:s31] =	ssyncadd.s32 $0xFFFFF000  }
0x27b: {  	[hbm4b:s20+s1] =	stream.linear.scatter [tilespmem:s28], [sflag:$0x4], $0x1000, $0x38;
	[tilespmem:$0x6400] =	vst v63  }
0x27c: {  	s22 =	sand.u32 $0x100, s22;
	s24 =	simm.s32 $0x8000;
	_ =	swait.ge [sflag:s15], $0x1000  }
0x27d: {  	s30 =	sand.u32 $0xF0000, s24;
	s24 =	simm.s32 $0x200;
	[sflag:s15] =	ssyncset.done $0x0  }
0x27e: {  	s26 =	simm.s32 $0x10000;
	s20 =	simm.s32 $0x2680;
	[sflag:s15] =	ssyncadd.s32 $0xFFFFF000  }
.LBB2_6:
0x27f: {  	[tilespmem:s28], [sflag:$0x3] =	stream.indirect.gather [hbm4b:s4+s16], $0x20, s21, s16, $0xb8;
	[tilespmem:$0x6400] =	vst v63  }
0x280: {  	s0 =	smov.u32 s26;
	s21 =	smov.u32 s20  }
0x281: {  	s2 =	sor.u32 s6, s22;
	s22 =	sand.u32 $0x100, s24;
	_ =	swait.ge [sflag:s29], $0x1000  }
0x282: {  	s30 =	sadd.s32 s5, s30;
	s2 =	sshll.u32 s2, $0x2;
	[sflag:s29] =	ssyncset.done $0x0  }
0x283: {  	s18 =	sadd.s32 $0x8000, s26;
	s2 =	sadd.s32 s2, s30;
	[sflag:s29] =	ssyncadd.s32 $0xFFFFF000  }
0x284: {  	[hbm4b:s2+s1] =	stream.linear.scatter [tilespmem:s25], [sflag:$0x4], $0x1000, $0x38;
	[tilespmem:$0x6400] =	vst v63  }
0x285: {  	p0 =	sne.s32 s26, $0xF0000;
	_ =	swait.ge [sflag:s15], $0x1000  }
0x286: {  	[sflag:s15] =	ssyncset.done $0x0  }
0x287: {  	s26 =	sadd.s32 $0xFFFFFF80, s20;
	[sflag:s15] =	ssyncadd.s32 $0xFFFFF000  }
0x288: {  	[tilespmem:s25], [sflag:$0x2] =	stream.indirect.gather [hbm4b:s4+s16], $0x20, s26, s16, $0xb8;
	[tilespmem:$0x6400] =	vst v63  }
0x289: {  	_ =	swait.ge [sflag:s31], $0x1000  }
0x28a: {  	[sflag:s31] =	ssyncset.done $0x0  }
.Ltmp2:
0x28b: {  	s2 =	sadd.s32 $0x200, s2;
	[sflag:s31] =	ssyncadd.s32 $0xFFFFF000;
	(pc) =	sbr.rel @p0 .LBB2_6-.Ltmp2, $4  }
0x28c: {  	[hbm4b:s2+s1] =	stream.linear.scatter [tilespmem:s28], [sflag:$0x4], $0x1000, $0x38;
	[tilespmem:$0x6400] =	vst v63  }
0x28d: {  	_ =	swait.ge [sflag:s15], $0x1000  }
0x28e: {  	s20 =	sadd.s32 $0x100, s20;
	s24 =	sadd.s32 $0x100, s24;
	[sflag:s15] =	ssyncset.done $0x0  }
0x28f: {  	s30 =	sand.u32 $0xF0000, s0;
	s26 =	smov.u32 s18;
	[sflag:s15] =	ssyncadd.s32 $0xFFFFF000  }
0x290: {  	[tilespmem:s28], [sflag:$0x3] =	stream.indirect.gather [hbm4b:s4+s16], $0x20, s21, s16, $0xb8;
	[tilespmem:$0x6400] =	vst v63  }
0x291: {  	s0 =	sor.u32 s6, s22;
	_ =	swait.ge [sflag:s29], $0x1000  }
0x292: {  	s2 =	sadd.s32 s5, s30;
	s0 =	sshll.u32 s0, $0x2;
	[sflag:s29] =	ssyncset.done $0x0  }
0x293: {  	s0 =	sadd.s32 s0, s2;
	[sflag:s29] =	ssyncadd.s32 $0xFFFFF000  }
0x294: {  	[hbm4b:s0+s1] =	stream.linear.scatter [tilespmem:s25], [sflag:$0x4], $0x1000, $0x38;
	[tilespmem:$0x6400] =	vst v63  }
0x295: {  	_ =	swait.ge [sflag:s15], $0x1000  }
0x296: {  	[sflag:s15] =	ssyncset.done $0x0  }
0x297: {  	s30 =	sadd.s32 $0xFFFFFF80, s20;
	[sflag:s15] =	ssyncadd.s32 $0xFFFFF000  }
0x298: {  	[tilespmem:s25], [sflag:$0x2] =	stream.indirect.gather [hbm4b:s4+s16], $0x20, s30, s16, $0xb8;
	[tilespmem:$0x6400] =	vst v63  }
0x299: {  	_ =	swait.ge [sflag:s31], $0x1000  }
0x29a: {  	[sflag:s31] =	ssyncset.done $0x0  }
0x29b: {  	s0 =	sadd.s32 $0x200, s0;
	[sflag:s31] =	ssyncadd.s32 $0xFFFFF000  }
0x29c: {  	[hbm4b:s0+s1] =	stream.linear.scatter [tilespmem:s28], [sflag:$0x4], $0x1000, $0x38;
	[tilespmem:$0x6400] =	vst v63  }
0x29d: {  	_ =	swait.ge [sflag:s15], $0x1000  }
0x29e: {  	[sflag:s15] =	ssyncset.done $0x0  }
0x29f: {  	[sflag:s15] =	ssyncadd.s32 $0xFFFFF000  }
0x2a0: {  	[tilespmem:s28], [sflag:$0x3] =	stream.indirect.gather [hbm4b:s4+s16], $0x20, s20, s16, $0xb8;
	[tilespmem:$0x6400] =	vst v63  }
0x2a1: {  	_ =	swait.ge [sflag:s29], $0x1000  }
0x2a2: {  	[sflag:s29] =	ssyncset.done $0x0  }
0x2a3: {  	[sflag:s29] =	ssyncadd.s32 $0xFFFFF000  }
0x2a4: {  	[hbm4b:s13+s1] =	stream.linear.scatter [tilespmem:s25], [sflag:$0x4], $0x1000, $0x38;
	[tilespmem:$0x6400] =	vst v63  }
0x2a5: {  	_ =	swait.ge [sflag:s15], $0x1000  }
0x2a6: {  	[sflag:s15] =	ssyncset.done $0x0  }
0x2a7: {  	[sflag:s15] =	ssyncadd.s32 $0xFFFFF000  }
0x2a8: {  	s19 =	sadd.s32 $0x1, s19;
	_ =	swait.ge [sflag:s31], $0x1000  }
0x2a9: {  	p0 =	sne.s32 s19, s12;
	[sflag:s31] =	ssyncset.done $0x0  }
.Ltmp3:
0x2aa: {  	[sflag:s31] =	ssyncadd.s32 $0xFFFFF000;
	(pc) =	sbr.rel @p0 .LBB2_1-.Ltmp3, $4  }
0x2ab: {  	[hbm4b:s14+s1] =	stream.linear.scatter [tilespmem:s28], [sflag:$0x4], $0x1000, $0x38;
	[tilespmem:$0x6400] =	vst v63  }
0x2ac: {  	_ =	swait.ge [sflag:s15], $0x1000  }
0x2ad: {  	[sflag:s15] =	ssyncset.done $0x0  }
0x2ae: {  	[sflag:s15] =	ssyncadd.s32 $0xFFFFF000  }
0x2af: {  	_ =	sfence.sel $0x180000  }
0x2b0: {  	[bflag:$0x0] =	sbarrier.arrive $0xFFFF  }
0x2b1: {  	_ =	strace $0x90000047  }
0x2b2: {  	s0 =	stileid.u32;
	[bflag:$0x2] =	sbarrier.arrive $0xFFFF  }
0x2b3: {  	p0 =	sne.s32 s0, $0x0;
	s0 =	rddreg [dreg:$0x3]  }
0x2b4: {  	s0 =	sadd.s32 @!p0 $0x100000, s0  }
0x2b5: {  	[sflag:s0] =	ssyncadd.tile.s32 @!p0 $0x1;
	_ =	shalt  }
.Lfunc_end2:
_tile_overlayer_lowered:
.L_overlay_start_2:
0x2b6: {  	(tag) =	ssettag $0x2  }
0x2b7: {  	s0 =	rddreg [dreg:$0x0];
	s2 =	stileid.u32  }
0x2b8: {  	s1 =	rddreg [dreg:$0x1];
	p0 =	sne.s32 s2, $0x0  }
0x2b9: {  	s3 =	rddreg [dreg:$0x2];
	[bflag:$0x3] =	sbarrier.arrive $0xFFFF;
	s2 =	simm.s32 @!p0 $0x1C04  }
0x2ba: {  	[timem:s3], [sflag:s2] =	dma.local @!p0 [hbm:s0], s1  }
0x2bb: {  	s0 =	simm.s32 @!p0 $0x4  }
0x2bc: {  	_ =	swait.ge @!p0 [sflag:s0], s1  }
0x2bd: {  	s1 =	ssub.s32 @!p0 $0x0, s1;
	[sflag:s0] =	ssyncset.done @!p0 $0x0  }
0x2be: {  	[sflag:s0] =	ssyncadd.s32 @!p0 s1  }
0x2bf: {  	[bflag:$0x3] =	sbarrier.arrive $0xFFFF  }
0x2c0: {  	_ =	shalt  }

</sc_bundles>
